<compile_context>
chip_gen: v7x
topology: tpu7x:2x2x1
jax: 0.10.2.dev20260603
libtpu: 0.0.44.dev20260713+nightly
codegen_flags: <defaults>
</compile_context>

<pallas_src>
import functools

import jax
import jax.numpy as jnp
from jax import lax
from jax.experimental import pallas as pl
from jax.experimental.pallas import tpu as pltpu
from jax.experimental.pallas import tpu_sc as plsc

_NC = 2
_NS = 16
_NW = _NC * _NS
_L = 16

_N = 1_000_000
_C = 10
_NBINS = 15
_W = 2048
_NT = _N // _W
_REM0 = _NT * _W
_REM1 = _REM0 + 512
_PAD = 256
_ACC = _L * _PAD


_CLS = [c for c in range(_C) if c != 1]


def _sc_body(probs_hbm, labels_hbm, tailp_hbm, taill_hbm, out_hbm,
             pv0, pv1, lv0, lv1, red_v, ps0, ps1, ls0, ls1,
             accb0, accb1, *acca):
    cid = lax.axis_index("c")
    sid = lax.axis_index("s")
    wid = sid * _NC + cid

    lane = lax.iota(jnp.int32, _L)
    lane_pad = lane * _PAD
    lane16 = lane * 16
    zerosf = jnp.zeros((_L,), jnp.float32)
    neg1 = jnp.full((_L,), -1.0, jnp.float32)

    def zero_a(k, _):
        for a in acca:
            a[pl.ds(k * _L, _L)] = zerosf
        return 0

    lax.fori_loop(0, _PAD // _L, zero_a, 0)

    def zero_b(k, _):
        accb0[pl.ds(k * _L, _L)] = zerosf
        accb1[pl.ds(k * _L, _L)] = zerosf
        return 0

    lax.fori_loop(0, _ACC // _L, zero_b, 0)

    n_w = (_NT - 1 - wid) // _NW + 1

    def issue(col0, ncols, pv, lv, psem, lsem):
        pltpu.async_copy(probs_hbm.at[:, pl.ds(col0, ncols)],
                         pv.at[:, pl.ds(0, ncols)], psem)
        pltpu.async_copy(labels_hbm.at[pl.ds(col0, ncols)],
                         lv.at[pl.ds(0, ncols)], lsem)

    def wait(col0, ncols, pv, lv, psem, lsem):
        pltpu.make_async_copy(probs_hbm.at[:, pl.ds(col0, ncols)],
                              pv.at[:, pl.ds(0, ncols)], psem).wait()
        pltpu.make_async_copy(labels_hbm.at[pl.ds(col0, ncols)],
                              lv.at[pl.ds(0, ncols)], lsem).wait()

    def compute(pv, lv, ngroups):
        def grp2(h, _):
            for half in range(2):
                accb = (accb0, accb1)[half]
                s = h * (2 * _L) + half * _L
                lbl = lv[pl.ds(s, _L)]
                vs = [pv[c, pl.ds(s, _L)] for c in _CLS]
                vb = plsc.load_gather(pv, [lbl, lane + s])
                idxs = [lane16 + (v * 15.0).astype(jnp.int32) for v in vs]
                jb = (vb * 15.0).astype(jnp.int32)
                maskb = (vb > 0.0) & (lbl != 1)
                idxb = lane_pad + lbl * 16 + jb
                for ci in range(len(_CLS)):
                    plsc.addupdate_scatter(acca[ci], [idxs[ci]], vs[ci])
                plsc.addupdate_scatter(accb, [idxb], neg1, mask=maskb)
            return 0

        lax.fori_loop(0, ngroups // 2, grp2, 0)

    issue(wid * _W, _W, pv0, lv0, ps0, ls0)

    def pair(i, _):
        c0 = (wid + (2 * i) * _NW) * _W
        c1 = c0 + _NW * _W
        c2 = c1 + _NW * _W
        wait(c0, _W, pv0, lv0, ps0, ls0)

        @pl.when(2 * i + 1 < n_w)
        def _():
            issue(c1, _W, pv1, lv1, ps1, ls1)

        compute(pv0, lv0, _W // _L)

        @pl.when(2 * i + 2 < n_w)
        def _():
            issue(c2, _W, pv0, lv0, ps0, ls0)

        @pl.when(2 * i + 1 < n_w)
        def _():
            wait(c1, _W, pv1, lv1, ps1, ls1)
            compute(pv1, lv1, _W // _L)

        return 0

    lax.fori_loop(0, (n_w + 1) // 2, pair, 0)

    @pl.when(wid == 30)
    def _():
        issue(_REM0, 512, pv0, lv0, ps0, ls0)
        wait(_REM0, 512, pv0, lv0, ps0, ls0)
        compute(pv0, lv0, 512 // _L)

    @pl.when(wid == 31)
    def _():
        pltpu.async_copy(tailp_hbm, pv0.at[:, pl.ds(0, 128)], ps0)
        pltpu.async_copy(taill_hbm, lv0.at[pl.ds(0, 128)], ls0)
        pltpu.make_async_copy(tailp_hbm, pv0.at[:, pl.ds(0, 128)], ps0).wait()
        pltpu.make_async_copy(taill_hbm, lv0.at[pl.ds(0, 128)], ls0).wait()
        compute(pv0, lv0, 128 // _L)

    for c in range(16):
        if c in (1,) or c >= _C:
            red_v[pl.ds(c * 16, _L)] = zerosf
            continue
        ci = _CLS.index(c)

        def red_ln(ln, ss, ci=ci, c=c):
            return (ss + acca[ci][pl.ds(ln * 16, _L)]
                    + accb0[pl.ds(ln * _PAD + c * 16, _L)]
                    + accb1[pl.ds(ln * _PAD + c * 16, _L)])

        red_v[pl.ds(c * 16, _L)] = lax.fori_loop(0, _L, red_ln, zerosf)
    pltpu.sync_copy(red_v, out_hbm.at[pl.ds(wid * _PAD, _PAD)])


@functools.cache
def _get_sc_kernel():
    return pl.kernel(
        _sc_body,
        out_type=jax.ShapeDtypeStruct((_NW * _PAD,), jnp.float32),
        mesh=plsc.VectorSubcoreMesh(
            core_axis_name="c", subcore_axis_name="s",
            num_cores=_NC, num_subcores=_NS,
        ),
        compiler_params=pltpu.CompilerParams(
            needs_layout_passes=False, use_tc_tiling_on_sc=True),
        scratch_types=[
            pltpu.VMEM((_C, _W), jnp.float32),
            pltpu.VMEM((_C, _W), jnp.float32),
            pltpu.VMEM((_W,), jnp.int32),
            pltpu.VMEM((_W,), jnp.int32),
            pltpu.VMEM((_PAD,), jnp.float32),
            pltpu.SemaphoreType.DMA,
            pltpu.SemaphoreType.DMA,
            pltpu.SemaphoreType.DMA,
            pltpu.SemaphoreType.DMA,
            pltpu.VMEM((_ACC,), jnp.float32),
            pltpu.VMEM((_ACC,), jnp.float32),
        ] + [pltpu.VMEM((_PAD,), jnp.float32) for _ in _CLS],
    )


def _combine_body(p_ref, o_ref):
    s = jnp.sum(p_ref[...].reshape(_NW, _PAD // 128, 128), axis=0)
    o_ref[0, 0] = jnp.sum(jnp.abs(s)) * (1.0 / float(_C * _N))


_combine = pl.pallas_call(
    _combine_body,
    out_shape=jax.ShapeDtypeStruct((1, 1), jnp.float32),
    out_specs=pl.BlockSpec(memory_space=pltpu.SMEM),
)


@jax.jit
def kernel(probs, labels):
    tail_p = jnp.pad(probs[_REM1:].T, ((0, 0), (0, 128 - (_N - _REM1))))
    tail_l = jnp.pad(labels[_REM1:], (0, 128 - (_N - _REM1)),
                     constant_values=1)
    partials = _get_sc_kernel()(probs.T, labels, tail_p, tail_l)
    return _combine(partials.reshape(_NW * _PAD // 128, 128))[0, 0]

# --- scband reference (transcript-rebuilt; emitter-appended) ---
"""Pipeline reference for scband-sceloss-80418967651006 (READ-ONLY COPY).

The authoritative reference and input builder live on the scoring server;
editing this copy changes nothing except your own understanding.
"""

import jax, jax.numpy as jnp
import numpy as np

N_BINS = 15
_bounds = np.linspace(0.0, 1.0, N_BINS + 1)
BIN_LOWERS = [float(b) for b in _bounds[:-1]]
BIN_UPPERS = [float(b) for b in _bounds[1:]]


def setup_inputs(seed: int = 0) -> dict:
    key = jax.random.key(seed)
    k1, k2 = jax.random.split(key)
    N, C = 1000000, 10
    probs = jax.random.uniform(k1, (N, C), dtype=jnp.float32)
    labels = jax.random.randint(k2, (N,), 0, C, dtype=jnp.int32)
    return {"probs": probs, "labels": labels}


def reference(probs, labels):
    # torch.stack(list_of_rows) == re-stack along axis 0
    softmaxes = jnp.stack(probs)
    # original module zeroes out (well, -9999's) class 1 confidences
    softmaxes = softmaxes.at[:, 1].set(-9999.0)
    labels = jnp.stack(labels)
    num_classes = softmaxes.shape[1]
    per_class = []
    for i in range(num_classes):
        class_confidences = softmaxes[:, i]
        labels_in_class = (labels == i).astype(jnp.float32)
        class_sce = jnp.zeros((1,), dtype=softmaxes.dtype)
        for bin_lower, bin_upper in zip(BIN_LOWERS, BIN_UPPERS):
            in_bin = (class_confidences > bin_lower) & (class_confidences <= bin_upper)
            in_bin_f = in_bin.astype(jnp.float32)
            prop_in_bin = jnp.mean(in_bin_f)
            cnt = jnp.sum(in_bin_f)
            safe_cnt = jnp.maximum(cnt, 1.0)
            accuracy_in_bin = jnp.sum(labels_in_class * in_bin_f) / safe_cnt
            avg_confidence_in_bin = jnp.sum(class_confidences * in_bin_f) / safe_cnt
            contrib = jnp.where(cnt > 0.0,
                                jnp.abs(avg_confidence_in_bin - accuracy_in_bin) * prop_in_bin,
                                0.0)
            class_sce = class_sce + contrib
        per_class.append(class_sce)
    per_class_sce = jnp.concatenate(per_class, axis=0)
    sce = jnp.mean(per_class_sce)
    return sce

if __name__ == "__main__":
    import jax
    _d = setup_inputs()
    print(jax.jit(kernel)(*tuple(_d.values())))

</pallas_src>

<mosaic_0001>
#map = affine_map<(d0, d1) -> (0, 0)>
#map1 = affine_map<(d0, d1) -> (0)>
module attributes {stable_mosaic.version = 14 : i64} {
  func.func @_sc_body(%arg0: i32, %arg1: i32, %arg2: memref<10x1000000xf32, #tpu.memory_space<hbm>>, %arg3: memref<1000000xi32, #tpu.memory_space<hbm>>, %arg4: memref<10x128xf32, #tpu.memory_space<hbm>>, %arg5: memref<128xi32, #tpu.memory_space<hbm>>, %arg6: memref<8192xf32, #tpu.memory_space<hbm>>, %arg7: memref<10x2048xf32, #tpu.memory_space<vmem>>, %arg8: memref<10x2048xf32, #tpu.memory_space<vmem>>, %arg9: memref<2048xi32, #tpu.memory_space<vmem>>, %arg10: memref<2048xi32, #tpu.memory_space<vmem>>, %arg11: memref<256xf32, #tpu.memory_space<vmem>>, %arg12: memref<!tpu.dma_semaphore, #tpu.memory_space<semaphore_mem>>, %arg13: memref<!tpu.dma_semaphore, #tpu.memory_space<semaphore_mem>>, %arg14: memref<!tpu.dma_semaphore, #tpu.memory_space<semaphore_mem>>, %arg15: memref<!tpu.dma_semaphore, #tpu.memory_space<semaphore_mem>>, %arg16: memref<4096xf32, #tpu.memory_space<vmem>>, %arg17: memref<4096xf32, #tpu.memory_space<vmem>>, %arg18: memref<256xf32, #tpu.memory_space<vmem>>, %arg19: memref<256xf32, #tpu.memory_space<vmem>>, %arg20: memref<256xf32, #tpu.memory_space<vmem>>, %arg21: memref<256xf32, #tpu.memory_space<vmem>>, %arg22: memref<256xf32, #tpu.memory_space<vmem>>, %arg23: memref<256xf32, #tpu.memory_space<vmem>>, %arg24: memref<256xf32, #tpu.memory_space<vmem>>, %arg25: memref<256xf32, #tpu.memory_space<vmem>>, %arg26: memref<256xf32, #tpu.memory_space<vmem>>) attributes {dimension_semantics = [#tpu.dimension_semantics<core_parallel>, #tpu.dimension_semantics<subcore_parallel>], iteration_bounds = array<i64: 2, 16>, scalar_prefetch = 0 : i64, scratch_operands = 20 : i64, tpu.core_type = #tpu.core_type<sc_vector_subcore>, window_params = [{transform_indices = #map}, {transform_indices = #map1}, {transform_indices = #map}, {transform_indices = #map1}, {transform_indices = #map1}]} {
    %mul3A = arith.constant 2 : i32
    %mul3A_0 = arith.muli %arg1, %mul3A : i32
    %add3A = arith.addi %mul3A_0, %arg0 : i32
    %iota3A = tpu.iota {dimensions = array<i32: 0>} : vector<16xi32>
    %mul3A_1 = arith.constant 256 : i32
    %mul3A_2 = vector.broadcast %mul3A_1 : i32 to vector<16xi32>
    %mul3A_3 = arith.muli %iota3A, %mul3A_2 : vector<16xi32>
    %mul3A_4 = arith.constant 16 : i32
    %mul3A_5 = vector.broadcast %mul3A_4 : i32 to vector<16xi32>
    %mul3A_6 = arith.muli %iota3A, %mul3A_5 : vector<16xi32>
    %broadcast_in_dim3A = arith.constant 0.000000e+00 : f32
    %broadcast_in_dim3A_7 = vector.broadcast %broadcast_in_dim3A : f32 to vector<16xf32>
    %broadcast_in_dim3A_8 = arith.constant -1.000000e+00 : f32
    %broadcast_in_dim3A_9 = vector.broadcast %broadcast_in_dim3A_8 : f32 to vector<16xf32>
    %scan3A = arith.constant 0 : i32
    %scan3A_10 = arith.constant 0 : i32
    %scan3A_11 = arith.constant 16 : i32
    %scan3A_12 = arith.addi %scan3A_10, %scan3A_11 : i32
    %scan3A_13 = arith.constant 1 : i32
    %scan3A_14 = scf.for %scan3A_191 = %scan3A_10 to %scan3A_12 step %scan3A_13 iter_args(%scan3A_192 = %scan3A) -> (i32)  : i32 {
      %mul3A_193 = arith.constant 16 : i32
      %mul3A_194 = arith.muli %scan3A_191, %mul3A_193 : i32
      %swap3A_195 = arith.index_cast %mul3A_194 : i32 to index
      %swap3A_196 = tpu.vector_load %arg18[%swap3A_195] {strides = array<i32>} : memref<256xf32, #tpu.memory_space<vmem>>, vector<16xf32>,
      tpu.vector_store %arg18[%swap3A_195], %broadcast_in_dim3A_7 {strides = array<i32>} : memref<256xf32, #tpu.memory_space<vmem>>, vector<16xf32>,
      %mul3A_197 = arith.constant 16 : i32
      %mul3A_198 = arith.muli %scan3A_191, %mul3A_197 : i32
      %swap3A_199 = arith.index_cast %mul3A_198 : i32 to index
      %swap3A_200 = tpu.vector_load %arg19[%swap3A_199] {strides = array<i32>} : memref<256xf32, #tpu.memory_space<vmem>>, vector<16xf32>,
      tpu.vector_store %arg19[%swap3A_199], %broadcast_in_dim3A_7 {strides = array<i32>} : memref<256xf32, #tpu.memory_space<vmem>>, vector<16xf32>,
      %mul3A_201 = arith.constant 16 : i32
      %mul3A_202 = arith.muli %scan3A_191, %mul3A_201 : i32
      %swap3A_203 = arith.index_cast %mul3A_202 : i32 to index
      %swap3A_204 = tpu.vector_load %arg20[%swap3A_203] {strides = array<i32>} : memref<256xf32, #tpu.memory_space<vmem>>, vector<16xf32>,
      tpu.vector_store %arg20[%swap3A_203], %broadcast_in_dim3A_7 {strides = array<i32>} : memref<256xf32, #tpu.memory_space<vmem>>, vector<16xf32>,
      %mul3A_205 = arith.constant 16 : i32
      %mul3A_206 = arith.muli %scan3A_191, %mul3A_205 : i32
      %swap3A_207 = arith.index_cast %mul3A_206 : i32 to index
      %swap3A_208 = tpu.vector_load %arg21[%swap3A_207] {strides = array<i32>} : memref<256xf32, #tpu.memory_space<vmem>>, vector<16xf32>,
      tpu.vector_store %arg21[%swap3A_207], %broadcast_in_dim3A_7 {strides = array<i32>} : memref<256xf32, #tpu.memory_space<vmem>>, vector<16xf32>,
      %mul3A_209 = arith.constant 16 : i32
      %mul3A_210 = arith.muli %scan3A_191, %mul3A_209 : i32
      %swap3A_211 = arith.index_cast %mul3A_210 : i32 to index
      %swap3A_212 = tpu.vector_load %arg22[%swap3A_211] {strides = array<i32>} : memref<256xf32, #tpu.memory_space<vmem>>, vector<16xf32>,
      tpu.vector_store %arg22[%swap3A_211], %broadcast_in_dim3A_7 {strides = array<i32>} : memref<256xf32, #tpu.memory_space<vmem>>, vector<16xf32>,
      %mul3A_213 = arith.constant 16 : i32
      %mul3A_214 = arith.muli %scan3A_191, %mul3A_213 : i32
      %swap3A_215 = arith.index_cast %mul3A_214 : i32 to index
      %swap3A_216 = tpu.vector_load %arg23[%swap3A_215] {strides = array<i32>} : memref<256xf32, #tpu.memory_space<vmem>>, vector<16xf32>,
      tpu.vector_store %arg23[%swap3A_215], %broadcast_in_dim3A_7 {strides = array<i32>} : memref<256xf32, #tpu.memory_space<vmem>>, vector<16xf32>,
      %mul3A_217 = arith.constant 16 : i32
      %mul3A_218 = arith.muli %scan3A_191, %mul3A_217 : i32
      %swap3A_219 = arith.index_cast %mul3A_218 : i32 to index
      %swap3A_220 = tpu.vector_load %arg24[%swap3A_219] {strides = array<i32>} : memref<256xf32, #tpu.memory_space<vmem>>, vector<16xf32>,
      tpu.vector_store %arg24[%swap3A_219], %broadcast_in_dim3A_7 {strides = array<i32>} : memref<256xf32, #tpu.memory_space<vmem>>, vector<16xf32>,
      %mul3A_221 = arith.constant 16 : i32
      %mul3A_222 = arith.muli %scan3A_191, %mul3A_221 : i32
      %swap3A_223 = arith.index_cast %mul3A_222 : i32 to index
      %swap3A_224 = tpu.vector_load %arg25[%swap3A_223] {strides = array<i32>} : memref<256xf32, #tpu.memory_space<vmem>>, vector<16xf32>,
      tpu.vector_store %arg25[%swap3A_223], %broadcast_in_dim3A_7 {strides = array<i32>} : memref<256xf32, #tpu.memory_space<vmem>>, vector<16xf32>,
      %mul3A_225 = arith.constant 16 : i32
      %mul3A_226 = arith.muli %scan3A_191, %mul3A_225 : i32
      %swap3A_227 = arith.index_cast %mul3A_226 : i32 to index
      %swap3A_228 = tpu.vector_load %arg26[%swap3A_227] {strides = array<i32>} : memref<256xf32, #tpu.memory_space<vmem>>, vector<16xf32>,
      tpu.vector_store %arg26[%swap3A_227], %broadcast_in_dim3A_7 {strides = array<i32>} : memref<256xf32, #tpu.memory_space<vmem>>, vector<16xf32>,
      %scan3A_229 = arith.constant 0 : i32
      scf.yield %scan3A_229 : i32
    }
    %scan3A_15 = arith.constant 16 : i32
    %scan3A_16 = arith.constant 0 : i32
    %scan3A_17 = arith.constant 0 : i32
    %scan3A_18 = arith.constant 256 : i32
    %scan3A_19 = arith.addi %scan3A_17, %scan3A_18 : i32
    %scan3A_20 = arith.constant 1 : i32
    %scan3A_21 = scf.for %scan3A_191 = %scan3A_17 to %scan3A_19 step %scan3A_20 iter_args(%scan3A_192 = %scan3A_16) -> (i32)  : i32 {
      %mul3A_193 = arith.constant 16 : i32
      %mul3A_194 = arith.muli %scan3A_191, %mul3A_193 : i32
      %swap3A_195 = arith.index_cast %mul3A_194 : i32 to index
      %swap3A_196 = tpu.vector_load %arg16[%swap3A_195] {strides = array<i32>} : memref<4096xf32, #tpu.memory_space<vmem>>, vector<16xf32>,
      tpu.vector_store %arg16[%swap3A_195], %broadcast_in_dim3A_7 {strides = array<i32>} : memref<4096xf32, #tpu.memory_space<vmem>>, vector<16xf32>,
      %mul3A_197 = arith.constant 16 : i32
      %mul3A_198 = arith.muli %scan3A_191, %mul3A_197 : i32
      %swap3A_199 = arith.index_cast %mul3A_198 : i32 to index
      %swap3A_200 = tpu.vector_load %arg17[%swap3A_199] {strides = array<i32>} : memref<4096xf32, #tpu.memory_space<vmem>>, vector<16xf32>,
      tpu.vector_store %arg17[%swap3A_199], %broadcast_in_dim3A_7 {strides = array<i32>} : memref<4096xf32, #tpu.memory_space<vmem>>, vector<16xf32>,
      %scan3A_201 = arith.constant 0 : i32
      scf.yield %scan3A_201 : i32
    }
    %scan3A_22 = arith.constant 256 : i32
    %sub3A = arith.constant 487 : i32
    %sub3A_23 = arith.subi %sub3A, %add3A : i32
    %jit3A = arith.constant 32 : i32
    %div3A = arith.divsi %sub3A_23, %jit3A : i32
    %sign3A = arith.constant 0 : i32
    %sign3A_24 = arith.cmpi sgt, %sub3A_23, %sign3A : i32
    %sign3A_25 = arith.extui %sign3A_24 : i1 to i32
    %sign3A_26 = arith.constant 0 : i32
    %sign3A_27 = arith.cmpi slt, %sub3A_23, %sign3A_26 : i32
    %sign3A_28 = arith.extui %sign3A_27 : i1 to i32
    %sign3A_29 = arith.subi %sign3A_25, %sign3A_28 : i32
    %sign3A_30 = arith.constant 0 : i32
    %sign3A_31 = arith.cmpi sgt, %jit3A, %sign3A_30 : i32
    %sign3A_32 = arith.extui %sign3A_31 : i1 to i32
    %sign3A_33 = arith.constant 0 : i32
    %sign3A_34 = arith.cmpi slt, %jit3A, %sign3A_33 : i32
    %sign3A_35 = arith.extui %sign3A_34 : i1 to i32
    %sign3A_36 = arith.subi %sign3A_32, %sign3A_35 : i32
    %ne3A = arith.cmpi ne, %sign3A_29, %sign3A_36 : i32
    %rem3A = arith.remsi %sub3A_23, %jit3A : i32
    %ne3A_37 = arith.constant 0 : i32
    %ne3A_38 = arith.cmpi ne, %rem3A, %ne3A_37 : i32
    %and3A = arith.andi %ne3A, %ne3A_38 : i1
    %sub3A_39 = arith.constant 1 : i32
    %sub3A_40 = arith.subi %div3A, %sub3A_39 : i32
    %select_n3A = arith.select %and3A, %sub3A_40, %div3A : i32
    %add3A_41 = arith.constant 1 : i32
    %add3A_42 = arith.addi %select_n3A, %add3A_41 : i32
    %mul3A_43 = arith.constant 2048 : i32
    %mul3A_44 = arith.muli %add3A, %mul3A_43 : i32
    %dma_start3A = arith.constant 0 : i32
    %dma_start3A_45 = arith.constant 0 : i32
    %dma_start3A_46 = tpu.memref_slice %arg7[%dma_start3A, %dma_start3A_45] : memref<10x2048xf32, #tpu.memory_space<vmem>> -> memref<10x2048xf32, #tpu.memory_space<vmem>>
    %dma_start3A_47 = arith.constant 0 : i32
    %dma_start3A_48 = tpu.memref_slice %arg2[%dma_start3A_47, %mul3A_44] : memref<10x1000000xf32, #tpu.memory_space<hbm>> -> memref<10x2048xf32, #tpu.memory_space<hbm>>
    %dma_start3A_49 = arith.constant 0 : i32
    %dma_start3A_50 = arith.constant 0 : i32
    %dma_start3A_51 = tpu.memref_slice %arg7[%dma_start3A_49, %dma_start3A_50] : memref<10x2048xf32, #tpu.memory_space<vmem>> -> memref<10x2048xf32, #tpu.memory_space<vmem>>
    %dma_start3A_52 = arith.constant 0 : i32
    %dma_start3A_53 = tpu.memref_slice %arg2[%dma_start3A_52, %mul3A_44] : memref<10x1000000xf32, #tpu.memory_space<hbm>> -> memref<10x2048xf32, #tpu.memory_space<hbm>>
    tpu.enqueue_dma source(%dma_start3A_53 : memref<10x2048xf32, #tpu.memory_space<hbm>>) target(%dma_start3A_51 : memref<10x2048xf32, #tpu.memory_space<vmem>>) target_semaphore(%arg12 : memref<!tpu.dma_semaphore, #tpu.memory_space<semaphore_mem>>)
    %dma_start3A_54 = arith.constant 0 : i32
    %dma_start3A_55 = tpu.memref_slice %arg9[%dma_start3A_54] : memref<2048xi32, #tpu.memory_space<vmem>> -> memref<2048xi32, #tpu.memory_space<vmem>>
    %dma_start3A_56 = tpu.memref_slice %arg3[%mul3A_44] : memref<1000000xi32, #tpu.memory_space<hbm>> -> memref<2048xi32, #tpu.memory_space<hbm>>
    %dma_start3A_57 = arith.constant 0 : i32
    %dma_start3A_58 = tpu.memref_slice %arg9[%dma_start3A_57] : memref<2048xi32, #tpu.memory_space<vmem>> -> memref<2048xi32, #tpu.memory_space<vmem>>
    %dma_start3A_59 = tpu.memref_slice %arg3[%mul3A_44] : memref<1000000xi32, #tpu.memory_space<hbm>> -> memref<2048xi32, #tpu.memory_space<hbm>>
    tpu.enqueue_dma source(%dma_start3A_59 : memref<2048xi32, #tpu.memory_space<hbm>>) target(%dma_start3A_58 : memref<2048xi32, #tpu.memory_space<vmem>>) target_semaphore(%arg14 : memref<!tpu.dma_semaphore, #tpu.memory_space<semaphore_mem>>)
    %add3A_60 = arith.constant 1 : i32
    %add3A_61 = arith.addi %add3A_42, %add3A_60 : i32
    %jit3A_62 = arith.constant 2 : i32
    %div3A_63 = arith.divsi %add3A_61, %jit3A_62 : i32
    %sign3A_64 = arith.constant 0 : i32
    %sign3A_65 = arith.cmpi sgt, %add3A_61, %sign3A_64 : i32
    %sign3A_66 = arith.extui %sign3A_65 : i1 to i32
    %sign3A_67 = arith.constant 0 : i32
    %sign3A_68 = arith.cmpi slt, %add3A_61, %sign3A_67 : i32
    %sign3A_69 = arith.extui %sign3A_68 : i1 to i32
    %sign3A_70 = arith.subi %sign3A_66, %sign3A_69 : i32
    %sign3A_71 = arith.constant 0 : i32
    %sign3A_72 = arith.cmpi sgt, %jit3A_62, %sign3A_71 : i32
    %sign3A_73 = arith.extui %sign3A_72 : i1 to i32
    %sign3A_74 = arith.constant 0 : i32
    %sign3A_75 = arith.cmpi slt, %jit3A_62, %sign3A_74 : i32
    %sign3A_76 = arith.extui %sign3A_75 : i1 to i32
    %sign3A_77 = arith.subi %sign3A_73, %sign3A_76 : i32
    %ne3A_78 = arith.cmpi ne, %sign3A_70, %sign3A_77 : i32
    %rem3A_79 = arith.remsi %add3A_61, %jit3A_62 : i32
    %ne3A_80 = arith.constant 0 : i32
    %ne3A_81 = arith.cmpi ne, %rem3A_79, %ne3A_80 : i32
    %and3A_82 = arith.andi %ne3A_78, %ne3A_81 : i1
    %sub3A_83 = arith.constant 1 : i32
    %sub3A_84 = arith.subi %div3A_63, %sub3A_83 : i32
    %select_n3A_85 = arith.select %and3A_82, %sub3A_84, %div3A_63 : i32
    %while3A = arith.constant 0 : i32
    %while3A_86 = arith.constant 0 : i32
    %while3A_87 = arith.subi %select_n3A_85, %while3A : i32
    %while3A_88 = arith.addi %while3A, %while3A_87 : i32
    %while3A_89 = arith.constant 1 : i32
    %while3A_90 = arith.divsi %while3A_87, %while3A_89 : i32
    %while3A_91 = arith.muli %while3A_90, %while3A_89 : i32
    %while3A_92 = arith.addi %while3A, %while3A_91 : i32
    %while3A_93 = arith.constant 1 : i32
    %while3A_94 = scf.for %while3A_191 = %while3A to %while3A_92 step %while3A_93 iter_args(%while3A_192 = %while3A_86) -> (i32)  : i32 {
      %mul3A_193 = arith.constant 2 : i32
      %mul3A_194 = arith.muli %mul3A_193, %while3A_191 : i32
      %mul3A_195 = arith.constant 32 : i32
      %mul3A_196 = arith.muli %mul3A_194, %mul3A_195 : i32
      %add3A_197 = arith.addi %add3A, %mul3A_196 : i32
      %mul3A_198 = arith.constant 2048 : i32
      %mul3A_199 = arith.muli %add3A_197, %mul3A_198 : i32
      %add3A_200 = arith.constant 65536 : i32
      %add3A_201 = arith.addi %mul3A_199, %add3A_200 : i32
      %add3A_202 = arith.constant 65536 : i32
      %add3A_203 = arith.addi %add3A_201, %add3A_202 : i32
      %dma_wait3A = arith.constant 0 : i32
      %dma_wait3A_204 = arith.constant 0 : i32
      %dma_wait3A_205 = tpu.memref_slice %arg7[%dma_wait3A, %dma_wait3A_204] : memref<10x2048xf32, #tpu.memory_space<vmem>> -> memref<10x2048xf32, #tpu.memory_space<vmem>>
      %dma_wait3A_206 = arith.constant 0 : i32
      %dma_wait3A_207 = tpu.memref_slice %arg2[%dma_wait3A_206, %mul3A_199] : memref<10x1000000xf32, #tpu.memory_space<hbm>> -> memref<10x2048xf32, #tpu.memory_space<hbm>>
      %dma_wait3A_208 = arith.constant 0 : i32
      %dma_wait3A_209 = arith.constant 0 : i32
      %dma_wait3A_210 = tpu.memref_slice %arg7[%dma_wait3A_208, %dma_wait3A_209] : memref<10x2048xf32, #tpu.memory_space<vmem>> -> memref<10x2048xf32, #tpu.memory_space<vmem>>
      %dma_wait3A_211 = arith.constant 0 : i32
      %dma_wait3A_212 = tpu.memref_slice %arg2[%dma_wait3A_211, %mul3A_199] : memref<10x1000000xf32, #tpu.memory_space<hbm>> -> memref<10x2048xf32, #tpu.memory_space<hbm>>
      tpu.wait_dma2 semaphore(%arg12 : memref<!tpu.dma_semaphore, #tpu.memory_space<semaphore_mem>>) src(%dma_wait3A_212 : memref<10x2048xf32, #tpu.memory_space<hbm>>) dst(%dma_wait3A_210 : memref<10x2048xf32, #tpu.memory_space<vmem>>)
      %dma_wait3A_213 = arith.constant 0 : i32
      %dma_wait3A_214 = tpu.memref_slice %arg9[%dma_wait3A_213] : memref<2048xi32, #tpu.memory_space<vmem>> -> memref<2048xi32, #tpu.memory_space<vmem>>
      %dma_wait3A_215 = tpu.memref_slice %arg3[%mul3A_199] : memref<1000000xi32, #tpu.memory_space<hbm>> -> memref<2048xi32, #tpu.memory_space<hbm>>
      %dma_wait3A_216 = arith.constant 0 : i32
      %dma_wait3A_217 = tpu.memref_slice %arg9[%dma_wait3A_216] : memref<2048xi32, #tpu.memory_space<vmem>> -> memref<2048xi32, #tpu.memory_space<vmem>>
      %dma_wait3A_218 = tpu.memref_slice %arg3[%mul3A_199] : memref<1000000xi32, #tpu.memory_space<hbm>> -> memref<2048xi32, #tpu.memory_space<hbm>>
      tpu.wait_dma2 semaphore(%arg14 : memref<!tpu.dma_semaphore, #tpu.memory_space<semaphore_mem>>) src(%dma_wait3A_218 : memref<2048xi32, #tpu.memory_space<hbm>>) dst(%dma_wait3A_217 : memref<2048xi32, #tpu.memory_space<vmem>>)
      %mul3A_219 = arith.constant 2 : i32
      %mul3A_220 = arith.muli %mul3A_219, %while3A_191 : i32
      %add3A_221 = arith.constant 1 : i32
      %add3A_222 = arith.addi %mul3A_220, %add3A_221 : i32
      %lt3A = arith.cmpi slt, %add3A_222, %add3A_42 : i32
      %convert_element_type3A_223 = arith.extui %lt3A : i1 to i32
      %cond3A_224 = arith.constant 0 : i32
      %cond3A_225 = arith.cmpi ne, %convert_element_type3A_223, %cond3A_224 : i32
      scf.if %cond3A_225 {
        %dma_start3A_250 = arith.constant 0 : i32
        %dma_start3A_251 = arith.constant 0 : i32
        %dma_start3A_252 = tpu.memref_slice %arg8[%dma_start3A_250, %dma_start3A_251] : memref<10x2048xf32, #tpu.memory_space<vmem>> -> memref<10x2048xf32, #tpu.memory_space<vmem>>
        %dma_start3A_253 = arith.constant 0 : i32
        %dma_start3A_254 = tpu.memref_slice %arg2[%dma_start3A_253, %add3A_201] : memref<10x1000000xf32, #tpu.memory_space<hbm>> -> memref<10x2048xf32, #tpu.memory_space<hbm>>
        %dma_start3A_255 = arith.constant 0 : i32
        %dma_start3A_256 = arith.constant 0 : i32
        %dma_start3A_257 = tpu.memref_slice %arg8[%dma_start3A_255, %dma_start3A_256] : memref<10x2048xf32, #tpu.memory_space<vmem>> -> memref<10x2048xf32, #tpu.memory_space<vmem>>
        %dma_start3A_258 = arith.constant 0 : i32
        %dma_start3A_259 = tpu.memref_slice %arg2[%dma_start3A_258, %add3A_201] : memref<10x1000000xf32, #tpu.memory_space<hbm>> -> memref<10x2048xf32, #tpu.memory_space<hbm>>
        tpu.enqueue_dma source(%dma_start3A_259 : memref<10x2048xf32, #tpu.memory_space<hbm>>) target(%dma_start3A_257 : memref<10x2048xf32, #tpu.memory_space<vmem>>) target_semaphore(%arg13 : memref<!tpu.dma_semaphore, #tpu.memory_space<semaphore_mem>>)
        %dma_start3A_260 = arith.constant 0 : i32
        %dma_start3A_261 = tpu.memref_slice %arg10[%dma_start3A_260] : memref<2048xi32, #tpu.memory_space<vmem>> -> memref<2048xi32, #tpu.memory_space<vmem>>
        %dma_start3A_262 = tpu.memref_slice %arg3[%add3A_201] : memref<1000000xi32, #tpu.memory_space<hbm>> -> memref<2048xi32, #tpu.memory_space<hbm>>
        %dma_start3A_263 = arith.constant 0 : i32
        %dma_start3A_264 = tpu.memref_slice %arg10[%dma_start3A_263] : memref<2048xi32, #tpu.memory_space<vmem>> -> memref<2048xi32, #tpu.memory_space<vmem>>
        %dma_start3A_265 = tpu.memref_slice %arg3[%add3A_201] : memref<1000000xi32, #tpu.memory_space<hbm>> -> memref<2048xi32, #tpu.memory_space<hbm>>
        tpu.enqueue_dma source(%dma_start3A_265 : memref<2048xi32, #tpu.memory_space<hbm>>) target(%dma_start3A_264 : memref<2048xi32, #tpu.memory_space<vmem>>) target_semaphore(%arg15 : memref<!tpu.dma_semaphore, #tpu.memory_space<semaphore_mem>>)
      } else {
      }
      %scan3A_226 = arith.constant 0 : i32
      %scan3A_227 = arith.constant 0 : i32
      %scan3A_228 = arith.constant 64 : i32
      %scan3A_229 = arith.addi %scan3A_227, %scan3A_228 : i32
      %scan3A_230 = arith.constant 1 : i32
      %scan3A_231 = scf.for %scan3A_250 = %scan3A_227 to %scan3A_229 step %scan3A_230 iter_args(%scan3A_251 = %scan3A_226) -> (i32)  : i32 {
        %mul3A_252 = arith.constant 32 : i32
        %mul3A_253 = arith.muli %scan3A_250, %mul3A_252 : i32
        %add3A_254 = arith.constant 0 : i32
        %add3A_255 = arith.addi %mul3A_253, %add3A_254 : i32
        %get3A = arith.index_cast %add3A_255 : i32 to index
        %get3A_256 = tpu.vector_load %arg9[%get3A] {strides = array<i32>} : memref<2048xi32, #tpu.memory_space<vmem>>, vector<16xi32>,
        %get3A_257 = arith.constant 0 : i32
        %get3A_258 = arith.index_cast %get3A_257 : i32 to index
        %get3A_259 = arith.index_cast %add3A_255 : i32 to index
        %get3A_260 = tpu.vector_load %arg7[%get3A_258, %get3A_259] {strides = array<i32>} : memref<10x2048xf32, #tpu.memory_space<vmem>>, vector<16xf32>,
        %get3A_261 = arith.constant 2 : i32
        %get3A_262 = arith.index_cast %get3A_261 : i32 to index
        %get3A_263 = arith.index_cast %add3A_255 : i32 to index
        %get3A_264 = tpu.vector_load %arg7[%get3A_262, %get3A_263] {strides = array<i32>} : memref<10x2048xf32, #tpu.memory_space<vmem>>, vector<16xf32>,
        %get3A_265 = arith.constant 3 : i32
        %get3A_266 = arith.index_cast %get3A_265 : i32 to index
        %get3A_267 = arith.index_cast %add3A_255 : i32 to index
        %get3A_268 = tpu.vector_load %arg7[%get3A_266, %get3A_267] {strides = array<i32>} : memref<10x2048xf32, #tpu.memory_space<vmem>>, vector<16xf32>,
        %get3A_269 = arith.constant 4 : i32
        %get3A_270 = arith.index_cast %get3A_269 : i32 to index
        %get3A_271 = arith.index_cast %add3A_255 : i32 to index
        %get3A_272 = tpu.vector_load %arg7[%get3A_270, %get3A_271] {strides = array<i32>} : memref<10x2048xf32, #tpu.memory_space<vmem>>, vector<16xf32>,
        %get3A_273 = arith.constant 5 : i32
        %get3A_274 = arith.index_cast %get3A_273 : i32 to index
        %get3A_275 = arith.index_cast %add3A_255 : i32 to index
        %get3A_276 = tpu.vector_load %arg7[%get3A_274, %get3A_275] {strides = array<i32>} : memref<10x2048xf32, #tpu.memory_space<vmem>>, vector<16xf32>,
        %get3A_277 = arith.constant 6 : i32
        %get3A_278 = arith.index_cast %get3A_277 : i32 to index
        %get3A_279 = arith.index_cast %add3A_255 : i32 to index
        %get3A_280 = tpu.vector_load %arg7[%get3A_278, %get3A_279] {strides = array<i32>} : memref<10x2048xf32, #tpu.memory_space<vmem>>, vector<16xf32>,
        %get3A_281 = arith.constant 7 : i32
        %get3A_282 = arith.index_cast %get3A_281 : i32 to index
        %get3A_283 = arith.index_cast %add3A_255 : i32 to index
        %get3A_284 = tpu.vector_load %arg7[%get3A_282, %get3A_283] {strides = array<i32>} : memref<10x2048xf32, #tpu.memory_space<vmem>>, vector<16xf32>,
        %get3A_285 = arith.constant 8 : i32
        %get3A_286 = arith.index_cast %get3A_285 : i32 to index
        %get3A_287 = arith.index_cast %add3A_255 : i32 to index
        %get3A_288 = tpu.vector_load %arg7[%get3A_286, %get3A_287] {strides = array<i32>} : memref<10x2048xf32, #tpu.memory_space<vmem>>, vector<16xf32>,
        %get3A_289 = arith.constant 9 : i32
        %get3A_290 = arith.index_cast %get3A_289 : i32 to index
        %get3A_291 = arith.index_cast %add3A_255 : i32 to index
        %get3A_292 = tpu.vector_load %arg7[%get3A_290, %get3A_291] {strides = array<i32>} : memref<10x2048xf32, #tpu.memory_space<vmem>>, vector<16xf32>,
        %add3A_293 = vector.broadcast %add3A_255 : i32 to vector<16xi32>
        %add3A_294 = arith.addi %iota3A, %add3A_293 : vector<16xi32>
        %gather3A = tpu.vector_load_idx %arg7[%get3A_256, %add3A_294] : memref<10x2048xf32, #tpu.memory_space<vmem>>[vector<16xi32>, vector<16xi32>], vector<16xf32>,
        %mul3A_295 = arith.constant 1.500000e+01 : f32
        %mul3A_296 = vector.broadcast %mul3A_295 : f32 to vector<16xf32>
        %mul3A_297 = arith.mulf %get3A_260, %mul3A_296 : vector<16xf32>
        %convert_element_type3A_298 = arith.fptosi %mul3A_297 : vector<16xf32> to vector<16xi32>
        %add3A_299 = arith.addi %mul3A_6, %convert_element_type3A_298 : vector<16xi32>
        %mul3A_300 = arith.constant 1.500000e+01 : f32
        %mul3A_301 = vector.broadcast %mul3A_300 : f32 to vector<16xf32>
        %mul3A_302 = arith.mulf %get3A_264, %mul3A_301 : vector<16xf32>
        %convert_element_type3A_303 = arith.fptosi %mul3A_302 : vector<16xf32> to vector<16xi32>
        %add3A_304 = arith.addi %mul3A_6, %convert_element_type3A_303 : vector<16xi32>
        %mul3A_305 = arith.constant 1.500000e+01 : f32
        %mul3A_306 = vector.broadcast %mul3A_305 : f32 to vector<16xf32>
        %mul3A_307 = arith.mulf %get3A_268, %mul3A_306 : vector<16xf32>
        %convert_element_type3A_308 = arith.fptosi %mul3A_307 : vector<16xf32> to vector<16xi32>
        %add3A_309 = arith.addi %mul3A_6, %convert_element_type3A_308 : vector<16xi32>
        %mul3A_310 = arith.constant 1.500000e+01 : f32
        %mul3A_311 = vector.broadcast %mul3A_310 : f32 to vector<16xf32>
        %mul3A_312 = arith.mulf %get3A_272, %mul3A_311 : vector<16xf32>
        %convert_element_type3A_313 = arith.fptosi %mul3A_312 : vector<16xf32> to vector<16xi32>
        %add3A_314 = arith.addi %mul3A_6, %convert_element_type3A_313 : vector<16xi32>
        %mul3A_315 = arith.constant 1.500000e+01 : f32
        %mul3A_316 = vector.broadcast %mul3A_315 : f32 to vector<16xf32>
        %mul3A_317 = arith.mulf %get3A_276, %mul3A_316 : vector<16xf32>
        %convert_element_type3A_318 = arith.fptosi %mul3A_317 : vector<16xf32> to vector<16xi32>
        %add3A_319 = arith.addi %mul3A_6, %convert_element_type3A_318 : vector<16xi32>
        %mul3A_320 = arith.constant 1.500000e+01 : f32
        %mul3A_321 = vector.broadcast %mul3A_320 : f32 to vector<16xf32>
        %mul3A_322 = arith.mulf %get3A_280, %mul3A_321 : vector<16xf32>
        %convert_element_type3A_323 = arith.fptosi %mul3A_322 : vector<16xf32> to vector<16xi32>
        %add3A_324 = arith.addi %mul3A_6, %convert_element_type3A_323 : vector<16xi32>
        %mul3A_325 = arith.constant 1.500000e+01 : f32
        %mul3A_326 = vector.broadcast %mul3A_325 : f32 to vector<16xf32>
        %mul3A_327 = arith.mulf %get3A_284, %mul3A_326 : vector<16xf32>
        %convert_element_type3A_328 = arith.fptosi %mul3A_327 : vector<16xf32> to vector<16xi32>
        %add3A_329 = arith.addi %mul3A_6, %convert_element_type3A_328 : vector<16xi32>
        %mul3A_330 = arith.constant 1.500000e+01 : f32
        %mul3A_331 = vector.broadcast %mul3A_330 : f32 to vector<16xf32>
        %mul3A_332 = arith.mulf %get3A_288, %mul3A_331 : vector<16xf32>
        %convert_element_type3A_333 = arith.fptosi %mul3A_332 : vector<16xf32> to vector<16xi32>
        %add3A_334 = arith.addi %mul3A_6, %convert_element_type3A_333 : vector<16xi32>
        %mul3A_335 = arith.constant 1.500000e+01 : f32
        %mul3A_336 = vector.broadcast %mul3A_335 : f32 to vector<16xf32>
        %mul3A_337 = arith.mulf %get3A_292, %mul3A_336 : vector<16xf32>
        %convert_element_type3A_338 = arith.fptosi %mul3A_337 : vector<16xf32> to vector<16xi32>
        %add3A_339 = arith.addi %mul3A_6, %convert_element_type3A_338 : vector<16xi32>
        %mul3A_340 = arith.constant 1.500000e+01 : f32
        %mul3A_341 = vector.broadcast %mul3A_340 : f32 to vector<16xf32>
        %mul3A_342 = arith.mulf %gather3A, %mul3A_341 : vector<16xf32>
        %convert_element_type3A_343 = arith.fptosi %mul3A_342 : vector<16xf32> to vector<16xi32>
        %gt3A = arith.constant 0.000000e+00 : f32
        %gt3A_344 = vector.broadcast %gt3A : f32 to vector<16xf32>
        %gt3A_345 = arith.cmpf ogt, %gather3A, %gt3A_344 : vector<16xf32>
        %ne3A_346 = arith.constant 1 : i32
        %ne3A_347 = vector.broadcast %ne3A_346 : i32 to vector<16xi32>
        %ne3A_348 = arith.cmpi ne, %get3A_256, %ne3A_347 : vector<16xi32>
        %and3A_349 = arith.andi %gt3A_345, %ne3A_348 : vector<16xi1>
        %mul3A_350 = arith.constant 16 : i32
        %mul3A_351 = vector.broadcast %mul3A_350 : i32 to vector<16xi32>
        %mul3A_352 = arith.muli %get3A_256, %mul3A_351 : vector<16xi32>
        %add3A_353 = arith.addi %mul3A_3, %mul3A_352 : vector<16xi32>
        %add3A_354 = arith.addi %add3A_353, %convert_element_type3A_343 : vector<16xi32>
        tpu.vector_store_idx %arg18[%add3A_299], %get3A_260 {add = true} : memref<256xf32, #tpu.memory_space<vmem>>[vector<16xi32>], vector<16xf32>,
        tpu.vector_store_idx %arg19[%add3A_304], %get3A_264 {add = true} : memref<256xf32, #tpu.memory_space<vmem>>[vector<16xi32>], vector<16xf32>,
        tpu.vector_store_idx %arg20[%add3A_309], %get3A_268 {add = true} : memref<256xf32, #tpu.memory_space<vmem>>[vector<16xi32>], vector<16xf32>,
        tpu.vector_store_idx %arg21[%add3A_314], %get3A_272 {add = true} : memref<256xf32, #tpu.memory_space<vmem>>[vector<16xi32>], vector<16xf32>,
        tpu.vector_store_idx %arg22[%add3A_319], %get3A_276 {add = true} : memref<256xf32, #tpu.memory_space<vmem>>[vector<16xi32>], vector<16xf32>,
        tpu.vector_store_idx %arg23[%add3A_324], %get3A_280 {add = true} : memref<256xf32, #tpu.memory_space<vmem>>[vector<16xi32>], vector<16xf32>,
        tpu.vector_store_idx %arg24[%add3A_329], %get3A_284 {add = true} : memref<256xf32, #tpu.memory_space<vmem>>[vector<16xi32>], vector<16xf32>,
        tpu.vector_store_idx %arg25[%add3A_334], %get3A_288 {add = true} : memref<256xf32, #tpu.memory_space<vmem>>[vector<16xi32>], vector<16xf32>,
        tpu.vector_store_idx %arg26[%add3A_339], %get3A_292 {add = true} : memref<256xf32, #tpu.memory_space<vmem>>[vector<16xi32>], vector<16xf32>,
        tpu.vector_store_idx %arg16[%add3A_354], %broadcast_in_dim3A_9 masked %and3A_349 {add = true} : memref<4096xf32, #tpu.memory_space<vmem>>[vector<16xi32>], vector<16xf32>, vector<16xi1>
        %mul3A_355 = arith.constant 32 : i32
        %mul3A_356 = arith.muli %scan3A_250, %mul3A_355 : i32
        %add3A_357 = arith.constant 16 : i32
        %add3A_358 = arith.addi %mul3A_356, %add3A_357 : i32
        %get3A_359 = arith.index_cast %add3A_358 : i32 to index
        %get3A_360 = tpu.vector_load %arg9[%get3A_359] {strides = array<i32>} : memref<2048xi32, #tpu.memory_space<vmem>>, vector<16xi32>,
        %get3A_361 = arith.constant 0 : i32
        %get3A_362 = arith.index_cast %get3A_361 : i32 to index
        %get3A_363 = arith.index_cast %add3A_358 : i32 to index
        %get3A_364 = tpu.vector_load %arg7[%get3A_362, %get3A_363] {strides = array<i32>} : memref<10x2048xf32, #tpu.memory_space<vmem>>, vector<16xf32>,
        %get3A_365 = arith.constant 2 : i32
        %get3A_366 = arith.index_cast %get3A_365 : i32 to index
        %get3A_367 = arith.index_cast %add3A_358 : i32 to index
        %get3A_368 = tpu.vector_load %arg7[%get3A_366, %get3A_367] {strides = array<i32>} : memref<10x2048xf32, #tpu.memory_space<vmem>>, vector<16xf32>,
        %get3A_369 = arith.constant 3 : i32
        %get3A_370 = arith.index_cast %get3A_369 : i32 to index
        %get3A_371 = arith.index_cast %add3A_358 : i32 to index
        %get3A_372 = tpu.vector_load %arg7[%get3A_370, %get3A_371] {strides = array<i32>} : memref<10x2048xf32, #tpu.memory_space<vmem>>, vector<16xf32>,
        %get3A_373 = arith.constant 4 : i32
        %get3A_374 = arith.index_cast %get3A_373 : i32 to index
        %get3A_375 = arith.index_cast %add3A_358 : i32 to index
        %get3A_376 = tpu.vector_load %arg7[%get3A_374, %get3A_375] {strides = array<i32>} : memref<10x2048xf32, #tpu.memory_space<vmem>>, vector<16xf32>,
        %get3A_377 = arith.constant 5 : i32
        %get3A_378 = arith.index_cast %get3A_377 : i32 to index
        %get3A_379 = arith.index_cast %add3A_358 : i32 to index
        %get3A_380 = tpu.vector_load %arg7[%get3A_378, %get3A_379] {strides = array<i32>} : memref<10x2048xf32, #tpu.memory_space<vmem>>, vector<16xf32>,
        %get3A_381 = arith.constant 6 : i32
        %get3A_382 = arith.index_cast %get3A_381 : i32 to index
        %get3A_383 = arith.index_cast %add3A_358 : i32 to index
        %get3A_384 = tpu.vector_load %arg7[%get3A_382, %get3A_383] {strides = array<i32>} : memref<10x2048xf32, #tpu.memory_space<vmem>>, vector<16xf32>,
        %get3A_385 = arith.constant 7 : i32
        %get3A_386 = arith.index_cast %get3A_385 : i32 to index
        %get3A_387 = arith.index_cast %add3A_358 : i32 to index
        %get3A_388 = tpu.vector_load %arg7[%get3A_386, %get3A_387] {strides = array<i32>} : memref<10x2048xf32, #tpu.memory_space<vmem>>, vector<16xf32>,
        %get3A_389 = arith.constant 8 : i32
        %get3A_390 = arith.index_cast %get3A_389 : i32 to index
        %get3A_391 = arith.index_cast %add3A_358 : i32 to index
        %get3A_392 = tpu.vector_load %arg7[%get3A_390, %get3A_391] {strides = array<i32>} : memref<10x2048xf32, #tpu.memory_space<vmem>>, vector<16xf32>,
        %get3A_393 = arith.constant 9 : i32
        %get3A_394 = arith.index_cast %get3A_393 : i32 to index
        %get3A_395 = arith.index_cast %add3A_358 : i32 to index
        %get3A_396 = tpu.vector_load %arg7[%get3A_394, %get3A_395] {strides = array<i32>} : memref<10x2048xf32, #tpu.memory_space<vmem>>, vector<16xf32>,
        %add3A_397 = vector.broadcast %add3A_358 : i32 to vector<16xi32>
        %add3A_398 = arith.addi %iota3A, %add3A_397 : vector<16xi32>
        %gather3A_399 = tpu.vector_load_idx %arg7[%get3A_360, %add3A_398] : memref<10x2048xf32, #tpu.memory_space<vmem>>[vector<16xi32>, vector<16xi32>], vector<16xf32>,
        %mul3A_400 = arith.constant 1.500000e+01 : f32
        %mul3A_401 = vector.broadcast %mul3A_400 : f32 to vector<16xf32>
        %mul3A_402 = arith.mulf %get3A_364, %mul3A_401 : vector<16xf32>
        %convert_element_type3A_403 = arith.fptosi %mul3A_402 : vector<16xf32> to vector<16xi32>
        %add3A_404 = arith.addi %mul3A_6, %convert_element_type3A_403 : vector<16xi32>
        %mul3A_405 = arith.constant 1.500000e+01 : f32
        %mul3A_406 = vector.broadcast %mul3A_405 : f32 to vector<16xf32>
        %mul3A_407 = arith.mulf %get3A_368, %mul3A_406 : vector<16xf32>
        %convert_element_type3A_408 = arith.fptosi %mul3A_407 : vector<16xf32> to vector<16xi32>
        %add3A_409 = arith.addi %mul3A_6, %convert_element_type3A_408 : vector<16xi32>
        %mul3A_410 = arith.constant 1.500000e+01 : f32
        %mul3A_411 = vector.broadcast %mul3A_410 : f32 to vector<16xf32>
        %mul3A_412 = arith.mulf %get3A_372, %mul3A_411 : vector<16xf32>
        %convert_element_type3A_413 = arith.fptosi %mul3A_412 : vector<16xf32> to vector<16xi32>
        %add3A_414 = arith.addi %mul3A_6, %convert_element_type3A_413 : vector<16xi32>
        %mul3A_415 = arith.constant 1.500000e+01 : f32
        %mul3A_416 = vector.broadcast %mul3A_415 : f32 to vector<16xf32>
        %mul3A_417 = arith.mulf %get3A_376, %mul3A_416 : vector<16xf32>
        %convert_element_type3A_418 = arith.fptosi %mul3A_417 : vector<16xf32> to vector<16xi32>
        %add3A_419 = arith.addi %mul3A_6, %convert_element_type3A_418 : vector<16xi32>
        %mul3A_420 = arith.constant 1.500000e+01 : f32
        %mul3A_421 = vector.broadcast %mul3A_420 : f32 to vector<16xf32>
        %mul3A_422 = arith.mulf %get3A_380, %mul3A_421 : vector<16xf32>
        %convert_element_type3A_423 = arith.fptosi %mul3A_422 : vector<16xf32> to vector<16xi32>
        %add3A_424 = arith.addi %mul3A_6, %convert_element_type3A_423 : vector<16xi32>
        %mul3A_425 = arith.constant 1.500000e+01 : f32
        %mul3A_426 = vector.broadcast %mul3A_425 : f32 to vector<16xf32>
        %mul3A_427 = arith.mulf %get3A_384, %mul3A_426 : vector<16xf32>
        %convert_element_type3A_428 = arith.fptosi %mul3A_427 : vector<16xf32> to vector<16xi32>
        %add3A_429 = arith.addi %mul3A_6, %convert_element_type3A_428 : vector<16xi32>
        %mul3A_430 = arith.constant 1.500000e+01 : f32
        %mul3A_431 = vector.broadcast %mul3A_430 : f32 to vector<16xf32>
        %mul3A_432 = arith.mulf %get3A_388, %mul3A_431 : vector<16xf32>
        %convert_element_type3A_433 = arith.fptosi %mul3A_432 : vector<16xf32> to vector<16xi32>
        %add3A_434 = arith.addi %mul3A_6, %convert_element_type3A_433 : vector<16xi32>
        %mul3A_435 = arith.constant 1.500000e+01 : f32
        %mul3A_436 = vector.broadcast %mul3A_435 : f32 to vector<16xf32>
        %mul3A_437 = arith.mulf %get3A_392, %mul3A_436 : vector<16xf32>
        %convert_element_type3A_438 = arith.fptosi %mul3A_437 : vector<16xf32> to vector<16xi32>
        %add3A_439 = arith.addi %mul3A_6, %convert_element_type3A_438 : vector<16xi32>
        %mul3A_440 = arith.constant 1.500000e+01 : f32
        %mul3A_441 = vector.broadcast %mul3A_440 : f32 to vector<16xf32>
        %mul3A_442 = arith.mulf %get3A_396, %mul3A_441 : vector<16xf32>
        %convert_element_type3A_443 = arith.fptosi %mul3A_442 : vector<16xf32> to vector<16xi32>
        %add3A_444 = arith.addi %mul3A_6, %convert_element_type3A_443 : vector<16xi32>
        %mul3A_445 = arith.constant 1.500000e+01 : f32
        %mul3A_446 = vector.broadcast %mul3A_445 : f32 to vector<16xf32>
        %mul3A_447 = arith.mulf %gather3A_399, %mul3A_446 : vector<16xf32>
        %convert_element_type3A_448 = arith.fptosi %mul3A_447 : vector<16xf32> to vector<16xi32>
        %gt3A_449 = arith.constant 0.000000e+00 : f32
        %gt3A_450 = vector.broadcast %gt3A_449 : f32 to vector<16xf32>
        %gt3A_451 = arith.cmpf ogt, %gather3A_399, %gt3A_450 : vector<16xf32>
        %ne3A_452 = arith.constant 1 : i32
        %ne3A_453 = vector.broadcast %ne3A_452 : i32 to vector<16xi32>
        %ne3A_454 = arith.cmpi ne, %get3A_360, %ne3A_453 : vector<16xi32>
        %and3A_455 = arith.andi %gt3A_451, %ne3A_454 : vector<16xi1>
        %mul3A_456 = arith.constant 16 : i32
        %mul3A_457 = vector.broadcast %mul3A_456 : i32 to vector<16xi32>
        %mul3A_458 = arith.muli %get3A_360, %mul3A_457 : vector<16xi32>
        %add3A_459 = arith.addi %mul3A_3, %mul3A_458 : vector<16xi32>
        %add3A_460 = arith.addi %add3A_459, %convert_element_type3A_448 : vector<16xi32>
        tpu.vector_store_idx %arg18[%add3A_404], %get3A_364 {add = true} : memref<256xf32, #tpu.memory_space<vmem>>[vector<16xi32>], vector<16xf32>,
        tpu.vector_store_idx %arg19[%add3A_409], %get3A_368 {add = true} : memref<256xf32, #tpu.memory_space<vmem>>[vector<16xi32>], vector<16xf32>,
        tpu.vector_store_idx %arg20[%add3A_414], %get3A_372 {add = true} : memref<256xf32, #tpu.memory_space<vmem>>[vector<16xi32>], vector<16xf32>,
        tpu.vector_store_idx %arg21[%add3A_419], %get3A_376 {add = true} : memref<256xf32, #tpu.memory_space<vmem>>[vector<16xi32>], vector<16xf32>,
        tpu.vector_store_idx %arg22[%add3A_424], %get3A_380 {add = true} : memref<256xf32, #tpu.memory_space<vmem>>[vector<16xi32>], vector<16xf32>,
        tpu.vector_store_idx %arg23[%add3A_429], %get3A_384 {add = true} : memref<256xf32, #tpu.memory_space<vmem>>[vector<16xi32>], vector<16xf32>,
        tpu.vector_store_idx %arg24[%add3A_434], %get3A_388 {add = true} : memref<256xf32, #tpu.memory_space<vmem>>[vector<16xi32>], vector<16xf32>,
        tpu.vector_store_idx %arg25[%add3A_439], %get3A_392 {add = true} : memref<256xf32, #tpu.memory_space<vmem>>[vector<16xi32>], vector<16xf32>,
        tpu.vector_store_idx %arg26[%add3A_444], %get3A_396 {add = true} : memref<256xf32, #tpu.memory_space<vmem>>[vector<16xi32>], vector<16xf32>,
        tpu.vector_store_idx %arg17[%add3A_460], %broadcast_in_dim3A_9 masked %and3A_455 {add = true} : memref<4096xf32, #tpu.memory_space<vmem>>[vector<16xi32>], vector<16xf32>, vector<16xi1>
        %scan3A_461 = arith.constant 0 : i32
        scf.yield %scan3A_461 : i32
      }
      %scan3A_232 = arith.constant 64 : i32
      %mul3A_233 = arith.constant 2 : i32
      %mul3A_234 = arith.muli %mul3A_233, %while3A_191 : i32
      %add3A_235 = arith.constant 2 : i32
      %add3A_236 = arith.addi %mul3A_234, %add3A_235 : i32
      %lt3A_237 = arith.cmpi slt, %add3A_236, %add3A_42 : i32
      %convert_element_type3A_238 = arith.extui %lt3A_237 : i1 to i32
      %cond3A_239 = arith.constant 0 : i32
      %cond3A_240 = arith.cmpi ne, %convert_element_type3A_238, %cond3A_239 : i32
      scf.if %cond3A_240 {
        %dma_start3A_250 = arith.constant 0 : i32
        %dma_start3A_251 = arith.constant 0 : i32
        %dma_start3A_252 = tpu.memref_slice %arg7[%dma_start3A_250, %dma_start3A_251] : memref<10x2048xf32, #tpu.memory_space<vmem>> -> memref<10x2048xf32, #tpu.memory_space<vmem>>
        %dma_start3A_253 = arith.constant 0 : i32
        %dma_start3A_254 = tpu.memref_slice %arg2[%dma_start3A_253, %add3A_203] : memref<10x1000000xf32, #tpu.memory_space<hbm>> -> memref<10x2048xf32, #tpu.memory_space<hbm>>
        %dma_start3A_255 = arith.constant 0 : i32
        %dma_start3A_256 = arith.constant 0 : i32
        %dma_start3A_257 = tpu.memref_slice %arg7[%dma_start3A_255, %dma_start3A_256] : memref<10x2048xf32, #tpu.memory_space<vmem>> -> memref<10x2048xf32, #tpu.memory_space<vmem>>
        %dma_start3A_258 = arith.constant 0 : i32
        %dma_start3A_259 = tpu.memref_slice %arg2[%dma_start3A_258, %add3A_203] : memref<10x1000000xf32, #tpu.memory_space<hbm>> -> memref<10x2048xf32, #tpu.memory_space<hbm>>
        tpu.enqueue_dma source(%dma_start3A_259 : memref<10x2048xf32, #tpu.memory_space<hbm>>) target(%dma_start3A_257 : memref<10x2048xf32, #tpu.memory_space<vmem>>) target_semaphore(%arg12 : memref<!tpu.dma_semaphore, #tpu.memory_space<semaphore_mem>>)
        %dma_start3A_260 = arith.constant 0 : i32
        %dma_start3A_261 = tpu.memref_slice %arg9[%dma_start3A_260] : memref<2048xi32, #tpu.memory_space<vmem>> -> memref<2048xi32, #tpu.memory_space<vmem>>
        %dma_start3A_262 = tpu.memref_slice %arg3[%add3A_203] : memref<1000000xi32, #tpu.memory_space<hbm>> -> memref<2048xi32, #tpu.memory_space<hbm>>
        %dma_start3A_263 = arith.constant 0 : i32
        %dma_start3A_264 = tpu.memref_slice %arg9[%dma_start3A_263] : memref<2048xi32, #tpu.memory_space<vmem>> -> memref<2048xi32, #tpu.memory_space<vmem>>
        %dma_start3A_265 = tpu.memref_slice %arg3[%add3A_203] : memref<1000000xi32, #tpu.memory_space<hbm>> -> memref<2048xi32, #tpu.memory_space<hbm>>
        tpu.enqueue_dma source(%dma_start3A_265 : memref<2048xi32, #tpu.memory_space<hbm>>) target(%dma_start3A_264 : memref<2048xi32, #tpu.memory_space<vmem>>) target_semaphore(%arg14 : memref<!tpu.dma_semaphore, #tpu.memory_space<semaphore_mem>>)
      } else {
      }
      %mul3A_241 = arith.constant 2 : i32
      %mul3A_242 = arith.muli %mul3A_241, %while3A_191 : i32
      %add3A_243 = arith.constant 1 : i32
      %add3A_244 = arith.addi %mul3A_242, %add3A_243 : i32
      %lt3A_245 = arith.cmpi slt, %add3A_244, %add3A_42 : i32
      %convert_element_type3A_246 = arith.extui %lt3A_245 : i1 to i32
      %cond3A_247 = arith.constant 0 : i32
      %cond3A_248 = arith.cmpi ne, %convert_element_type3A_246, %cond3A_247 : i32
      scf.if %cond3A_248 {
        %dma_wait3A_250 = arith.constant 0 : i32
        %dma_wait3A_251 = arith.constant 0 : i32
        %dma_wait3A_252 = tpu.memref_slice %arg8[%dma_wait3A_250, %dma_wait3A_251] : memref<10x2048xf32, #tpu.memory_space<vmem>> -> memref<10x2048xf32, #tpu.memory_space<vmem>>
        %dma_wait3A_253 = arith.constant 0 : i32
        %dma_wait3A_254 = tpu.memref_slice %arg2[%dma_wait3A_253, %add3A_201] : memref<10x1000000xf32, #tpu.memory_space<hbm>> -> memref<10x2048xf32, #tpu.memory_space<hbm>>
        %dma_wait3A_255 = arith.constant 0 : i32
        %dma_wait3A_256 = arith.constant 0 : i32
        %dma_wait3A_257 = tpu.memref_slice %arg8[%dma_wait3A_255, %dma_wait3A_256] : memref<10x2048xf32, #tpu.memory_space<vmem>> -> memref<10x2048xf32, #tpu.memory_space<vmem>>
        %dma_wait3A_258 = arith.constant 0 : i32
        %dma_wait3A_259 = tpu.memref_slice %arg2[%dma_wait3A_258, %add3A_201] : memref<10x1000000xf32, #tpu.memory_space<hbm>> -> memref<10x2048xf32, #tpu.memory_space<hbm>>
        tpu.wait_dma2 semaphore(%arg13 : memref<!tpu.dma_semaphore, #tpu.memory_space<semaphore_mem>>) src(%dma_wait3A_259 : memref<10x2048xf32, #tpu.memory_space<hbm>>) dst(%dma_wait3A_257 : memref<10x2048xf32, #tpu.memory_space<vmem>>)
        %dma_wait3A_260 = arith.constant 0 : i32
        %dma_wait3A_261 = tpu.memref_slice %arg10[%dma_wait3A_260] : memref<2048xi32, #tpu.memory_space<vmem>> -> memref<2048xi32, #tpu.memory_space<vmem>>
        %dma_wait3A_262 = tpu.memref_slice %arg3[%add3A_201] : memref<1000000xi32, #tpu.memory_space<hbm>> -> memref<2048xi32, #tpu.memory_space<hbm>>
        %dma_wait3A_263 = arith.constant 0 : i32
        %dma_wait3A_264 = tpu.memref_slice %arg10[%dma_wait3A_263] : memref<2048xi32, #tpu.memory_space<vmem>> -> memref<2048xi32, #tpu.memory_space<vmem>>
        %dma_wait3A_265 = tpu.memref_slice %arg3[%add3A_201] : memref<1000000xi32, #tpu.memory_space<hbm>> -> memref<2048xi32, #tpu.memory_space<hbm>>
        tpu.wait_dma2 semaphore(%arg15 : memref<!tpu.dma_semaphore, #tpu.memory_space<semaphore_mem>>) src(%dma_wait3A_265 : memref<2048xi32, #tpu.memory_space<hbm>>) dst(%dma_wait3A_264 : memref<2048xi32, #tpu.memory_space<vmem>>)
        %scan3A_266 = arith.constant 0 : i32
        %scan3A_267 = arith.constant 0 : i32
        %scan3A_268 = arith.constant 64 : i32
        %scan3A_269 = arith.addi %scan3A_267, %scan3A_268 : i32
        %scan3A_270 = arith.constant 1 : i32
        %scan3A_271 = scf.for %scan3A_273 = %scan3A_267 to %scan3A_269 step %scan3A_270 iter_args(%scan3A_274 = %scan3A_266) -> (i32)  : i32 {
          %mul3A_275 = arith.constant 32 : i32
          %mul3A_276 = arith.muli %scan3A_273, %mul3A_275 : i32
          %add3A_277 = arith.constant 0 : i32
          %add3A_278 = arith.addi %mul3A_276, %add3A_277 : i32
          %get3A = arith.index_cast %add3A_278 : i32 to index
          %get3A_279 = tpu.vector_load %arg10[%get3A] {strides = array<i32>} : memref<2048xi32, #tpu.memory_space<vmem>>, vector<16xi32>,
          %get3A_280 = arith.constant 0 : i32
          %get3A_281 = arith.index_cast %get3A_280 : i32 to index
          %get3A_282 = arith.index_cast %add3A_278 : i32 to index
          %get3A_283 = tpu.vector_load %arg8[%get3A_281, %get3A_282] {strides = array<i32>} : memref<10x2048xf32, #tpu.memory_space<vmem>>, vector<16xf32>,
          %get3A_284 = arith.constant 2 : i32
          %get3A_285 = arith.index_cast %get3A_284 : i32 to index
          %get3A_286 = arith.index_cast %add3A_278 : i32 to index
          %get3A_287 = tpu.vector_load %arg8[%get3A_285, %get3A_286] {strides = array<i32>} : memref<10x2048xf32, #tpu.memory_space<vmem>>, vector<16xf32>,
          %get3A_288 = arith.constant 3 : i32
          %get3A_289 = arith.index_cast %get3A_288 : i32 to index
          %get3A_290 = arith.index_cast %add3A_278 : i32 to index
          %get3A_291 = tpu.vector_load %arg8[%get3A_289, %get3A_290] {strides = array<i32>} : memref<10x2048xf32, #tpu.memory_space<vmem>>, vector<16xf32>,
          %get3A_292 = arith.constant 4 : i32
          %get3A_293 = arith.index_cast %get3A_292 : i32 to index
          %get3A_294 = arith.index_cast %add3A_278 : i32 to index
          %get3A_295 = tpu.vector_load %arg8[%get3A_293, %get3A_294] {strides = array<i32>} : memref<10x2048xf32, #tpu.memory_space<vmem>>, vector<16xf32>,
          %get3A_296 = arith.constant 5 : i32
          %get3A_297 = arith.index_cast %get3A_296 : i32 to index
          %get3A_298 = arith.index_cast %add3A_278 : i32 to index
          %get3A_299 = tpu.vector_load %arg8[%get3A_297, %get3A_298] {strides = array<i32>} : memref<10x2048xf32, #tpu.memory_space<vmem>>, vector<16xf32>,
          %get3A_300 = arith.constant 6 : i32
          %get3A_301 = arith.index_cast %get3A_300 : i32 to index
          %get3A_302 = arith.index_cast %add3A_278 : i32 to index
          %get3A_303 = tpu.vector_load %arg8[%get3A_301, %get3A_302] {strides = array<i32>} : memref<10x2048xf32, #tpu.memory_space<vmem>>, vector<16xf32>,
          %get3A_304 = arith.constant 7 : i32
          %get3A_305 = arith.index_cast %get3A_304 : i32 to index
          %get3A_306 = arith.index_cast %add3A_278 : i32 to index
          %get3A_307 = tpu.vector_load %arg8[%get3A_305, %get3A_306] {strides = array<i32>} : memref<10x2048xf32, #tpu.memory_space<vmem>>, vector<16xf32>,
          %get3A_308 = arith.constant 8 : i32
          %get3A_309 = arith.index_cast %get3A_308 : i32 to index
          %get3A_310 = arith.index_cast %add3A_278 : i32 to index
          %get3A_311 = tpu.vector_load %arg8[%get3A_309, %get3A_310] {strides = array<i32>} : memref<10x2048xf32, #tpu.memory_space<vmem>>, vector<16xf32>,
          %get3A_312 = arith.constant 9 : i32
          %get3A_313 = arith.index_cast %get3A_312 : i32 to index
          %get3A_314 = arith.index_cast %add3A_278 : i32 to index
          %get3A_315 = tpu.vector_load %arg8[%get3A_313, %get3A_314] {strides = array<i32>} : memref<10x2048xf32, #tpu.memory_space<vmem>>, vector<16xf32>,
          %add3A_316 = vector.broadcast %add3A_278 : i32 to vector<16xi32>
          %add3A_317 = arith.addi %iota3A, %add3A_316 : vector<16xi32>
          %gather3A = tpu.vector_load_idx %arg8[%get3A_279, %add3A_317] : memref<10x2048xf32, #tpu.memory_space<vmem>>[vector<16xi32>, vector<16xi32>], vector<16xf32>,
          %mul3A_318 = arith.constant 1.500000e+01 : f32
          %mul3A_319 = vector.broadcast %mul3A_318 : f32 to vector<16xf32>
          %mul3A_320 = arith.mulf %get3A_283, %mul3A_319 : vector<16xf32>
          %convert_element_type3A_321 = arith.fptosi %mul3A_320 : vector<16xf32> to vector<16xi32>
          %add3A_322 = arith.addi %mul3A_6, %convert_element_type3A_321 : vector<16xi32>
          %mul3A_323 = arith.constant 1.500000e+01 : f32
          %mul3A_324 = vector.broadcast %mul3A_323 : f32 to vector<16xf32>
          %mul3A_325 = arith.mulf %get3A_287, %mul3A_324 : vector<16xf32>
          %convert_element_type3A_326 = arith.fptosi %mul3A_325 : vector<16xf32> to vector<16xi32>
          %add3A_327 = arith.addi %mul3A_6, %convert_element_type3A_326 : vector<16xi32>
          %mul3A_328 = arith.constant 1.500000e+01 : f32
          %mul3A_329 = vector.broadcast %mul3A_328 : f32 to vector<16xf32>
          %mul3A_330 = arith.mulf %get3A_291, %mul3A_329 : vector<16xf32>
          %convert_element_type3A_331 = arith.fptosi %mul3A_330 : vector<16xf32> to vector<16xi32>
          %add3A_332 = arith.addi %mul3A_6, %convert_element_type3A_331 : vector<16xi32>
          %mul3A_333 = arith.constant 1.500000e+01 : f32
          %mul3A_334 = vector.broadcast %mul3A_333 : f32 to vector<16xf32>
          %mul3A_335 = arith.mulf %get3A_295, %mul3A_334 : vector<16xf32>
          %convert_element_type3A_336 = arith.fptosi %mul3A_335 : vector<16xf32> to vector<16xi32>
          %add3A_337 = arith.addi %mul3A_6, %convert_element_type3A_336 : vector<16xi32>
          %mul3A_338 = arith.constant 1.500000e+01 : f32
          %mul3A_339 = vector.broadcast %mul3A_338 : f32 to vector<16xf32>
          %mul3A_340 = arith.mulf %get3A_299, %mul3A_339 : vector<16xf32>
          %convert_element_type3A_341 = arith.fptosi %mul3A_340 : vector<16xf32> to vector<16xi32>
          %add3A_342 = arith.addi %mul3A_6, %convert_element_type3A_341 : vector<16xi32>
          %mul3A_343 = arith.constant 1.500000e+01 : f32
          %mul3A_344 = vector.broadcast %mul3A_343 : f32 to vector<16xf32>
          %mul3A_345 = arith.mulf %get3A_303, %mul3A_344 : vector<16xf32>
          %convert_element_type3A_346 = arith.fptosi %mul3A_345 : vector<16xf32> to vector<16xi32>
          %add3A_347 = arith.addi %mul3A_6, %convert_element_type3A_346 : vector<16xi32>
          %mul3A_348 = arith.constant 1.500000e+01 : f32
          %mul3A_349 = vector.broadcast %mul3A_348 : f32 to vector<16xf32>
          %mul3A_350 = arith.mulf %get3A_307, %mul3A_349 : vector<16xf32>
          %convert_element_type3A_351 = arith.fptosi %mul3A_350 : vector<16xf32> to vector<16xi32>
          %add3A_352 = arith.addi %mul3A_6, %convert_element_type3A_351 : vector<16xi32>
          %mul3A_353 = arith.constant 1.500000e+01 : f32
          %mul3A_354 = vector.broadcast %mul3A_353 : f32 to vector<16xf32>
          %mul3A_355 = arith.mulf %get3A_311, %mul3A_354 : vector<16xf32>
          %convert_element_type3A_356 = arith.fptosi %mul3A_355 : vector<16xf32> to vector<16xi32>
          %add3A_357 = arith.addi %mul3A_6, %convert_element_type3A_356 : vector<16xi32>
          %mul3A_358 = arith.constant 1.500000e+01 : f32
          %mul3A_359 = vector.broadcast %mul3A_358 : f32 to vector<16xf32>
          %mul3A_360 = arith.mulf %get3A_315, %mul3A_359 : vector<16xf32>
          %convert_element_type3A_361 = arith.fptosi %mul3A_360 : vector<16xf32> to vector<16xi32>
          %add3A_362 = arith.addi %mul3A_6, %convert_element_type3A_361 : vector<16xi32>
          %mul3A_363 = arith.constant 1.500000e+01 : f32
          %mul3A_364 = vector.broadcast %mul3A_363 : f32 to vector<16xf32>
          %mul3A_365 = arith.mulf %gather3A, %mul3A_364 : vector<16xf32>
          %convert_element_type3A_366 = arith.fptosi %mul3A_365 : vector<16xf32> to vector<16xi32>
          %gt3A = arith.constant 0.000000e+00 : f32
          %gt3A_367 = vector.broadcast %gt3A : f32 to vector<16xf32>
          %gt3A_368 = arith.cmpf ogt, %gather3A, %gt3A_367 : vector<16xf32>
          %ne3A_369 = arith.constant 1 : i32
          %ne3A_370 = vector.broadcast %ne3A_369 : i32 to vector<16xi32>
          %ne3A_371 = arith.cmpi ne, %get3A_279, %ne3A_370 : vector<16xi32>
          %and3A_372 = arith.andi %gt3A_368, %ne3A_371 : vector<16xi1>
          %mul3A_373 = arith.constant 16 : i32
          %mul3A_374 = vector.broadcast %mul3A_373 : i32 to vector<16xi32>
          %mul3A_375 = arith.muli %get3A_279, %mul3A_374 : vector<16xi32>
          %add3A_376 = arith.addi %mul3A_3, %mul3A_375 : vector<16xi32>
          %add3A_377 = arith.addi %add3A_376, %convert_element_type3A_366 : vector<16xi32>
          tpu.vector_store_idx %arg18[%add3A_322], %get3A_283 {add = true} : memref<256xf32, #tpu.memory_space<vmem>>[vector<16xi32>], vector<16xf32>,
          tpu.vector_store_idx %arg19[%add3A_327], %get3A_287 {add = true} : memref<256xf32, #tpu.memory_space<vmem>>[vector<16xi32>], vector<16xf32>,
          tpu.vector_store_idx %arg20[%add3A_332], %get3A_291 {add = true} : memref<256xf32, #tpu.memory_space<vmem>>[vector<16xi32>], vector<16xf32>,
          tpu.vector_store_idx %arg21[%add3A_337], %get3A_295 {add = true} : memref<256xf32, #tpu.memory_space<vmem>>[vector<16xi32>], vector<16xf32>,
          tpu.vector_store_idx %arg22[%add3A_342], %get3A_299 {add = true} : memref<256xf32, #tpu.memory_space<vmem>>[vector<16xi32>], vector<16xf32>,
          tpu.vector_store_idx %arg23[%add3A_347], %get3A_303 {add = true} : memref<256xf32, #tpu.memory_space<vmem>>[vector<16xi32>], vector<16xf32>,
          tpu.vector_store_idx %arg24[%add3A_352], %get3A_307 {add = true} : memref<256xf32, #tpu.memory_space<vmem>>[vector<16xi32>], vector<16xf32>,
          tpu.vector_store_idx %arg25[%add3A_357], %get3A_311 {add = true} : memref<256xf32, #tpu.memory_space<vmem>>[vector<16xi32>], vector<16xf32>,
          tpu.vector_store_idx %arg26[%add3A_362], %get3A_315 {add = true} : memref<256xf32, #tpu.memory_space<vmem>>[vector<16xi32>], vector<16xf32>,
          tpu.vector_store_idx %arg16[%add3A_377], %broadcast_in_dim3A_9 masked %and3A_372 {add = true} : memref<4096xf32, #tpu.memory_space<vmem>>[vector<16xi32>], vector<16xf32>, vector<16xi1>
          %mul3A_378 = arith.constant 32 : i32
          %mul3A_379 = arith.muli %scan3A_273, %mul3A_378 : i32
          %add3A_380 = arith.constant 16 : i32
          %add3A_381 = arith.addi %mul3A_379, %add3A_380 : i32
          %get3A_382 = arith.index_cast %add3A_381 : i32 to index
          %get3A_383 = tpu.vector_load %arg10[%get3A_382] {strides = array<i32>} : memref<2048xi32, #tpu.memory_space<vmem>>, vector<16xi32>,
          %get3A_384 = arith.constant 0 : i32
          %get3A_385 = arith.index_cast %get3A_384 : i32 to index
          %get3A_386 = arith.index_cast %add3A_381 : i32 to index
          %get3A_387 = tpu.vector_load %arg8[%get3A_385, %get3A_386] {strides = array<i32>} : memref<10x2048xf32, #tpu.memory_space<vmem>>, vector<16xf32>,
          %get3A_388 = arith.constant 2 : i32
          %get3A_389 = arith.index_cast %get3A_388 : i32 to index
          %get3A_390 = arith.index_cast %add3A_381 : i32 to index
          %get3A_391 = tpu.vector_load %arg8[%get3A_389, %get3A_390] {strides = array<i32>} : memref<10x2048xf32, #tpu.memory_space<vmem>>, vector<16xf32>,
          %get3A_392 = arith.constant 3 : i32
          %get3A_393 = arith.index_cast %get3A_392 : i32 to index
          %get3A_394 = arith.index_cast %add3A_381 : i32 to index
          %get3A_395 = tpu.vector_load %arg8[%get3A_393, %get3A_394] {strides = array<i32>} : memref<10x2048xf32, #tpu.memory_space<vmem>>, vector<16xf32>,
          %get3A_396 = arith.constant 4 : i32
          %get3A_397 = arith.index_cast %get3A_396 : i32 to index
          %get3A_398 = arith.index_cast %add3A_381 : i32 to index
          %get3A_399 = tpu.vector_load %arg8[%get3A_397, %get3A_398] {strides = array<i32>} : memref<10x2048xf32, #tpu.memory_space<vmem>>, vector<16xf32>,
          %get3A_400 = arith.constant 5 : i32
          %get3A_401 = arith.index_cast %get3A_400 : i32 to index
          %get3A_402 = arith.index_cast %add3A_381 : i32 to index
          %get3A_403 = tpu.vector_load %arg8[%get3A_401, %get3A_402] {strides = array<i32>} : memref<10x2048xf32, #tpu.memory_space<vmem>>, vector<16xf32>,
          %get3A_404 = arith.constant 6 : i32
          %get3A_405 = arith.index_cast %get3A_404 : i32 to index
          %get3A_406 = arith.index_cast %add3A_381 : i32 to index
          %get3A_407 = tpu.vector_load %arg8[%get3A_405, %get3A_406] {strides = array<i32>} : memref<10x2048xf32, #tpu.memory_space<vmem>>, vector<16xf32>,
          %get3A_408 = arith.constant 7 : i32
          %get3A_409 = arith.index_cast %get3A_408 : i32 to index
          %get3A_410 = arith.index_cast %add3A_381 : i32 to index
          %get3A_411 = tpu.vector_load %arg8[%get3A_409, %get3A_410] {strides = array<i32>} : memref<10x2048xf32, #tpu.memory_space<vmem>>, vector<16xf32>,
          %get3A_412 = arith.constant 8 : i32
          %get3A_413 = arith.index_cast %get3A_412 : i32 to index
          %get3A_414 = arith.index_cast %add3A_381 : i32 to index
          %get3A_415 = tpu.vector_load %arg8[%get3A_413, %get3A_414] {strides = array<i32>} : memref<10x2048xf32, #tpu.memory_space<vmem>>, vector<16xf32>,
          %get3A_416 = arith.constant 9 : i32
          %get3A_417 = arith.index_cast %get3A_416 : i32 to index
          %get3A_418 = arith.index_cast %add3A_381 : i32 to index
          %get3A_419 = tpu.vector_load %arg8[%get3A_417, %get3A_418] {strides = array<i32>} : memref<10x2048xf32, #tpu.memory_space<vmem>>, vector<16xf32>,
          %add3A_420 = vector.broadcast %add3A_381 : i32 to vector<16xi32>
          %add3A_421 = arith.addi %iota3A, %add3A_420 : vector<16xi32>
          %gather3A_422 = tpu.vector_load_idx %arg8[%get3A_383, %add3A_421] : memref<10x2048xf32, #tpu.memory_space<vmem>>[vector<16xi32>, vector<16xi32>], vector<16xf32>,
          %mul3A_423 = arith.constant 1.500000e+01 : f32
          %mul3A_424 = vector.broadcast %mul3A_423 : f32 to vector<16xf32>
          %mul3A_425 = arith.mulf %get3A_387, %mul3A_424 : vector<16xf32>
          %convert_element_type3A_426 = arith.fptosi %mul3A_425 : vector<16xf32> to vector<16xi32>
          %add3A_427 = arith.addi %mul3A_6, %convert_element_type3A_426 : vector<16xi32>
          %mul3A_428 = arith.constant 1.500000e+01 : f32
          %mul3A_429 = vector.broadcast %mul3A_428 : f32 to vector<16xf32>
          %mul3A_430 = arith.mulf %get3A_391, %mul3A_429 : vector<16xf32>
          %convert_element_type3A_431 = arith.fptosi %mul3A_430 : vector<16xf32> to vector<16xi32>
          %add3A_432 = arith.addi %mul3A_6, %convert_element_type3A_431 : vector<16xi32>
          %mul3A_433 = arith.constant 1.500000e+01 : f32
          %mul3A_434 = vector.broadcast %mul3A_433 : f32 to vector<16xf32>
          %mul3A_435 = arith.mulf %get3A_395, %mul3A_434 : vector<16xf32>
          %convert_element_type3A_436 = arith.fptosi %mul3A_435 : vector<16xf32> to vector<16xi32>
          %add3A_437 = arith.addi %mul3A_6, %convert_element_type3A_436 : vector<16xi32>
          %mul3A_438 = arith.constant 1.500000e+01 : f32
          %mul3A_439 = vector.broadcast %mul3A_438 : f32 to vector<16xf32>
          %mul3A_440 = arith.mulf %get3A_399, %mul3A_439 : vector<16xf32>
          %convert_element_type3A_441 = arith.fptosi %mul3A_440 : vector<16xf32> to vector<16xi32>
          %add3A_442 = arith.addi %mul3A_6, %convert_element_type3A_441 : vector<16xi32>
          %mul3A_443 = arith.constant 1.500000e+01 : f32
          %mul3A_444 = vector.broadcast %mul3A_443 : f32 to vector<16xf32>
          %mul3A_445 = arith.mulf %get3A_403, %mul3A_444 : vector<16xf32>
          %convert_element_type3A_446 = arith.fptosi %mul3A_445 : vector<16xf32> to vector<16xi32>
          %add3A_447 = arith.addi %mul3A_6, %convert_element_type3A_446 : vector<16xi32>
          %mul3A_448 = arith.constant 1.500000e+01 : f32
          %mul3A_449 = vector.broadcast %mul3A_448 : f32 to vector<16xf32>
          %mul3A_450 = arith.mulf %get3A_407, %mul3A_449 : vector<16xf32>
          %convert_element_type3A_451 = arith.fptosi %mul3A_450 : vector<16xf32> to vector<16xi32>
          %add3A_452 = arith.addi %mul3A_6, %convert_element_type3A_451 : vector<16xi32>
          %mul3A_453 = arith.constant 1.500000e+01 : f32
          %mul3A_454 = vector.broadcast %mul3A_453 : f32 to vector<16xf32>
          %mul3A_455 = arith.mulf %get3A_411, %mul3A_454 : vector<16xf32>
          %convert_element_type3A_456 = arith.fptosi %mul3A_455 : vector<16xf32> to vector<16xi32>
          %add3A_457 = arith.addi %mul3A_6, %convert_element_type3A_456 : vector<16xi32>
          %mul3A_458 = arith.constant 1.500000e+01 : f32
          %mul3A_459 = vector.broadcast %mul3A_458 : f32 to vector<16xf32>
          %mul3A_460 = arith.mulf %get3A_415, %mul3A_459 : vector<16xf32>
          %convert_element_type3A_461 = arith.fptosi %mul3A_460 : vector<16xf32> to vector<16xi32>
          %add3A_462 = arith.addi %mul3A_6, %convert_element_type3A_461 : vector<16xi32>
          %mul3A_463 = arith.constant 1.500000e+01 : f32
          %mul3A_464 = vector.broadcast %mul3A_463 : f32 to vector<16xf32>
          %mul3A_465 = arith.mulf %get3A_419, %mul3A_464 : vector<16xf32>
          %convert_element_type3A_466 = arith.fptosi %mul3A_465 : vector<16xf32> to vector<16xi32>
          %add3A_467 = arith.addi %mul3A_6, %convert_element_type3A_466 : vector<16xi32>
          %mul3A_468 = arith.constant 1.500000e+01 : f32
          %mul3A_469 = vector.broadcast %mul3A_468 : f32 to vector<16xf32>
          %mul3A_470 = arith.mulf %gather3A_422, %mul3A_469 : vector<16xf32>
          %convert_element_type3A_471 = arith.fptosi %mul3A_470 : vector<16xf32> to vector<16xi32>
          %gt3A_472 = arith.constant 0.000000e+00 : f32
          %gt3A_473 = vector.broadcast %gt3A_472 : f32 to vector<16xf32>
          %gt3A_474 = arith.cmpf ogt, %gather3A_422, %gt3A_473 : vector<16xf32>
          %ne3A_475 = arith.constant 1 : i32
          %ne3A_476 = vector.broadcast %ne3A_475 : i32 to vector<16xi32>
          %ne3A_477 = arith.cmpi ne, %get3A_383, %ne3A_476 : vector<16xi32>
          %and3A_478 = arith.andi %gt3A_474, %ne3A_477 : vector<16xi1>
          %mul3A_479 = arith.constant 16 : i32
          %mul3A_480 = vector.broadcast %mul3A_479 : i32 to vector<16xi32>
          %mul3A_481 = arith.muli %get3A_383, %mul3A_480 : vector<16xi32>
          %add3A_482 = arith.addi %mul3A_3, %mul3A_481 : vector<16xi32>
          %add3A_483 = arith.addi %add3A_482, %convert_element_type3A_471 : vector<16xi32>
          tpu.vector_store_idx %arg18[%add3A_427], %get3A_387 {add = true} : memref<256xf32, #tpu.memory_space<vmem>>[vector<16xi32>], vector<16xf32>,
          tpu.vector_store_idx %arg19[%add3A_432], %get3A_391 {add = true} : memref<256xf32, #tpu.memory_space<vmem>>[vector<16xi32>], vector<16xf32>,
          tpu.vector_store_idx %arg20[%add3A_437], %get3A_395 {add = true} : memref<256xf32, #tpu.memory_space<vmem>>[vector<16xi32>], vector<16xf32>,
          tpu.vector_store_idx %arg21[%add3A_442], %get3A_399 {add = true} : memref<256xf32, #tpu.memory_space<vmem>>[vector<16xi32>], vector<16xf32>,
          tpu.vector_store_idx %arg22[%add3A_447], %get3A_403 {add = true} : memref<256xf32, #tpu.memory_space<vmem>>[vector<16xi32>], vector<16xf32>,
          tpu.vector_store_idx %arg23[%add3A_452], %get3A_407 {add = true} : memref<256xf32, #tpu.memory_space<vmem>>[vector<16xi32>], vector<16xf32>,
          tpu.vector_store_idx %arg24[%add3A_457], %get3A_411 {add = true} : memref<256xf32, #tpu.memory_space<vmem>>[vector<16xi32>], vector<16xf32>,
          tpu.vector_store_idx %arg25[%add3A_462], %get3A_415 {add = true} : memref<256xf32, #tpu.memory_space<vmem>>[vector<16xi32>], vector<16xf32>,
          tpu.vector_store_idx %arg26[%add3A_467], %get3A_419 {add = true} : memref<256xf32, #tpu.memory_space<vmem>>[vector<16xi32>], vector<16xf32>,
          tpu.vector_store_idx %arg17[%add3A_483], %broadcast_in_dim3A_9 masked %and3A_478 {add = true} : memref<4096xf32, #tpu.memory_space<vmem>>[vector<16xi32>], vector<16xf32>, vector<16xi1>
          %scan3A_484 = arith.constant 0 : i32
          scf.yield %scan3A_484 : i32
        }
        %scan3A_272 = arith.constant 64 : i32
      } else {
      }
      %while3A_249 = arith.constant 0 : i32
      scf.yield %while3A_249 : i32
    }
    %while3A_95 = arith.constant 1 : i32
    %while3A_96 = scf.for %while3A_191 = %while3A_92 to %while3A_88 step %while3A_95 iter_args(%while3A_192 = %while3A_94) -> (i32)  : i32 {
      %mul3A_193 = arith.constant 2 : i32
      %mul3A_194 = arith.muli %mul3A_193, %while3A_191 : i32
      %mul3A_195 = arith.constant 32 : i32
      %mul3A_196 = arith.muli %mul3A_194, %mul3A_195 : i32
      %add3A_197 = arith.addi %add3A, %mul3A_196 : i32
      %mul3A_198 = arith.constant 2048 : i32
      %mul3A_199 = arith.muli %add3A_197, %mul3A_198 : i32
      %add3A_200 = arith.constant 65536 : i32
      %add3A_201 = arith.addi %mul3A_199, %add3A_200 : i32
      %add3A_202 = arith.constant 65536 : i32
      %add3A_203 = arith.addi %add3A_201, %add3A_202 : i32
      %dma_wait3A = arith.constant 0 : i32
      %dma_wait3A_204 = arith.constant 0 : i32
      %dma_wait3A_205 = tpu.memref_slice %arg7[%dma_wait3A, %dma_wait3A_204] : memref<10x2048xf32, #tpu.memory_space<vmem>> -> memref<10x2048xf32, #tpu.memory_space<vmem>>
      %dma_wait3A_206 = arith.constant 0 : i32
      %dma_wait3A_207 = tpu.memref_slice %arg2[%dma_wait3A_206, %mul3A_199] : memref<10x1000000xf32, #tpu.memory_space<hbm>> -> memref<10x2048xf32, #tpu.memory_space<hbm>>
      %dma_wait3A_208 = arith.constant 0 : i32
      %dma_wait3A_209 = arith.constant 0 : i32
      %dma_wait3A_210 = tpu.memref_slice %arg7[%dma_wait3A_208, %dma_wait3A_209] : memref<10x2048xf32, #tpu.memory_space<vmem>> -> memref<10x2048xf32, #tpu.memory_space<vmem>>
      %dma_wait3A_211 = arith.constant 0 : i32
      %dma_wait3A_212 = tpu.memref_slice %arg2[%dma_wait3A_211, %mul3A_199] : memref<10x1000000xf32, #tpu.memory_space<hbm>> -> memref<10x2048xf32, #tpu.memory_space<hbm>>
      tpu.wait_dma2 semaphore(%arg12 : memref<!tpu.dma_semaphore, #tpu.memory_space<semaphore_mem>>) src(%dma_wait3A_212 : memref<10x2048xf32, #tpu.memory_space<hbm>>) dst(%dma_wait3A_210 : memref<10x2048xf32, #tpu.memory_space<vmem>>)
      %dma_wait3A_213 = arith.constant 0 : i32
      %dma_wait3A_214 = tpu.memref_slice %arg9[%dma_wait3A_213] : memref<2048xi32, #tpu.memory_space<vmem>> -> memref<2048xi32, #tpu.memory_space<vmem>>
      %dma_wait3A_215 = tpu.memref_slice %arg3[%mul3A_199] : memref<1000000xi32, #tpu.memory_space<hbm>> -> memref<2048xi32, #tpu.memory_space<hbm>>
      %dma_wait3A_216 = arith.constant 0 : i32
      %dma_wait3A_217 = tpu.memref_slice %arg9[%dma_wait3A_216] : memref<2048xi32, #tpu.memory_space<vmem>> -> memref<2048xi32, #tpu.memory_space<vmem>>
      %dma_wait3A_218 = tpu.memref_slice %arg3[%mul3A_199] : memref<1000000xi32, #tpu.memory_space<hbm>> -> memref<2048xi32, #tpu.memory_space<hbm>>
      tpu.wait_dma2 semaphore(%arg14 : memref<!tpu.dma_semaphore, #tpu.memory_space<semaphore_mem>>) src(%dma_wait3A_218 : memref<2048xi32, #tpu.memory_space<hbm>>) dst(%dma_wait3A_217 : memref<2048xi32, #tpu.memory_space<vmem>>)
      %mul3A_219 = arith.constant 2 : i32
      %mul3A_220 = arith.muli %mul3A_219, %while3A_191 : i32
      %add3A_221 = arith.constant 1 : i32
      %add3A_222 = arith.addi %mul3A_220, %add3A_221 : i32
      %lt3A = arith.cmpi slt, %add3A_222, %add3A_42 : i32
      %convert_element_type3A_223 = arith.extui %lt3A : i1 to i32
      %cond3A_224 = arith.constant 0 : i32
      %cond3A_225 = arith.cmpi ne, %convert_element_type3A_223, %cond3A_224 : i32
      scf.if %cond3A_225 {
        %dma_start3A_250 = arith.constant 0 : i32
        %dma_start3A_251 = arith.constant 0 : i32
        %dma_start3A_252 = tpu.memref_slice %arg8[%dma_start3A_250, %dma_start3A_251] : memref<10x2048xf32, #tpu.memory_space<vmem>> -> memref<10x2048xf32, #tpu.memory_space<vmem>>
        %dma_start3A_253 = arith.constant 0 : i32
        %dma_start3A_254 = tpu.memref_slice %arg2[%dma_start3A_253, %add3A_201] : memref<10x1000000xf32, #tpu.memory_space<hbm>> -> memref<10x2048xf32, #tpu.memory_space<hbm>>
        %dma_start3A_255 = arith.constant 0 : i32
        %dma_start3A_256 = arith.constant 0 : i32
        %dma_start3A_257 = tpu.memref_slice %arg8[%dma_start3A_255, %dma_start3A_256] : memref<10x2048xf32, #tpu.memory_space<vmem>> -> memref<10x2048xf32, #tpu.memory_space<vmem>>
        %dma_start3A_258 = arith.constant 0 : i32
        %dma_start3A_259 = tpu.memref_slice %arg2[%dma_start3A_258, %add3A_201] : memref<10x1000000xf32, #tpu.memory_space<hbm>> -> memref<10x2048xf32, #tpu.memory_space<hbm>>
        tpu.enqueue_dma source(%dma_start3A_259 : memref<10x2048xf32, #tpu.memory_space<hbm>>) target(%dma_start3A_257 : memref<10x2048xf32, #tpu.memory_space<vmem>>) target_semaphore(%arg13 : memref<!tpu.dma_semaphore, #tpu.memory_space<semaphore_mem>>)
        %dma_start3A_260 = arith.constant 0 : i32
        %dma_start3A_261 = tpu.memref_slice %arg10[%dma_start3A_260] : memref<2048xi32, #tpu.memory_space<vmem>> -> memref<2048xi32, #tpu.memory_space<vmem>>
        %dma_start3A_262 = tpu.memref_slice %arg3[%add3A_201] : memref<1000000xi32, #tpu.memory_space<hbm>> -> memref<2048xi32, #tpu.memory_space<hbm>>
        %dma_start3A_263 = arith.constant 0 : i32
        %dma_start3A_264 = tpu.memref_slice %arg10[%dma_start3A_263] : memref<2048xi32, #tpu.memory_space<vmem>> -> memref<2048xi32, #tpu.memory_space<vmem>>
        %dma_start3A_265 = tpu.memref_slice %arg3[%add3A_201] : memref<1000000xi32, #tpu.memory_space<hbm>> -> memref<2048xi32, #tpu.memory_space<hbm>>
        tpu.enqueue_dma source(%dma_start3A_265 : memref<2048xi32, #tpu.memory_space<hbm>>) target(%dma_start3A_264 : memref<2048xi32, #tpu.memory_space<vmem>>) target_semaphore(%arg15 : memref<!tpu.dma_semaphore, #tpu.memory_space<semaphore_mem>>)
      } else {
      }
      %scan3A_226 = arith.constant 0 : i32
      %scan3A_227 = arith.constant 0 : i32
      %scan3A_228 = arith.constant 64 : i32
      %scan3A_229 = arith.addi %scan3A_227, %scan3A_228 : i32
      %scan3A_230 = arith.constant 1 : i32
      %scan3A_231 = scf.for %scan3A_250 = %scan3A_227 to %scan3A_229 step %scan3A_230 iter_args(%scan3A_251 = %scan3A_226) -> (i32)  : i32 {
        %mul3A_252 = arith.constant 32 : i32
        %mul3A_253 = arith.muli %scan3A_250, %mul3A_252 : i32
        %add3A_254 = arith.constant 0 : i32
        %add3A_255 = arith.addi %mul3A_253, %add3A_254 : i32
        %get3A = arith.index_cast %add3A_255 : i32 to index
        %get3A_256 = tpu.vector_load %arg9[%get3A] {strides = array<i32>} : memref<2048xi32, #tpu.memory_space<vmem>>, vector<16xi32>,
        %get3A_257 = arith.constant 0 : i32
        %get3A_258 = arith.index_cast %get3A_257 : i32 to index
        %get3A_259 = arith.index_cast %add3A_255 : i32 to index
        %get3A_260 = tpu.vector_load %arg7[%get3A_258, %get3A_259] {strides = array<i32>} : memref<10x2048xf32, #tpu.memory_space<vmem>>, vector<16xf32>,
        %get3A_261 = arith.constant 2 : i32
        %get3A_262 = arith.index_cast %get3A_261 : i32 to index
        %get3A_263 = arith.index_cast %add3A_255 : i32 to index
        %get3A_264 = tpu.vector_load %arg7[%get3A_262, %get3A_263] {strides = array<i32>} : memref<10x2048xf32, #tpu.memory_space<vmem>>, vector<16xf32>,
        %get3A_265 = arith.constant 3 : i32
        %get3A_266 = arith.index_cast %get3A_265 : i32 to index
        %get3A_267 = arith.index_cast %add3A_255 : i32 to index
        %get3A_268 = tpu.vector_load %arg7[%get3A_266, %get3A_267] {strides = array<i32>} : memref<10x2048xf32, #tpu.memory_space<vmem>>, vector<16xf32>,
        %get3A_269 = arith.constant 4 : i32
        %get3A_270 = arith.index_cast %get3A_269 : i32 to index
        %get3A_271 = arith.index_cast %add3A_255 : i32 to index
        %get3A_272 = tpu.vector_load %arg7[%get3A_270, %get3A_271] {strides = array<i32>} : memref<10x2048xf32, #tpu.memory_space<vmem>>, vector<16xf32>,
        %get3A_273 = arith.constant 5 : i32
        %get3A_274 = arith.index_cast %get3A_273 : i32 to index
        %get3A_275 = arith.index_cast %add3A_255 : i32 to index
        %get3A_276 = tpu.vector_load %arg7[%get3A_274, %get3A_275] {strides = array<i32>} : memref<10x2048xf32, #tpu.memory_space<vmem>>, vector<16xf32>,
        %get3A_277 = arith.constant 6 : i32
        %get3A_278 = arith.index_cast %get3A_277 : i32 to index
        %get3A_279 = arith.index_cast %add3A_255 : i32 to index
        %get3A_280 = tpu.vector_load %arg7[%get3A_278, %get3A_279] {strides = array<i32>} : memref<10x2048xf32, #tpu.memory_space<vmem>>, vector<16xf32>,
        %get3A_281 = arith.constant 7 : i32
        %get3A_282 = arith.index_cast %get3A_281 : i32 to index
        %get3A_283 = arith.index_cast %add3A_255 : i32 to index
        %get3A_284 = tpu.vector_load %arg7[%get3A_282, %get3A_283] {strides = array<i32>} : memref<10x2048xf32, #tpu.memory_space<vmem>>, vector<16xf32>,
        %get3A_285 = arith.constant 8 : i32
        %get3A_286 = arith.index_cast %get3A_285 : i32 to index
        %get3A_287 = arith.index_cast %add3A_255 : i32 to index
        %get3A_288 = tpu.vector_load %arg7[%get3A_286, %get3A_287] {strides = array<i32>} : memref<10x2048xf32, #tpu.memory_space<vmem>>, vector<16xf32>,
        %get3A_289 = arith.constant 9 : i32
        %get3A_290 = arith.index_cast %get3A_289 : i32 to index
        %get3A_291 = arith.index_cast %add3A_255 : i32 to index
        %get3A_292 = tpu.vector_load %arg7[%get3A_290, %get3A_291] {strides = array<i32>} : memref<10x2048xf32, #tpu.memory_space<vmem>>, vector<16xf32>,
        %add3A_293 = vector.broadcast %add3A_255 : i32 to vector<16xi32>
        %add3A_294 = arith.addi %iota3A, %add3A_293 : vector<16xi32>
        %gather3A = tpu.vector_load_idx %arg7[%get3A_256, %add3A_294] : memref<10x2048xf32, #tpu.memory_space<vmem>>[vector<16xi32>, vector<16xi32>], vector<16xf32>,
        %mul3A_295 = arith.constant 1.500000e+01 : f32
        %mul3A_296 = vector.broadcast %mul3A_295 : f32 to vector<16xf32>
        %mul3A_297 = arith.mulf %get3A_260, %mul3A_296 : vector<16xf32>
        %convert_element_type3A_298 = arith.fptosi %mul3A_297 : vector<16xf32> to vector<16xi32>
        %add3A_299 = arith.addi %mul3A_6, %convert_element_type3A_298 : vector<16xi32>
        %mul3A_300 = arith.constant 1.500000e+01 : f32
        %mul3A_301 = vector.broadcast %mul3A_300 : f32 to vector<16xf32>
        %mul3A_302 = arith.mulf %get3A_264, %mul3A_301 : vector<16xf32>
        %convert_element_type3A_303 = arith.fptosi %mul3A_302 : vector<16xf32> to vector<16xi32>
        %add3A_304 = arith.addi %mul3A_6, %convert_element_type3A_303 : vector<16xi32>
        %mul3A_305 = arith.constant 1.500000e+01 : f32
        %mul3A_306 = vector.broadcast %mul3A_305 : f32 to vector<16xf32>
        %mul3A_307 = arith.mulf %get3A_268, %mul3A_306 : vector<16xf32>
        %convert_element_type3A_308 = arith.fptosi %mul3A_307 : vector<16xf32> to vector<16xi32>
        %add3A_309 = arith.addi %mul3A_6, %convert_element_type3A_308 : vector<16xi32>
        %mul3A_310 = arith.constant 1.500000e+01 : f32
        %mul3A_311 = vector.broadcast %mul3A_310 : f32 to vector<16xf32>
        %mul3A_312 = arith.mulf %get3A_272, %mul3A_311 : vector<16xf32>
        %convert_element_type3A_313 = arith.fptosi %mul3A_312 : vector<16xf32> to vector<16xi32>
        %add3A_314 = arith.addi %mul3A_6, %convert_element_type3A_313 : vector<16xi32>
        %mul3A_315 = arith.constant 1.500000e+01 : f32
        %mul3A_316 = vector.broadcast %mul3A_315 : f32 to vector<16xf32>
        %mul3A_317 = arith.mulf %get3A_276, %mul3A_316 : vector<16xf32>
        %convert_element_type3A_318 = arith.fptosi %mul3A_317 : vector<16xf32> to vector<16xi32>
        %add3A_319 = arith.addi %mul3A_6, %convert_element_type3A_318 : vector<16xi32>
        %mul3A_320 = arith.constant 1.500000e+01 : f32
        %mul3A_321 = vector.broadcast %mul3A_320 : f32 to vector<16xf32>
        %mul3A_322 = arith.mulf %get3A_280, %mul3A_321 : vector<16xf32>
        %convert_element_type3A_323 = arith.fptosi %mul3A_322 : vector<16xf32> to vector<16xi32>
        %add3A_324 = arith.addi %mul3A_6, %convert_element_type3A_323 : vector<16xi32>
        %mul3A_325 = arith.constant 1.500000e+01 : f32
        %mul3A_326 = vector.broadcast %mul3A_325 : f32 to vector<16xf32>
        %mul3A_327 = arith.mulf %get3A_284, %mul3A_326 : vector<16xf32>
        %convert_element_type3A_328 = arith.fptosi %mul3A_327 : vector<16xf32> to vector<16xi32>
        %add3A_329 = arith.addi %mul3A_6, %convert_element_type3A_328 : vector<16xi32>
        %mul3A_330 = arith.constant 1.500000e+01 : f32
        %mul3A_331 = vector.broadcast %mul3A_330 : f32 to vector<16xf32>
        %mul3A_332 = arith.mulf %get3A_288, %mul3A_331 : vector<16xf32>
        %convert_element_type3A_333 = arith.fptosi %mul3A_332 : vector<16xf32> to vector<16xi32>
        %add3A_334 = arith.addi %mul3A_6, %convert_element_type3A_333 : vector<16xi32>
        %mul3A_335 = arith.constant 1.500000e+01 : f32
        %mul3A_336 = vector.broadcast %mul3A_335 : f32 to vector<16xf32>
        %mul3A_337 = arith.mulf %get3A_292, %mul3A_336 : vector<16xf32>
        %convert_element_type3A_338 = arith.fptosi %mul3A_337 : vector<16xf32> to vector<16xi32>
        %add3A_339 = arith.addi %mul3A_6, %convert_element_type3A_338 : vector<16xi32>
        %mul3A_340 = arith.constant 1.500000e+01 : f32
        %mul3A_341 = vector.broadcast %mul3A_340 : f32 to vector<16xf32>
        %mul3A_342 = arith.mulf %gather3A, %mul3A_341 : vector<16xf32>
        %convert_element_type3A_343 = arith.fptosi %mul3A_342 : vector<16xf32> to vector<16xi32>
        %gt3A = arith.constant 0.000000e+00 : f32
        %gt3A_344 = vector.broadcast %gt3A : f32 to vector<16xf32>
        %gt3A_345 = arith.cmpf ogt, %gather3A, %gt3A_344 : vector<16xf32>
        %ne3A_346 = arith.constant 1 : i32
        %ne3A_347 = vector.broadcast %ne3A_346 : i32 to vector<16xi32>
        %ne3A_348 = arith.cmpi ne, %get3A_256, %ne3A_347 : vector<16xi32>
        %and3A_349 = arith.andi %gt3A_345, %ne3A_348 : vector<16xi1>
        %mul3A_350 = arith.constant 16 : i32
        %mul3A_351 = vector.broadcast %mul3A_350 : i32 to vector<16xi32>
        %mul3A_352 = arith.muli %get3A_256, %mul3A_351 : vector<16xi32>
        %add3A_353 = arith.addi %mul3A_3, %mul3A_352 : vector<16xi32>
        %add3A_354 = arith.addi %add3A_353, %convert_element_type3A_343 : vector<16xi32>
        tpu.vector_store_idx %arg18[%add3A_299], %get3A_260 {add = true} : memref<256xf32, #tpu.memory_space<vmem>>[vector<16xi32>], vector<16xf32>,
        tpu.vector_store_idx %arg19[%add3A_304], %get3A_264 {add = true} : memref<256xf32, #tpu.memory_space<vmem>>[vector<16xi32>], vector<16xf32>,
        tpu.vector_store_idx %arg20[%add3A_309], %get3A_268 {add = true} : memref<256xf32, #tpu.memory_space<vmem>>[vector<16xi32>], vector<16xf32>,
        tpu.vector_store_idx %arg21[%add3A_314], %get3A_272 {add = true} : memref<256xf32, #tpu.memory_space<vmem>>[vector<16xi32>], vector<16xf32>,
        tpu.vector_store_idx %arg22[%add3A_319], %get3A_276 {add = true} : memref<256xf32, #tpu.memory_space<vmem>>[vector<16xi32>], vector<16xf32>,
        tpu.vector_store_idx %arg23[%add3A_324], %get3A_280 {add = true} : memref<256xf32, #tpu.memory_space<vmem>>[vector<16xi32>], vector<16xf32>,
        tpu.vector_store_idx %arg24[%add3A_329], %get3A_284 {add = true} : memref<256xf32, #tpu.memory_space<vmem>>[vector<16xi32>], vector<16xf32>,
        tpu.vector_store_idx %arg25[%add3A_334], %get3A_288 {add = true} : memref<256xf32, #tpu.memory_space<vmem>>[vector<16xi32>], vector<16xf32>,
        tpu.vector_store_idx %arg26[%add3A_339], %get3A_292 {add = true} : memref<256xf32, #tpu.memory_space<vmem>>[vector<16xi32>], vector<16xf32>,
        tpu.vector_store_idx %arg16[%add3A_354], %broadcast_in_dim3A_9 masked %and3A_349 {add = true} : memref<4096xf32, #tpu.memory_space<vmem>>[vector<16xi32>], vector<16xf32>, vector<16xi1>
        %mul3A_355 = arith.constant 32 : i32
        %mul3A_356 = arith.muli %scan3A_250, %mul3A_355 : i32
        %add3A_357 = arith.constant 16 : i32
        %add3A_358 = arith.addi %mul3A_356, %add3A_357 : i32
        %get3A_359 = arith.index_cast %add3A_358 : i32 to index
        %get3A_360 = tpu.vector_load %arg9[%get3A_359] {strides = array<i32>} : memref<2048xi32, #tpu.memory_space<vmem>>, vector<16xi32>,
        %get3A_361 = arith.constant 0 : i32
        %get3A_362 = arith.index_cast %get3A_361 : i32 to index
        %get3A_363 = arith.index_cast %add3A_358 : i32 to index
        %get3A_364 = tpu.vector_load %arg7[%get3A_362, %get3A_363] {strides = array<i32>} : memref<10x2048xf32, #tpu.memory_space<vmem>>, vector<16xf32>,
        %get3A_365 = arith.constant 2 : i32
        %get3A_366 = arith.index_cast %get3A_365 : i32 to index
        %get3A_367 = arith.index_cast %add3A_358 : i32 to index
        %get3A_368 = tpu.vector_load %arg7[%get3A_366, %get3A_367] {strides = array<i32>} : memref<10x2048xf32, #tpu.memory_space<vmem>>, vector<16xf32>,
        %get3A_369 = arith.constant 3 : i32
        %get3A_370 = arith.index_cast %get3A_369 : i32 to index
        %get3A_371 = arith.index_cast %add3A_358 : i32 to index
        %get3A_372 = tpu.vector_load %arg7[%get3A_370, %get3A_371] {strides = array<i32>} : memref<10x2048xf32, #tpu.memory_space<vmem>>, vector<16xf32>,
        %get3A_373 = arith.constant 4 : i32
        %get3A_374 = arith.index_cast %get3A_373 : i32 to index
        %get3A_375 = arith.index_cast %add3A_358 : i32 to index
        %get3A_376 = tpu.vector_load %arg7[%get3A_374, %get3A_375] {strides = array<i32>} : memref<10x2048xf32, #tpu.memory_space<vmem>>, vector<16xf32>,
        %get3A_377 = arith.constant 5 : i32
        %get3A_378 = arith.index_cast %get3A_377 : i32 to index
        %get3A_379 = arith.index_cast %add3A_358 : i32 to index
        %get3A_380 = tpu.vector_load %arg7[%get3A_378, %get3A_379] {strides = array<i32>} : memref<10x2048xf32, #tpu.memory_space<vmem>>, vector<16xf32>,
        %get3A_381 = arith.constant 6 : i32
        %get3A_382 = arith.index_cast %get3A_381 : i32 to index
        %get3A_383 = arith.index_cast %add3A_358 : i32 to index
        %get3A_384 = tpu.vector_load %arg7[%get3A_382, %get3A_383] {strides = array<i32>} : memref<10x2048xf32, #tpu.memory_space<vmem>>, vector<16xf32>,
        %get3A_385 = arith.constant 7 : i32
        %get3A_386 = arith.index_cast %get3A_385 : i32 to index
        %get3A_387 = arith.index_cast %add3A_358 : i32 to index
        %get3A_388 = tpu.vector_load %arg7[%get3A_386, %get3A_387] {strides = array<i32>} : memref<10x2048xf32, #tpu.memory_space<vmem>>, vector<16xf32>,
        %get3A_389 = arith.constant 8 : i32
        %get3A_390 = arith.index_cast %get3A_389 : i32 to index
        %get3A_391 = arith.index_cast %add3A_358 : i32 to index
        %get3A_392 = tpu.vector_load %arg7[%get3A_390, %get3A_391] {strides = array<i32>} : memref<10x2048xf32, #tpu.memory_space<vmem>>, vector<16xf32>,
        %get3A_393 = arith.constant 9 : i32
        %get3A_394 = arith.index_cast %get3A_393 : i32 to index
        %get3A_395 = arith.index_cast %add3A_358 : i32 to index
        %get3A_396 = tpu.vector_load %arg7[%get3A_394, %get3A_395] {strides = array<i32>} : memref<10x2048xf32, #tpu.memory_space<vmem>>, vector<16xf32>,
        %add3A_397 = vector.broadcast %add3A_358 : i32 to vector<16xi32>
        %add3A_398 = arith.addi %iota3A, %add3A_397 : vector<16xi32>
        %gather3A_399 = tpu.vector_load_idx %arg7[%get3A_360, %add3A_398] : memref<10x2048xf32, #tpu.memory_space<vmem>>[vector<16xi32>, vector<16xi32>], vector<16xf32>,
        %mul3A_400 = arith.constant 1.500000e+01 : f32
        %mul3A_401 = vector.broadcast %mul3A_400 : f32 to vector<16xf32>
        %mul3A_402 = arith.mulf %get3A_364, %mul3A_401 : vector<16xf32>
        %convert_element_type3A_403 = arith.fptosi %mul3A_402 : vector<16xf32> to vector<16xi32>
        %add3A_404 = arith.addi %mul3A_6, %convert_element_type3A_403 : vector<16xi32>
        %mul3A_405 = arith.constant 1.500000e+01 : f32
        %mul3A_406 = vector.broadcast %mul3A_405 : f32 to vector<16xf32>
        %mul3A_407 = arith.mulf %get3A_368, %mul3A_406 : vector<16xf32>
        %convert_element_type3A_408 = arith.fptosi %mul3A_407 : vector<16xf32> to vector<16xi32>
        %add3A_409 = arith.addi %mul3A_6, %convert_element_type3A_408 : vector<16xi32>
        %mul3A_410 = arith.constant 1.500000e+01 : f32
        %mul3A_411 = vector.broadcast %mul3A_410 : f32 to vector<16xf32>
        %mul3A_412 = arith.mulf %get3A_372, %mul3A_411 : vector<16xf32>
        %convert_element_type3A_413 = arith.fptosi %mul3A_412 : vector<16xf32> to vector<16xi32>
        %add3A_414 = arith.addi %mul3A_6, %convert_element_type3A_413 : vector<16xi32>
        %mul3A_415 = arith.constant 1.500000e+01 : f32
        %mul3A_416 = vector.broadcast %mul3A_415 : f32 to vector<16xf32>
        %mul3A_417 = arith.mulf %get3A_376, %mul3A_416 : vector<16xf32>
        %convert_element_type3A_418 = arith.fptosi %mul3A_417 : vector<16xf32> to vector<16xi32>
        %add3A_419 = arith.addi %mul3A_6, %convert_element_type3A_418 : vector<16xi32>
        %mul3A_420 = arith.constant 1.500000e+01 : f32
        %mul3A_421 = vector.broadcast %mul3A_420 : f32 to vector<16xf32>
        %mul3A_422 = arith.mulf %get3A_380, %mul3A_421 : vector<16xf32>
        %convert_element_type3A_423 = arith.fptosi %mul3A_422 : vector<16xf32> to vector<16xi32>
        %add3A_424 = arith.addi %mul3A_6, %convert_element_type3A_423 : vector<16xi32>
        %mul3A_425 = arith.constant 1.500000e+01 : f32
        %mul3A_426 = vector.broadcast %mul3A_425 : f32 to vector<16xf32>
        %mul3A_427 = arith.mulf %get3A_384, %mul3A_426 : vector<16xf32>
        %convert_element_type3A_428 = arith.fptosi %mul3A_427 : vector<16xf32> to vector<16xi32>
        %add3A_429 = arith.addi %mul3A_6, %convert_element_type3A_428 : vector<16xi32>
        %mul3A_430 = arith.constant 1.500000e+01 : f32
        %mul3A_431 = vector.broadcast %mul3A_430 : f32 to vector<16xf32>
        %mul3A_432 = arith.mulf %get3A_388, %mul3A_431 : vector<16xf32>
        %convert_element_type3A_433 = arith.fptosi %mul3A_432 : vector<16xf32> to vector<16xi32>
        %add3A_434 = arith.addi %mul3A_6, %convert_element_type3A_433 : vector<16xi32>
        %mul3A_435 = arith.constant 1.500000e+01 : f32
        %mul3A_436 = vector.broadcast %mul3A_435 : f32 to vector<16xf32>
        %mul3A_437 = arith.mulf %get3A_392, %mul3A_436 : vector<16xf32>
        %convert_element_type3A_438 = arith.fptosi %mul3A_437 : vector<16xf32> to vector<16xi32>
        %add3A_439 = arith.addi %mul3A_6, %convert_element_type3A_438 : vector<16xi32>
        %mul3A_440 = arith.constant 1.500000e+01 : f32
        %mul3A_441 = vector.broadcast %mul3A_440 : f32 to vector<16xf32>
        %mul3A_442 = arith.mulf %get3A_396, %mul3A_441 : vector<16xf32>
        %convert_element_type3A_443 = arith.fptosi %mul3A_442 : vector<16xf32> to vector<16xi32>
        %add3A_444 = arith.addi %mul3A_6, %convert_element_type3A_443 : vector<16xi32>
        %mul3A_445 = arith.constant 1.500000e+01 : f32
        %mul3A_446 = vector.broadcast %mul3A_445 : f32 to vector<16xf32>
        %mul3A_447 = arith.mulf %gather3A_399, %mul3A_446 : vector<16xf32>
        %convert_element_type3A_448 = arith.fptosi %mul3A_447 : vector<16xf32> to vector<16xi32>
        %gt3A_449 = arith.constant 0.000000e+00 : f32
        %gt3A_450 = vector.broadcast %gt3A_449 : f32 to vector<16xf32>
        %gt3A_451 = arith.cmpf ogt, %gather3A_399, %gt3A_450 : vector<16xf32>
        %ne3A_452 = arith.constant 1 : i32
        %ne3A_453 = vector.broadcast %ne3A_452 : i32 to vector<16xi32>
        %ne3A_454 = arith.cmpi ne, %get3A_360, %ne3A_453 : vector<16xi32>
        %and3A_455 = arith.andi %gt3A_451, %ne3A_454 : vector<16xi1>
        %mul3A_456 = arith.constant 16 : i32
        %mul3A_457 = vector.broadcast %mul3A_456 : i32 to vector<16xi32>
        %mul3A_458 = arith.muli %get3A_360, %mul3A_457 : vector<16xi32>
        %add3A_459 = arith.addi %mul3A_3, %mul3A_458 : vector<16xi32>
        %add3A_460 = arith.addi %add3A_459, %convert_element_type3A_448 : vector<16xi32>
        tpu.vector_store_idx %arg18[%add3A_404], %get3A_364 {add = true} : memref<256xf32, #tpu.memory_space<vmem>>[vector<16xi32>], vector<16xf32>,
        tpu.vector_store_idx %arg19[%add3A_409], %get3A_368 {add = true} : memref<256xf32, #tpu.memory_space<vmem>>[vector<16xi32>], vector<16xf32>,
        tpu.vector_store_idx %arg20[%add3A_414], %get3A_372 {add = true} : memref<256xf32, #tpu.memory_space<vmem>>[vector<16xi32>], vector<16xf32>,
        tpu.vector_store_idx %arg21[%add3A_419], %get3A_376 {add = true} : memref<256xf32, #tpu.memory_space<vmem>>[vector<16xi32>], vector<16xf32>,
        tpu.vector_store_idx %arg22[%add3A_424], %get3A_380 {add = true} : memref<256xf32, #tpu.memory_space<vmem>>[vector<16xi32>], vector<16xf32>,
        tpu.vector_store_idx %arg23[%add3A_429], %get3A_384 {add = true} : memref<256xf32, #tpu.memory_space<vmem>>[vector<16xi32>], vector<16xf32>,
        tpu.vector_store_idx %arg24[%add3A_434], %get3A_388 {add = true} : memref<256xf32, #tpu.memory_space<vmem>>[vector<16xi32>], vector<16xf32>,
        tpu.vector_store_idx %arg25[%add3A_439], %get3A_392 {add = true} : memref<256xf32, #tpu.memory_space<vmem>>[vector<16xi32>], vector<16xf32>,
        tpu.vector_store_idx %arg26[%add3A_444], %get3A_396 {add = true} : memref<256xf32, #tpu.memory_space<vmem>>[vector<16xi32>], vector<16xf32>,
        tpu.vector_store_idx %arg17[%add3A_460], %broadcast_in_dim3A_9 masked %and3A_455 {add = true} : memref<4096xf32, #tpu.memory_space<vmem>>[vector<16xi32>], vector<16xf32>, vector<16xi1>
        %scan3A_461 = arith.constant 0 : i32
        scf.yield %scan3A_461 : i32
      }
      %scan3A_232 = arith.constant 64 : i32
      %mul3A_233 = arith.constant 2 : i32
      %mul3A_234 = arith.muli %mul3A_233, %while3A_191 : i32
      %add3A_235 = arith.constant 2 : i32
      %add3A_236 = arith.addi %mul3A_234, %add3A_235 : i32
      %lt3A_237 = arith.cmpi slt, %add3A_236, %add3A_42 : i32
      %convert_element_type3A_238 = arith.extui %lt3A_237 : i1 to i32
      %cond3A_239 = arith.constant 0 : i32
      %cond3A_240 = arith.cmpi ne, %convert_element_type3A_238, %cond3A_239 : i32
      scf.if %cond3A_240 {
        %dma_start3A_250 = arith.constant 0 : i32
        %dma_start3A_251 = arith.constant 0 : i32
        %dma_start3A_252 = tpu.memref_slice %arg7[%dma_start3A_250, %dma_start3A_251] : memref<10x2048xf32, #tpu.memory_space<vmem>> -> memref<10x2048xf32, #tpu.memory_space<vmem>>
        %dma_start3A_253 = arith.constant 0 : i32
        %dma_start3A_254 = tpu.memref_slice %arg2[%dma_start3A_253, %add3A_203] : memref<10x1000000xf32, #tpu.memory_space<hbm>> -> memref<10x2048xf32, #tpu.memory_space<hbm>>
        %dma_start3A_255 = arith.constant 0 : i32
        %dma_start3A_256 = arith.constant 0 : i32
        %dma_start3A_257 = tpu.memref_slice %arg7[%dma_start3A_255, %dma_start3A_256] : memref<10x2048xf32, #tpu.memory_space<vmem>> -> memref<10x2048xf32, #tpu.memory_space<vmem>>
        %dma_start3A_258 = arith.constant 0 : i32
        %dma_start3A_259 = tpu.memref_slice %arg2[%dma_start3A_258, %add3A_203] : memref<10x1000000xf32, #tpu.memory_space<hbm>> -> memref<10x2048xf32, #tpu.memory_space<hbm>>
        tpu.enqueue_dma source(%dma_start3A_259 : memref<10x2048xf32, #tpu.memory_space<hbm>>) target(%dma_start3A_257 : memref<10x2048xf32, #tpu.memory_space<vmem>>) target_semaphore(%arg12 : memref<!tpu.dma_semaphore, #tpu.memory_space<semaphore_mem>>)
        %dma_start3A_260 = arith.constant 0 : i32
        %dma_start3A_261 = tpu.memref_slice %arg9[%dma_start3A_260] : memref<2048xi32, #tpu.memory_space<vmem>> -> memref<2048xi32, #tpu.memory_space<vmem>>
        %dma_start3A_262 = tpu.memref_slice %arg3[%add3A_203] : memref<1000000xi32, #tpu.memory_space<hbm>> -> memref<2048xi32, #tpu.memory_space<hbm>>
        %dma_start3A_263 = arith.constant 0 : i32
        %dma_start3A_264 = tpu.memref_slice %arg9[%dma_start3A_263] : memref<2048xi32, #tpu.memory_space<vmem>> -> memref<2048xi32, #tpu.memory_space<vmem>>
        %dma_start3A_265 = tpu.memref_slice %arg3[%add3A_203] : memref<1000000xi32, #tpu.memory_space<hbm>> -> memref<2048xi32, #tpu.memory_space<hbm>>
        tpu.enqueue_dma source(%dma_start3A_265 : memref<2048xi32, #tpu.memory_space<hbm>>) target(%dma_start3A_264 : memref<2048xi32, #tpu.memory_space<vmem>>) target_semaphore(%arg14 : memref<!tpu.dma_semaphore, #tpu.memory_space<semaphore_mem>>)
      } else {
      }
      %mul3A_241 = arith.constant 2 : i32
      %mul3A_242 = arith.muli %mul3A_241, %while3A_191 : i32
      %add3A_243 = arith.constant 1 : i32
      %add3A_244 = arith.addi %mul3A_242, %add3A_243 : i32
      %lt3A_245 = arith.cmpi slt, %add3A_244, %add3A_42 : i32
      %convert_element_type3A_246 = arith.extui %lt3A_245 : i1 to i32
      %cond3A_247 = arith.constant 0 : i32
      %cond3A_248 = arith.cmpi ne, %convert_element_type3A_246, %cond3A_247 : i32
      scf.if %cond3A_248 {
        %dma_wait3A_250 = arith.constant 0 : i32
        %dma_wait3A_251 = arith.constant 0 : i32
        %dma_wait3A_252 = tpu.memref_slice %arg8[%dma_wait3A_250, %dma_wait3A_251] : memref<10x2048xf32, #tpu.memory_space<vmem>> -> memref<10x2048xf32, #tpu.memory_space<vmem>>
        %dma_wait3A_253 = arith.constant 0 : i32
        %dma_wait3A_254 = tpu.memref_slice %arg2[%dma_wait3A_253, %add3A_201] : memref<10x1000000xf32, #tpu.memory_space<hbm>> -> memref<10x2048xf32, #tpu.memory_space<hbm>>
        %dma_wait3A_255 = arith.constant 0 : i32
        %dma_wait3A_256 = arith.constant 0 : i32
        %dma_wait3A_257 = tpu.memref_slice %arg8[%dma_wait3A_255, %dma_wait3A_256] : memref<10x2048xf32, #tpu.memory_space<vmem>> -> memref<10x2048xf32, #tpu.memory_space<vmem>>
        %dma_wait3A_258 = arith.constant 0 : i32
        %dma_wait3A_259 = tpu.memref_slice %arg2[%dma_wait3A_258, %add3A_201] : memref<10x1000000xf32, #tpu.memory_space<hbm>> -> memref<10x2048xf32, #tpu.memory_space<hbm>>
        tpu.wait_dma2 semaphore(%arg13 : memref<!tpu.dma_semaphore, #tpu.memory_space<semaphore_mem>>) src(%dma_wait3A_259 : memref<10x2048xf32, #tpu.memory_space<hbm>>) dst(%dma_wait3A_257 : memref<10x2048xf32, #tpu.memory_space<vmem>>)
        %dma_wait3A_260 = arith.constant 0 : i32
        %dma_wait3A_261 = tpu.memref_slice %arg10[%dma_wait3A_260] : memref<2048xi32, #tpu.memory_space<vmem>> -> memref<2048xi32, #tpu.memory_space<vmem>>
        %dma_wait3A_262 = tpu.memref_slice %arg3[%add3A_201] : memref<1000000xi32, #tpu.memory_space<hbm>> -> memref<2048xi32, #tpu.memory_space<hbm>>
        %dma_wait3A_263 = arith.constant 0 : i32
        %dma_wait3A_264 = tpu.memref_slice %arg10[%dma_wait3A_263] : memref<2048xi32, #tpu.memory_space<vmem>> -> memref<2048xi32, #tpu.memory_space<vmem>>
        %dma_wait3A_265 = tpu.memref_slice %arg3[%add3A_201] : memref<1000000xi32, #tpu.memory_space<hbm>> -> memref<2048xi32, #tpu.memory_space<hbm>>
        tpu.wait_dma2 semaphore(%arg15 : memref<!tpu.dma_semaphore, #tpu.memory_space<semaphore_mem>>) src(%dma_wait3A_265 : memref<2048xi32, #tpu.memory_space<hbm>>) dst(%dma_wait3A_264 : memref<2048xi32, #tpu.memory_space<vmem>>)
        %scan3A_266 = arith.constant 0 : i32
        %scan3A_267 = arith.constant 0 : i32
        %scan3A_268 = arith.constant 64 : i32
        %scan3A_269 = arith.addi %scan3A_267, %scan3A_268 : i32
        %scan3A_270 = arith.constant 1 : i32
        %scan3A_271 = scf.for %scan3A_273 = %scan3A_267 to %scan3A_269 step %scan3A_270 iter_args(%scan3A_274 = %scan3A_266) -> (i32)  : i32 {
          %mul3A_275 = arith.constant 32 : i32
          %mul3A_276 = arith.muli %scan3A_273, %mul3A_275 : i32
          %add3A_277 = arith.constant 0 : i32
          %add3A_278 = arith.addi %mul3A_276, %add3A_277 : i32
          %get3A = arith.index_cast %add3A_278 : i32 to index
          %get3A_279 = tpu.vector_load %arg10[%get3A] {strides = array<i32>} : memref<2048xi32, #tpu.memory_space<vmem>>, vector<16xi32>,
          %get3A_280 = arith.constant 0 : i32
          %get3A_281 = arith.index_cast %get3A_280 : i32 to index
          %get3A_282 = arith.index_cast %add3A_278 : i32 to index
          %get3A_283 = tpu.vector_load %arg8[%get3A_281, %get3A_282] {strides = array<i32>} : memref<10x2048xf32, #tpu.memory_space<vmem>>, vector<16xf32>,
          %get3A_284 = arith.constant 2 : i32
          %get3A_285 = arith.index_cast %get3A_284 : i32 to index
          %get3A_286 = arith.index_cast %add3A_278 : i32 to index
          %get3A_287 = tpu.vector_load %arg8[%get3A_285, %get3A_286] {strides = array<i32>} : memref<10x2048xf32, #tpu.memory_space<vmem>>, vector<16xf32>,
          %get3A_288 = arith.constant 3 : i32
          %get3A_289 = arith.index_cast %get3A_288 : i32 to index
          %get3A_290 = arith.index_cast %add3A_278 : i32 to index
          %get3A_291 = tpu.vector_load %arg8[%get3A_289, %get3A_290] {strides = array<i32>} : memref<10x2048xf32, #tpu.memory_space<vmem>>, vector<16xf32>,
          %get3A_292 = arith.constant 4 : i32
          %get3A_293 = arith.index_cast %get3A_292 : i32 to index
          %get3A_294 = arith.index_cast %add3A_278 : i32 to index
          %get3A_295 = tpu.vector_load %arg8[%get3A_293, %get3A_294] {strides = array<i32>} : memref<10x2048xf32, #tpu.memory_space<vmem>>, vector<16xf32>,
          %get3A_296 = arith.constant 5 : i32
          %get3A_297 = arith.index_cast %get3A_296 : i32 to index
          %get3A_298 = arith.index_cast %add3A_278 : i32 to index
          %get3A_299 = tpu.vector_load %arg8[%get3A_297, %get3A_298] {strides = array<i32>} : memref<10x2048xf32, #tpu.memory_space<vmem>>, vector<16xf32>,
          %get3A_300 = arith.constant 6 : i32
          %get3A_301 = arith.index_cast %get3A_300 : i32 to index
          %get3A_302 = arith.index_cast %add3A_278 : i32 to index
          %get3A_303 = tpu.vector_load %arg8[%get3A_301, %get3A_302] {strides = array<i32>} : memref<10x2048xf32, #tpu.memory_space<vmem>>, vector<16xf32>,
          %get3A_304 = arith.constant 7 : i32
          %get3A_305 = arith.index_cast %get3A_304 : i32 to index
          %get3A_306 = arith.index_cast %add3A_278 : i32 to index
          %get3A_307 = tpu.vector_load %arg8[%get3A_305, %get3A_306] {strides = array<i32>} : memref<10x2048xf32, #tpu.memory_space<vmem>>, vector<16xf32>,
          %get3A_308 = arith.constant 8 : i32
          %get3A_309 = arith.index_cast %get3A_308 : i32 to index
          %get3A_310 = arith.index_cast %add3A_278 : i32 to index
          %get3A_311 = tpu.vector_load %arg8[%get3A_309, %get3A_310] {strides = array<i32>} : memref<10x2048xf32, #tpu.memory_space<vmem>>, vector<16xf32>,
          %get3A_312 = arith.constant 9 : i32
          %get3A_313 = arith.index_cast %get3A_312 : i32 to index
          %get3A_314 = arith.index_cast %add3A_278 : i32 to index
          %get3A_315 = tpu.vector_load %arg8[%get3A_313, %get3A_314] {strides = array<i32>} : memref<10x2048xf32, #tpu.memory_space<vmem>>, vector<16xf32>,
          %add3A_316 = vector.broadcast %add3A_278 : i32 to vector<16xi32>
          %add3A_317 = arith.addi %iota3A, %add3A_316 : vector<16xi32>
          %gather3A = tpu.vector_load_idx %arg8[%get3A_279, %add3A_317] : memref<10x2048xf32, #tpu.memory_space<vmem>>[vector<16xi32>, vector<16xi32>], vector<16xf32>,
          %mul3A_318 = arith.constant 1.500000e+01 : f32
          %mul3A_319 = vector.broadcast %mul3A_318 : f32 to vector<16xf32>
          %mul3A_320 = arith.mulf %get3A_283, %mul3A_319 : vector<16xf32>
          %convert_element_type3A_321 = arith.fptosi %mul3A_320 : vector<16xf32> to vector<16xi32>
          %add3A_322 = arith.addi %mul3A_6, %convert_element_type3A_321 : vector<16xi32>
          %mul3A_323 = arith.constant 1.500000e+01 : f32
          %mul3A_324 = vector.broadcast %mul3A_323 : f32 to vector<16xf32>
          %mul3A_325 = arith.mulf %get3A_287, %mul3A_324 : vector<16xf32>
          %convert_element_type3A_326 = arith.fptosi %mul3A_325 : vector<16xf32> to vector<16xi32>
          %add3A_327 = arith.addi %mul3A_6, %convert_element_type3A_326 : vector<16xi32>
          %mul3A_328 = arith.constant 1.500000e+01 : f32
          %mul3A_329 = vector.broadcast %mul3A_328 : f32 to vector<16xf32>
          %mul3A_330 = arith.mulf %get3A_291, %mul3A_329 : vector<16xf32>
          %convert_element_type3A_331 = arith.fptosi %mul3A_330 : vector<16xf32> to vector<16xi32>
          %add3A_332 = arith.addi %mul3A_6, %convert_element_type3A_331 : vector<16xi32>
          %mul3A_333 = arith.constant 1.500000e+01 : f32
          %mul3A_334 = vector.broadcast %mul3A_333 : f32 to vector<16xf32>
          %mul3A_335 = arith.mulf %get3A_295, %mul3A_334 : vector<16xf32>
          %convert_element_type3A_336 = arith.fptosi %mul3A_335 : vector<16xf32> to vector<16xi32>
          %add3A_337 = arith.addi %mul3A_6, %convert_element_type3A_336 : vector<16xi32>
          %mul3A_338 = arith.constant 1.500000e+01 : f32
          %mul3A_339 = vector.broadcast %mul3A_338 : f32 to vector<16xf32>
          %mul3A_340 = arith.mulf %get3A_299, %mul3A_339 : vector<16xf32>
          %convert_element_type3A_341 = arith.fptosi %mul3A_340 : vector<16xf32> to vector<16xi32>
          %add3A_342 = arith.addi %mul3A_6, %convert_element_type3A_341 : vector<16xi32>
          %mul3A_343 = arith.constant 1.500000e+01 : f32
          %mul3A_344 = vector.broadcast %mul3A_343 : f32 to vector<16xf32>
          %mul3A_345 = arith.mulf %get3A_303, %mul3A_344 : vector<16xf32>
          %convert_element_type3A_346 = arith.fptosi %mul3A_345 : vector<16xf32> to vector<16xi32>
          %add3A_347 = arith.addi %mul3A_6, %convert_element_type3A_346 : vector<16xi32>
          %mul3A_348 = arith.constant 1.500000e+01 : f32
          %mul3A_349 = vector.broadcast %mul3A_348 : f32 to vector<16xf32>
          %mul3A_350 = arith.mulf %get3A_307, %mul3A_349 : vector<16xf32>
          %convert_element_type3A_351 = arith.fptosi %mul3A_350 : vector<16xf32> to vector<16xi32>
          %add3A_352 = arith.addi %mul3A_6, %convert_element_type3A_351 : vector<16xi32>
          %mul3A_353 = arith.constant 1.500000e+01 : f32
          %mul3A_354 = vector.broadcast %mul3A_353 : f32 to vector<16xf32>
          %mul3A_355 = arith.mulf %get3A_311, %mul3A_354 : vector<16xf32>
          %convert_element_type3A_356 = arith.fptosi %mul3A_355 : vector<16xf32> to vector<16xi32>
          %add3A_357 = arith.addi %mul3A_6, %convert_element_type3A_356 : vector<16xi32>
          %mul3A_358 = arith.constant 1.500000e+01 : f32
          %mul3A_359 = vector.broadcast %mul3A_358 : f32 to vector<16xf32>
          %mul3A_360 = arith.mulf %get3A_315, %mul3A_359 : vector<16xf32>
          %convert_element_type3A_361 = arith.fptosi %mul3A_360 : vector<16xf32> to vector<16xi32>
          %add3A_362 = arith.addi %mul3A_6, %convert_element_type3A_361 : vector<16xi32>
          %mul3A_363 = arith.constant 1.500000e+01 : f32
          %mul3A_364 = vector.broadcast %mul3A_363 : f32 to vector<16xf32>
          %mul3A_365 = arith.mulf %gather3A, %mul3A_364 : vector<16xf32>
          %convert_element_type3A_366 = arith.fptosi %mul3A_365 : vector<16xf32> to vector<16xi32>
          %gt3A = arith.constant 0.000000e+00 : f32
          %gt3A_367 = vector.broadcast %gt3A : f32 to vector<16xf32>
          %gt3A_368 = arith.cmpf ogt, %gather3A, %gt3A_367 : vector<16xf32>
          %ne3A_369 = arith.constant 1 : i32
          %ne3A_370 = vector.broadcast %ne3A_369 : i32 to vector<16xi32>
          %ne3A_371 = arith.cmpi ne, %get3A_279, %ne3A_370 : vector<16xi32>
          %and3A_372 = arith.andi %gt3A_368, %ne3A_371 : vector<16xi1>
          %mul3A_373 = arith.constant 16 : i32
          %mul3A_374 = vector.broadcast %mul3A_373 : i32 to vector<16xi32>
          %mul3A_375 = arith.muli %get3A_279, %mul3A_374 : vector<16xi32>
          %add3A_376 = arith.addi %mul3A_3, %mul3A_375 : vector<16xi32>
          %add3A_377 = arith.addi %add3A_376, %convert_element_type3A_366 : vector<16xi32>
          tpu.vector_store_idx %arg18[%add3A_322], %get3A_283 {add = true} : memref<256xf32, #tpu.memory_space<vmem>>[vector<16xi32>], vector<16xf32>,
          tpu.vector_store_idx %arg19[%add3A_327], %get3A_287 {add = true} : memref<256xf32, #tpu.memory_space<vmem>>[vector<16xi32>], vector<16xf32>,
          tpu.vector_store_idx %arg20[%add3A_332], %get3A_291 {add = true} : memref<256xf32, #tpu.memory_space<vmem>>[vector<16xi32>], vector<16xf32>,
          tpu.vector_store_idx %arg21[%add3A_337], %get3A_295 {add = true} : memref<256xf32, #tpu.memory_space<vmem>>[vector<16xi32>], vector<16xf32>,
          tpu.vector_store_idx %arg22[%add3A_342], %get3A_299 {add = true} : memref<256xf32, #tpu.memory_space<vmem>>[vector<16xi32>], vector<16xf32>,
          tpu.vector_store_idx %arg23[%add3A_347], %get3A_303 {add = true} : memref<256xf32, #tpu.memory_space<vmem>>[vector<16xi32>], vector<16xf32>,
          tpu.vector_store_idx %arg24[%add3A_352], %get3A_307 {add = true} : memref<256xf32, #tpu.memory_space<vmem>>[vector<16xi32>], vector<16xf32>,
          tpu.vector_store_idx %arg25[%add3A_357], %get3A_311 {add = true} : memref<256xf32, #tpu.memory_space<vmem>>[vector<16xi32>], vector<16xf32>,
          tpu.vector_store_idx %arg26[%add3A_362], %get3A_315 {add = true} : memref<256xf32, #tpu.memory_space<vmem>>[vector<16xi32>], vector<16xf32>,
          tpu.vector_store_idx %arg16[%add3A_377], %broadcast_in_dim3A_9 masked %and3A_372 {add = true} : memref<4096xf32, #tpu.memory_space<vmem>>[vector<16xi32>], vector<16xf32>, vector<16xi1>
          %mul3A_378 = arith.constant 32 : i32
          %mul3A_379 = arith.muli %scan3A_273, %mul3A_378 : i32
          %add3A_380 = arith.constant 16 : i32
          %add3A_381 = arith.addi %mul3A_379, %add3A_380 : i32
          %get3A_382 = arith.index_cast %add3A_381 : i32 to index
          %get3A_383 = tpu.vector_load %arg10[%get3A_382] {strides = array<i32>} : memref<2048xi32, #tpu.memory_space<vmem>>, vector<16xi32>,
          %get3A_384 = arith.constant 0 : i32
          %get3A_385 = arith.index_cast %get3A_384 : i32 to index
          %get3A_386 = arith.index_cast %add3A_381 : i32 to index
          %get3A_387 = tpu.vector_load %arg8[%get3A_385, %get3A_386] {strides = array<i32>} : memref<10x2048xf32, #tpu.memory_space<vmem>>, vector<16xf32>,
          %get3A_388 = arith.constant 2 : i32
          %get3A_389 = arith.index_cast %get3A_388 : i32 to index
          %get3A_390 = arith.index_cast %add3A_381 : i32 to index
          %get3A_391 = tpu.vector_load %arg8[%get3A_389, %get3A_390] {strides = array<i32>} : memref<10x2048xf32, #tpu.memory_space<vmem>>, vector<16xf32>,
          %get3A_392 = arith.constant 3 : i32
          %get3A_393 = arith.index_cast %get3A_392 : i32 to index
          %get3A_394 = arith.index_cast %add3A_381 : i32 to index
          %get3A_395 = tpu.vector_load %arg8[%get3A_393, %get3A_394] {strides = array<i32>} : memref<10x2048xf32, #tpu.memory_space<vmem>>, vector<16xf32>,
          %get3A_396 = arith.constant 4 : i32
          %get3A_397 = arith.index_cast %get3A_396 : i32 to index
          %get3A_398 = arith.index_cast %add3A_381 : i32 to index
          %get3A_399 = tpu.vector_load %arg8[%get3A_397, %get3A_398] {strides = array<i32>} : memref<10x2048xf32, #tpu.memory_space<vmem>>, vector<16xf32>,
          %get3A_400 = arith.constant 5 : i32
          %get3A_401 = arith.index_cast %get3A_400 : i32 to index
          %get3A_402 = arith.index_cast %add3A_381 : i32 to index
          %get3A_403 = tpu.vector_load %arg8[%get3A_401, %get3A_402] {strides = array<i32>} : memref<10x2048xf32, #tpu.memory_space<vmem>>, vector<16xf32>,
          %get3A_404 = arith.constant 6 : i32
          %get3A_405 = arith.index_cast %get3A_404 : i32 to index
          %get3A_406 = arith.index_cast %add3A_381 : i32 to index
          %get3A_407 = tpu.vector_load %arg8[%get3A_405, %get3A_406] {strides = array<i32>} : memref<10x2048xf32, #tpu.memory_space<vmem>>, vector<16xf32>,
          %get3A_408 = arith.constant 7 : i32
          %get3A_409 = arith.index_cast %get3A_408 : i32 to index
          %get3A_410 = arith.index_cast %add3A_381 : i32 to index
          %get3A_411 = tpu.vector_load %arg8[%get3A_409, %get3A_410] {strides = array<i32>} : memref<10x2048xf32, #tpu.memory_space<vmem>>, vector<16xf32>,
          %get3A_412 = arith.constant 8 : i32
          %get3A_413 = arith.index_cast %get3A_412 : i32 to index
          %get3A_414 = arith.index_cast %add3A_381 : i32 to index
          %get3A_415 = tpu.vector_load %arg8[%get3A_413, %get3A_414] {strides = array<i32>} : memref<10x2048xf32, #tpu.memory_space<vmem>>, vector<16xf32>,
          %get3A_416 = arith.constant 9 : i32
          %get3A_417 = arith.index_cast %get3A_416 : i32 to index
          %get3A_418 = arith.index_cast %add3A_381 : i32 to index
          %get3A_419 = tpu.vector_load %arg8[%get3A_417, %get3A_418] {strides = array<i32>} : memref<10x2048xf32, #tpu.memory_space<vmem>>, vector<16xf32>,
          %add3A_420 = vector.broadcast %add3A_381 : i32 to vector<16xi32>
          %add3A_421 = arith.addi %iota3A, %add3A_420 : vector<16xi32>
          %gather3A_422 = tpu.vector_load_idx %arg8[%get3A_383, %add3A_421] : memref<10x2048xf32, #tpu.memory_space<vmem>>[vector<16xi32>, vector<16xi32>], vector<16xf32>,
          %mul3A_423 = arith.constant 1.500000e+01 : f32
          %mul3A_424 = vector.broadcast %mul3A_423 : f32 to vector<16xf32>
          %mul3A_425 = arith.mulf %get3A_387, %mul3A_424 : vector<16xf32>
          %convert_element_type3A_426 = arith.fptosi %mul3A_425 : vector<16xf32> to vector<16xi32>
          %add3A_427 = arith.addi %mul3A_6, %convert_element_type3A_426 : vector<16xi32>
          %mul3A_428 = arith.constant 1.500000e+01 : f32
          %mul3A_429 = vector.broadcast %mul3A_428 : f32 to vector<16xf32>
          %mul3A_430 = arith.mulf %get3A_391, %mul3A_429 : vector<16xf32>
          %convert_element_type3A_431 = arith.fptosi %mul3A_430 : vector<16xf32> to vector<16xi32>
          %add3A_432 = arith.addi %mul3A_6, %convert_element_type3A_431 : vector<16xi32>
          %mul3A_433 = arith.constant 1.500000e+01 : f32
          %mul3A_434 = vector.broadcast %mul3A_433 : f32 to vector<16xf32>
          %mul3A_435 = arith.mulf %get3A_395, %mul3A_434 : vector<16xf32>
          %convert_element_type3A_436 = arith.fptosi %mul3A_435 : vector<16xf32> to vector<16xi32>
          %add3A_437 = arith.addi %mul3A_6, %convert_element_type3A_436 : vector<16xi32>
          %mul3A_438 = arith.constant 1.500000e+01 : f32
          %mul3A_439 = vector.broadcast %mul3A_438 : f32 to vector<16xf32>
          %mul3A_440 = arith.mulf %get3A_399, %mul3A_439 : vector<16xf32>
          %convert_element_type3A_441 = arith.fptosi %mul3A_440 : vector<16xf32> to vector<16xi32>
          %add3A_442 = arith.addi %mul3A_6, %convert_element_type3A_441 : vector<16xi32>
          %mul3A_443 = arith.constant 1.500000e+01 : f32
          %mul3A_444 = vector.broadcast %mul3A_443 : f32 to vector<16xf32>
          %mul3A_445 = arith.mulf %get3A_403, %mul3A_444 : vector<16xf32>
          %convert_element_type3A_446 = arith.fptosi %mul3A_445 : vector<16xf32> to vector<16xi32>
          %add3A_447 = arith.addi %mul3A_6, %convert_element_type3A_446 : vector<16xi32>
          %mul3A_448 = arith.constant 1.500000e+01 : f32
          %mul3A_449 = vector.broadcast %mul3A_448 : f32 to vector<16xf32>
          %mul3A_450 = arith.mulf %get3A_407, %mul3A_449 : vector<16xf32>
          %convert_element_type3A_451 = arith.fptosi %mul3A_450 : vector<16xf32> to vector<16xi32>
          %add3A_452 = arith.addi %mul3A_6, %convert_element_type3A_451 : vector<16xi32>
          %mul3A_453 = arith.constant 1.500000e+01 : f32
          %mul3A_454 = vector.broadcast %mul3A_453 : f32 to vector<16xf32>
          %mul3A_455 = arith.mulf %get3A_411, %mul3A_454 : vector<16xf32>
          %convert_element_type3A_456 = arith.fptosi %mul3A_455 : vector<16xf32> to vector<16xi32>
          %add3A_457 = arith.addi %mul3A_6, %convert_element_type3A_456 : vector<16xi32>
          %mul3A_458 = arith.constant 1.500000e+01 : f32
          %mul3A_459 = vector.broadcast %mul3A_458 : f32 to vector<16xf32>
          %mul3A_460 = arith.mulf %get3A_415, %mul3A_459 : vector<16xf32>
          %convert_element_type3A_461 = arith.fptosi %mul3A_460 : vector<16xf32> to vector<16xi32>
          %add3A_462 = arith.addi %mul3A_6, %convert_element_type3A_461 : vector<16xi32>
          %mul3A_463 = arith.constant 1.500000e+01 : f32
          %mul3A_464 = vector.broadcast %mul3A_463 : f32 to vector<16xf32>
          %mul3A_465 = arith.mulf %get3A_419, %mul3A_464 : vector<16xf32>
          %convert_element_type3A_466 = arith.fptosi %mul3A_465 : vector<16xf32> to vector<16xi32>
          %add3A_467 = arith.addi %mul3A_6, %convert_element_type3A_466 : vector<16xi32>
          %mul3A_468 = arith.constant 1.500000e+01 : f32
          %mul3A_469 = vector.broadcast %mul3A_468 : f32 to vector<16xf32>
          %mul3A_470 = arith.mulf %gather3A_422, %mul3A_469 : vector<16xf32>
          %convert_element_type3A_471 = arith.fptosi %mul3A_470 : vector<16xf32> to vector<16xi32>
          %gt3A_472 = arith.constant 0.000000e+00 : f32
          %gt3A_473 = vector.broadcast %gt3A_472 : f32 to vector<16xf32>
          %gt3A_474 = arith.cmpf ogt, %gather3A_422, %gt3A_473 : vector<16xf32>
          %ne3A_475 = arith.constant 1 : i32
          %ne3A_476 = vector.broadcast %ne3A_475 : i32 to vector<16xi32>
          %ne3A_477 = arith.cmpi ne, %get3A_383, %ne3A_476 : vector<16xi32>
          %and3A_478 = arith.andi %gt3A_474, %ne3A_477 : vector<16xi1>
          %mul3A_479 = arith.constant 16 : i32
          %mul3A_480 = vector.broadcast %mul3A_479 : i32 to vector<16xi32>
          %mul3A_481 = arith.muli %get3A_383, %mul3A_480 : vector<16xi32>
          %add3A_482 = arith.addi %mul3A_3, %mul3A_481 : vector<16xi32>
          %add3A_483 = arith.addi %add3A_482, %convert_element_type3A_471 : vector<16xi32>
          tpu.vector_store_idx %arg18[%add3A_427], %get3A_387 {add = true} : memref<256xf32, #tpu.memory_space<vmem>>[vector<16xi32>], vector<16xf32>,
          tpu.vector_store_idx %arg19[%add3A_432], %get3A_391 {add = true} : memref<256xf32, #tpu.memory_space<vmem>>[vector<16xi32>], vector<16xf32>,
          tpu.vector_store_idx %arg20[%add3A_437], %get3A_395 {add = true} : memref<256xf32, #tpu.memory_space<vmem>>[vector<16xi32>], vector<16xf32>,
          tpu.vector_store_idx %arg21[%add3A_442], %get3A_399 {add = true} : memref<256xf32, #tpu.memory_space<vmem>>[vector<16xi32>], vector<16xf32>,
          tpu.vector_store_idx %arg22[%add3A_447], %get3A_403 {add = true} : memref<256xf32, #tpu.memory_space<vmem>>[vector<16xi32>], vector<16xf32>,
          tpu.vector_store_idx %arg23[%add3A_452], %get3A_407 {add = true} : memref<256xf32, #tpu.memory_space<vmem>>[vector<16xi32>], vector<16xf32>,
          tpu.vector_store_idx %arg24[%add3A_457], %get3A_411 {add = true} : memref<256xf32, #tpu.memory_space<vmem>>[vector<16xi32>], vector<16xf32>,
          tpu.vector_store_idx %arg25[%add3A_462], %get3A_415 {add = true} : memref<256xf32, #tpu.memory_space<vmem>>[vector<16xi32>], vector<16xf32>,
          tpu.vector_store_idx %arg26[%add3A_467], %get3A_419 {add = true} : memref<256xf32, #tpu.memory_space<vmem>>[vector<16xi32>], vector<16xf32>,
          tpu.vector_store_idx %arg17[%add3A_483], %broadcast_in_dim3A_9 masked %and3A_478 {add = true} : memref<4096xf32, #tpu.memory_space<vmem>>[vector<16xi32>], vector<16xf32>, vector<16xi1>
          %scan3A_484 = arith.constant 0 : i32
          scf.yield %scan3A_484 : i32
        }
        %scan3A_272 = arith.constant 64 : i32
      } else {
      }
      %while3A_249 = arith.constant 0 : i32
      scf.yield %while3A_249 : i32
    }
    %eq3A = arith.constant 30 : i32
    %eq3A_97 = arith.cmpi eq, %add3A, %eq3A : i32
    %convert_element_type3A = arith.extui %eq3A_97 : i1 to i32
    %cond3A = arith.constant 0 : i32
    %cond3A_98 = arith.cmpi ne, %convert_element_type3A, %cond3A : i32
    scf.if %cond3A_98 {
      %dma_start3A_191 = arith.constant 0 : i32
      %dma_start3A_192 = arith.constant 0 : i32
      %dma_start3A_193 = tpu.memref_slice %arg7[%dma_start3A_191, %dma_start3A_192] : memref<10x2048xf32, #tpu.memory_space<vmem>> -> memref<10x512xf32, #tpu.memory_space<vmem>>
      %dma_start3A_194 = arith.constant 0 : i32
      %dma_start3A_195 = arith.constant 999424 : i32
      %dma_start3A_196 = tpu.memref_slice %arg2[%dma_start3A_194, %dma_start3A_195] : memref<10x1000000xf32, #tpu.memory_space<hbm>> -> memref<10x512xf32, #tpu.memory_space<hbm>>
      %dma_start3A_197 = arith.constant 0 : i32
      %dma_start3A_198 = arith.constant 0 : i32
      %dma_start3A_199 = tpu.memref_slice %arg7[%dma_start3A_197, %dma_start3A_198] : memref<10x2048xf32, #tpu.memory_space<vmem>> -> memref<10x512xf32, #tpu.memory_space<vmem>>
      %dma_start3A_200 = arith.constant 0 : i32
      %dma_start3A_201 = arith.constant 999424 : i32
      %dma_start3A_202 = tpu.memref_slice %arg2[%dma_start3A_200, %dma_start3A_201] : memref<10x1000000xf32, #tpu.memory_space<hbm>> -> memref<10x512xf32, #tpu.memory_space<hbm>>
      tpu.enqueue_dma source(%dma_start3A_202 : memref<10x512xf32, #tpu.memory_space<hbm>>) target(%dma_start3A_199 : memref<10x512xf32, #tpu.memory_space<vmem>>) target_semaphore(%arg12 : memref<!tpu.dma_semaphore, #tpu.memory_space<semaphore_mem>>)
      %dma_start3A_203 = arith.constant 0 : i32
      %dma_start3A_204 = tpu.memref_slice %arg9[%dma_start3A_203] : memref<2048xi32, #tpu.memory_space<vmem>> -> memref<512xi32, #tpu.memory_space<vmem>>
      %dma_start3A_205 = arith.constant 999424 : i32
      %dma_start3A_206 = tpu.memref_slice %arg3[%dma_start3A_205] : memref<1000000xi32, #tpu.memory_space<hbm>> -> memref<512xi32, #tpu.memory_space<hbm>>
      %dma_start3A_207 = arith.constant 0 : i32
      %dma_start3A_208 = tpu.memref_slice %arg9[%dma_start3A_207] : memref<2048xi32, #tpu.memory_space<vmem>> -> memref<512xi32, #tpu.memory_space<vmem>>
      %dma_start3A_209 = arith.constant 999424 : i32
      %dma_start3A_210 = tpu.memref_slice %arg3[%dma_start3A_209] : memref<1000000xi32, #tpu.memory_space<hbm>> -> memref<512xi32, #tpu.memory_space<hbm>>
      tpu.enqueue_dma source(%dma_start3A_210 : memref<512xi32, #tpu.memory_space<hbm>>) target(%dma_start3A_208 : memref<512xi32, #tpu.memory_space<vmem>>) target_semaphore(%arg14 : memref<!tpu.dma_semaphore, #tpu.memory_space<semaphore_mem>>)
      %dma_wait3A = arith.constant 0 : i32
      %dma_wait3A_211 = arith.constant 0 : i32
      %dma_wait3A_212 = tpu.memref_slice %arg7[%dma_wait3A, %dma_wait3A_211] : memref<10x2048xf32, #tpu.memory_space<vmem>> -> memref<10x512xf32, #tpu.memory_space<vmem>>
      %dma_wait3A_213 = arith.constant 0 : i32
      %dma_wait3A_214 = arith.constant 999424 : i32
      %dma_wait3A_215 = tpu.memref_slice %arg2[%dma_wait3A_213, %dma_wait3A_214] : memref<10x1000000xf32, #tpu.memory_space<hbm>> -> memref<10x512xf32, #tpu.memory_space<hbm>>
      %dma_wait3A_216 = arith.constant 0 : i32
      %dma_wait3A_217 = arith.constant 0 : i32
      %dma_wait3A_218 = tpu.memref_slice %arg7[%dma_wait3A_216, %dma_wait3A_217] : memref<10x2048xf32, #tpu.memory_space<vmem>> -> memref<10x512xf32, #tpu.memory_space<vmem>>
      %dma_wait3A_219 = arith.constant 0 : i32
      %dma_wait3A_220 = arith.constant 999424 : i32
      %dma_wait3A_221 = tpu.memref_slice %arg2[%dma_wait3A_219, %dma_wait3A_220] : memref<10x1000000xf32, #tpu.memory_space<hbm>> -> memref<10x512xf32, #tpu.memory_space<hbm>>
      tpu.wait_dma2 semaphore(%arg12 : memref<!tpu.dma_semaphore, #tpu.memory_space<semaphore_mem>>) src(%dma_wait3A_221 : memref<10x512xf32, #tpu.memory_space<hbm>>) dst(%dma_wait3A_218 : memref<10x512xf32, #tpu.memory_space<vmem>>)
      %dma_wait3A_222 = arith.constant 0 : i32
      %dma_wait3A_223 = tpu.memref_slice %arg9[%dma_wait3A_222] : memref<2048xi32, #tpu.memory_space<vmem>> -> memref<512xi32, #tpu.memory_space<vmem>>
      %dma_wait3A_224 = arith.constant 999424 : i32
      %dma_wait3A_225 = tpu.memref_slice %arg3[%dma_wait3A_224] : memref<1000000xi32, #tpu.memory_space<hbm>> -> memref<512xi32, #tpu.memory_space<hbm>>
      %dma_wait3A_226 = arith.constant 0 : i32
      %dma_wait3A_227 = tpu.memref_slice %arg9[%dma_wait3A_226] : memref<2048xi32, #tpu.memory_space<vmem>> -> memref<512xi32, #tpu.memory_space<vmem>>
      %dma_wait3A_228 = arith.constant 999424 : i32
      %dma_wait3A_229 = tpu.memref_slice %arg3[%dma_wait3A_228] : memref<1000000xi32, #tpu.memory_space<hbm>> -> memref<512xi32, #tpu.memory_space<hbm>>
      tpu.wait_dma2 semaphore(%arg14 : memref<!tpu.dma_semaphore, #tpu.memory_space<semaphore_mem>>) src(%dma_wait3A_229 : memref<512xi32, #tpu.memory_space<hbm>>) dst(%dma_wait3A_227 : memref<512xi32, #tpu.memory_space<vmem>>)
      %scan3A_230 = arith.constant 0 : i32
      %scan3A_231 = arith.constant 0 : i32
      %scan3A_232 = arith.constant 16 : i32
      %scan3A_233 = arith.addi %scan3A_231, %scan3A_232 : i32
      %scan3A_234 = arith.constant 1 : i32
      %scan3A_235 = scf.for %scan3A_237 = %scan3A_231 to %scan3A_233 step %scan3A_234 iter_args(%scan3A_238 = %scan3A_230) -> (i32)  : i32 {
        %mul3A_239 = arith.constant 32 : i32
        %mul3A_240 = arith.muli %scan3A_237, %mul3A_239 : i32
        %add3A_241 = arith.constant 0 : i32
        %add3A_242 = arith.addi %mul3A_240, %add3A_241 : i32
        %get3A = arith.index_cast %add3A_242 : i32 to index
        %get3A_243 = tpu.vector_load %arg9[%get3A] {strides = array<i32>} : memref<2048xi32, #tpu.memory_space<vmem>>, vector<16xi32>,
        %get3A_244 = arith.constant 0 : i32
        %get3A_245 = arith.index_cast %get3A_244 : i32 to index
        %get3A_246 = arith.index_cast %add3A_242 : i32 to index
        %get3A_247 = tpu.vector_load %arg7[%get3A_245, %get3A_246] {strides = array<i32>} : memref<10x2048xf32, #tpu.memory_space<vmem>>, vector<16xf32>,
        %get3A_248 = arith.constant 2 : i32
        %get3A_249 = arith.index_cast %get3A_248 : i32 to index
        %get3A_250 = arith.index_cast %add3A_242 : i32 to index
        %get3A_251 = tpu.vector_load %arg7[%get3A_249, %get3A_250] {strides = array<i32>} : memref<10x2048xf32, #tpu.memory_space<vmem>>, vector<16xf32>,
        %get3A_252 = arith.constant 3 : i32
        %get3A_253 = arith.index_cast %get3A_252 : i32 to index
        %get3A_254 = arith.index_cast %add3A_242 : i32 to index
        %get3A_255 = tpu.vector_load %arg7[%get3A_253, %get3A_254] {strides = array<i32>} : memref<10x2048xf32, #tpu.memory_space<vmem>>, vector<16xf32>,
        %get3A_256 = arith.constant 4 : i32
        %get3A_257 = arith.index_cast %get3A_256 : i32 to index
        %get3A_258 = arith.index_cast %add3A_242 : i32 to index
        %get3A_259 = tpu.vector_load %arg7[%get3A_257, %get3A_258] {strides = array<i32>} : memref<10x2048xf32, #tpu.memory_space<vmem>>, vector<16xf32>,
        %get3A_260 = arith.constant 5 : i32
        %get3A_261 = arith.index_cast %get3A_260 : i32 to index
        %get3A_262 = arith.index_cast %add3A_242 : i32 to index
        %get3A_263 = tpu.vector_load %arg7[%get3A_261, %get3A_262] {strides = array<i32>} : memref<10x2048xf32, #tpu.memory_space<vmem>>, vector<16xf32>,
        %get3A_264 = arith.constant 6 : i32
        %get3A_265 = arith.index_cast %get3A_264 : i32 to index
        %get3A_266 = arith.index_cast %add3A_242 : i32 to index
        %get3A_267 = tpu.vector_load %arg7[%get3A_265, %get3A_266] {strides = array<i32>} : memref<10x2048xf32, #tpu.memory_space<vmem>>, vector<16xf32>,
        %get3A_268 = arith.constant 7 : i32
        %get3A_269 = arith.index_cast %get3A_268 : i32 to index
        %get3A_270 = arith.index_cast %add3A_242 : i32 to index
        %get3A_271 = tpu.vector_load %arg7[%get3A_269, %get3A_270] {strides = array<i32>} : memref<10x2048xf32, #tpu.memory_space<vmem>>, vector<16xf32>,
        %get3A_272 = arith.constant 8 : i32
        %get3A_273 = arith.index_cast %get3A_272 : i32 to index
        %get3A_274 = arith.index_cast %add3A_242 : i32 to index
        %get3A_275 = tpu.vector_load %arg7[%get3A_273, %get3A_274] {strides = array<i32>} : memref<10x2048xf32, #tpu.memory_space<vmem>>, vector<16xf32>,
        %get3A_276 = arith.constant 9 : i32
        %get3A_277 = arith.index_cast %get3A_276 : i32 to index
        %get3A_278 = arith.index_cast %add3A_242 : i32 to index
        %get3A_279 = tpu.vector_load %arg7[%get3A_277, %get3A_278] {strides = array<i32>} : memref<10x2048xf32, #tpu.memory_space<vmem>>, vector<16xf32>,
        %add3A_280 = vector.broadcast %add3A_242 : i32 to vector<16xi32>
        %add3A_281 = arith.addi %iota3A, %add3A_280 : vector<16xi32>
        %gather3A = tpu.vector_load_idx %arg7[%get3A_243, %add3A_281] : memref<10x2048xf32, #tpu.memory_space<vmem>>[vector<16xi32>, vector<16xi32>], vector<16xf32>,
        %mul3A_282 = arith.constant 1.500000e+01 : f32
        %mul3A_283 = vector.broadcast %mul3A_282 : f32 to vector<16xf32>
        %mul3A_284 = arith.mulf %get3A_247, %mul3A_283 : vector<16xf32>
        %convert_element_type3A_285 = arith.fptosi %mul3A_284 : vector<16xf32> to vector<16xi32>
        %add3A_286 = arith.addi %mul3A_6, %convert_element_type3A_285 : vector<16xi32>
        %mul3A_287 = arith.constant 1.500000e+01 : f32
        %mul3A_288 = vector.broadcast %mul3A_287 : f32 to vector<16xf32>
        %mul3A_289 = arith.mulf %get3A_251, %mul3A_288 : vector<16xf32>
        %convert_element_type3A_290 = arith.fptosi %mul3A_289 : vector<16xf32> to vector<16xi32>
        %add3A_291 = arith.addi %mul3A_6, %convert_element_type3A_290 : vector<16xi32>
        %mul3A_292 = arith.constant 1.500000e+01 : f32
        %mul3A_293 = vector.broadcast %mul3A_292 : f32 to vector<16xf32>
        %mul3A_294 = arith.mulf %get3A_255, %mul3A_293 : vector<16xf32>
        %convert_element_type3A_295 = arith.fptosi %mul3A_294 : vector<16xf32> to vector<16xi32>
        %add3A_296 = arith.addi %mul3A_6, %convert_element_type3A_295 : vector<16xi32>
        %mul3A_297 = arith.constant 1.500000e+01 : f32
        %mul3A_298 = vector.broadcast %mul3A_297 : f32 to vector<16xf32>
        %mul3A_299 = arith.mulf %get3A_259, %mul3A_298 : vector<16xf32>
        %convert_element_type3A_300 = arith.fptosi %mul3A_299 : vector<16xf32> to vector<16xi32>
        %add3A_301 = arith.addi %mul3A_6, %convert_element_type3A_300 : vector<16xi32>
        %mul3A_302 = arith.constant 1.500000e+01 : f32
        %mul3A_303 = vector.broadcast %mul3A_302 : f32 to vector<16xf32>
        %mul3A_304 = arith.mulf %get3A_263, %mul3A_303 : vector<16xf32>
        %convert_element_type3A_305 = arith.fptosi %mul3A_304 : vector<16xf32> to vector<16xi32>
        %add3A_306 = arith.addi %mul3A_6, %convert_element_type3A_305 : vector<16xi32>
        %mul3A_307 = arith.constant 1.500000e+01 : f32
        %mul3A_308 = vector.broadcast %mul3A_307 : f32 to vector<16xf32>
        %mul3A_309 = arith.mulf %get3A_267, %mul3A_308 : vector<16xf32>
        %convert_element_type3A_310 = arith.fptosi %mul3A_309 : vector<16xf32> to vector<16xi32>
        %add3A_311 = arith.addi %mul3A_6, %convert_element_type3A_310 : vector<16xi32>
        %mul3A_312 = arith.constant 1.500000e+01 : f32
        %mul3A_313 = vector.broadcast %mul3A_312 : f32 to vector<16xf32>
        %mul3A_314 = arith.mulf %get3A_271, %mul3A_313 : vector<16xf32>
        %convert_element_type3A_315 = arith.fptosi %mul3A_314 : vector<16xf32> to vector<16xi32>
        %add3A_316 = arith.addi %mul3A_6, %convert_element_type3A_315 : vector<16xi32>
        %mul3A_317 = arith.constant 1.500000e+01 : f32
        %mul3A_318 = vector.broadcast %mul3A_317 : f32 to vector<16xf32>
        %mul3A_319 = arith.mulf %get3A_275, %mul3A_318 : vector<16xf32>
        %convert_element_type3A_320 = arith.fptosi %mul3A_319 : vector<16xf32> to vector<16xi32>
        %add3A_321 = arith.addi %mul3A_6, %convert_element_type3A_320 : vector<16xi32>
        %mul3A_322 = arith.constant 1.500000e+01 : f32
        %mul3A_323 = vector.broadcast %mul3A_322 : f32 to vector<16xf32>
        %mul3A_324 = arith.mulf %get3A_279, %mul3A_323 : vector<16xf32>
        %convert_element_type3A_325 = arith.fptosi %mul3A_324 : vector<16xf32> to vector<16xi32>
        %add3A_326 = arith.addi %mul3A_6, %convert_element_type3A_325 : vector<16xi32>
        %mul3A_327 = arith.constant 1.500000e+01 : f32
        %mul3A_328 = vector.broadcast %mul3A_327 : f32 to vector<16xf32>
        %mul3A_329 = arith.mulf %gather3A, %mul3A_328 : vector<16xf32>
        %convert_element_type3A_330 = arith.fptosi %mul3A_329 : vector<16xf32> to vector<16xi32>
        %gt3A = arith.constant 0.000000e+00 : f32
        %gt3A_331 = vector.broadcast %gt3A : f32 to vector<16xf32>
        %gt3A_332 = arith.cmpf ogt, %gather3A, %gt3A_331 : vector<16xf32>
        %ne3A_333 = arith.constant 1 : i32
        %ne3A_334 = vector.broadcast %ne3A_333 : i32 to vector<16xi32>
        %ne3A_335 = arith.cmpi ne, %get3A_243, %ne3A_334 : vector<16xi32>
        %and3A_336 = arith.andi %gt3A_332, %ne3A_335 : vector<16xi1>
        %mul3A_337 = arith.constant 16 : i32
        %mul3A_338 = vector.broadcast %mul3A_337 : i32 to vector<16xi32>
        %mul3A_339 = arith.muli %get3A_243, %mul3A_338 : vector<16xi32>
        %add3A_340 = arith.addi %mul3A_3, %mul3A_339 : vector<16xi32>
        %add3A_341 = arith.addi %add3A_340, %convert_element_type3A_330 : vector<16xi32>
        tpu.vector_store_idx %arg18[%add3A_286], %get3A_247 {add = true} : memref<256xf32, #tpu.memory_space<vmem>>[vector<16xi32>], vector<16xf32>,
        tpu.vector_store_idx %arg19[%add3A_291], %get3A_251 {add = true} : memref<256xf32, #tpu.memory_space<vmem>>[vector<16xi32>], vector<16xf32>,
        tpu.vector_store_idx %arg20[%add3A_296], %get3A_255 {add = true} : memref<256xf32, #tpu.memory_space<vmem>>[vector<16xi32>], vector<16xf32>,
        tpu.vector_store_idx %arg21[%add3A_301], %get3A_259 {add = true} : memref<256xf32, #tpu.memory_space<vmem>>[vector<16xi32>], vector<16xf32>,
        tpu.vector_store_idx %arg22[%add3A_306], %get3A_263 {add = true} : memref<256xf32, #tpu.memory_space<vmem>>[vector<16xi32>], vector<16xf32>,
        tpu.vector_store_idx %arg23[%add3A_311], %get3A_267 {add = true} : memref<256xf32, #tpu.memory_space<vmem>>[vector<16xi32>], vector<16xf32>,
        tpu.vector_store_idx %arg24[%add3A_316], %get3A_271 {add = true} : memref<256xf32, #tpu.memory_space<vmem>>[vector<16xi32>], vector<16xf32>,
        tpu.vector_store_idx %arg25[%add3A_321], %get3A_275 {add = true} : memref<256xf32, #tpu.memory_space<vmem>>[vector<16xi32>], vector<16xf32>,
        tpu.vector_store_idx %arg26[%add3A_326], %get3A_279 {add = true} : memref<256xf32, #tpu.memory_space<vmem>>[vector<16xi32>], vector<16xf32>,
        tpu.vector_store_idx %arg16[%add3A_341], %broadcast_in_dim3A_9 masked %and3A_336 {add = true} : memref<4096xf32, #tpu.memory_space<vmem>>[vector<16xi32>], vector<16xf32>, vector<16xi1>
        %mul3A_342 = arith.constant 32 : i32
        %mul3A_343 = arith.muli %scan3A_237, %mul3A_342 : i32
        %add3A_344 = arith.constant 16 : i32
        %add3A_345 = arith.addi %mul3A_343, %add3A_344 : i32
        %get3A_346 = arith.index_cast %add3A_345 : i32 to index
        %get3A_347 = tpu.vector_load %arg9[%get3A_346] {strides = array<i32>} : memref<2048xi32, #tpu.memory_space<vmem>>, vector<16xi32>,
        %get3A_348 = arith.constant 0 : i32
        %get3A_349 = arith.index_cast %get3A_348 : i32 to index
        %get3A_350 = arith.index_cast %add3A_345 : i32 to index
        %get3A_351 = tpu.vector_load %arg7[%get3A_349, %get3A_350] {strides = array<i32>} : memref<10x2048xf32, #tpu.memory_space<vmem>>, vector<16xf32>,
        %get3A_352 = arith.constant 2 : i32
        %get3A_353 = arith.index_cast %get3A_352 : i32 to index
        %get3A_354 = arith.index_cast %add3A_345 : i32 to index
        %get3A_355 = tpu.vector_load %arg7[%get3A_353, %get3A_354] {strides = array<i32>} : memref<10x2048xf32, #tpu.memory_space<vmem>>, vector<16xf32>,
        %get3A_356 = arith.constant 3 : i32
        %get3A_357 = arith.index_cast %get3A_356 : i32 to index
        %get3A_358 = arith.index_cast %add3A_345 : i32 to index
        %get3A_359 = tpu.vector_load %arg7[%get3A_357, %get3A_358] {strides = array<i32>} : memref<10x2048xf32, #tpu.memory_space<vmem>>, vector<16xf32>,
        %get3A_360 = arith.constant 4 : i32
        %get3A_361 = arith.index_cast %get3A_360 : i32 to index
        %get3A_362 = arith.index_cast %add3A_345 : i32 to index
        %get3A_363 = tpu.vector_load %arg7[%get3A_361, %get3A_362] {strides = array<i32>} : memref<10x2048xf32, #tpu.memory_space<vmem>>, vector<16xf32>,
        %get3A_364 = arith.constant 5 : i32
        %get3A_365 = arith.index_cast %get3A_364 : i32 to index
        %get3A_366 = arith.index_cast %add3A_345 : i32 to index
        %get3A_367 = tpu.vector_load %arg7[%get3A_365, %get3A_366] {strides = array<i32>} : memref<10x2048xf32, #tpu.memory_space<vmem>>, vector<16xf32>,
        %get3A_368 = arith.constant 6 : i32
        %get3A_369 = arith.index_cast %get3A_368 : i32 to index
        %get3A_370 = arith.index_cast %add3A_345 : i32 to index
        %get3A_371 = tpu.vector_load %arg7[%get3A_369, %get3A_370] {strides = array<i32>} : memref<10x2048xf32, #tpu.memory_space<vmem>>, vector<16xf32>,
        %get3A_372 = arith.constant 7 : i32
        %get3A_373 = arith.index_cast %get3A_372 : i32 to index
        %get3A_374 = arith.index_cast %add3A_345 : i32 to index
        %get3A_375 = tpu.vector_load %arg7[%get3A_373, %get3A_374] {strides = array<i32>} : memref<10x2048xf32, #tpu.memory_space<vmem>>, vector<16xf32>,
        %get3A_376 = arith.constant 8 : i32
        %get3A_377 = arith.index_cast %get3A_376 : i32 to index
        %get3A_378 = arith.index_cast %add3A_345 : i32 to index
        %get3A_379 = tpu.vector_load %arg7[%get3A_377, %get3A_378] {strides = array<i32>} : memref<10x2048xf32, #tpu.memory_space<vmem>>, vector<16xf32>,
        %get3A_380 = arith.constant 9 : i32
        %get3A_381 = arith.index_cast %get3A_380 : i32 to index
        %get3A_382 = arith.index_cast %add3A_345 : i32 to index
        %get3A_383 = tpu.vector_load %arg7[%get3A_381, %get3A_382] {strides = array<i32>} : memref<10x2048xf32, #tpu.memory_space<vmem>>, vector<16xf32>,
        %add3A_384 = vector.broadcast %add3A_345 : i32 to vector<16xi32>
        %add3A_385 = arith.addi %iota3A, %add3A_384 : vector<16xi32>
        %gather3A_386 = tpu.vector_load_idx %arg7[%get3A_347, %add3A_385] : memref<10x2048xf32, #tpu.memory_space<vmem>>[vector<16xi32>, vector<16xi32>], vector<16xf32>,
        %mul3A_387 = arith.constant 1.500000e+01 : f32
        %mul3A_388 = vector.broadcast %mul3A_387 : f32 to vector<16xf32>
        %mul3A_389 = arith.mulf %get3A_351, %mul3A_388 : vector<16xf32>
        %convert_element_type3A_390 = arith.fptosi %mul3A_389 : vector<16xf32> to vector<16xi32>
        %add3A_391 = arith.addi %mul3A_6, %convert_element_type3A_390 : vector<16xi32>
        %mul3A_392 = arith.constant 1.500000e+01 : f32
        %mul3A_393 = vector.broadcast %mul3A_392 : f32 to vector<16xf32>
        %mul3A_394 = arith.mulf %get3A_355, %mul3A_393 : vector<16xf32>
        %convert_element_type3A_395 = arith.fptosi %mul3A_394 : vector<16xf32> to vector<16xi32>
        %add3A_396 = arith.addi %mul3A_6, %convert_element_type3A_395 : vector<16xi32>
        %mul3A_397 = arith.constant 1.500000e+01 : f32
        %mul3A_398 = vector.broadcast %mul3A_397 : f32 to vector<16xf32>
        %mul3A_399 = arith.mulf %get3A_359, %mul3A_398 : vector<16xf32>
        %convert_element_type3A_400 = arith.fptosi %mul3A_399 : vector<16xf32> to vector<16xi32>
        %add3A_401 = arith.addi %mul3A_6, %convert_element_type3A_400 : vector<16xi32>
        %mul3A_402 = arith.constant 1.500000e+01 : f32
        %mul3A_403 = vector.broadcast %mul3A_402 : f32 to vector<16xf32>
        %mul3A_404 = arith.mulf %get3A_363, %mul3A_403 : vector<16xf32>
        %convert_element_type3A_405 = arith.fptosi %mul3A_404 : vector<16xf32> to vector<16xi32>
        %add3A_406 = arith.addi %mul3A_6, %convert_element_type3A_405 : vector<16xi32>
        %mul3A_407 = arith.constant 1.500000e+01 : f32
        %mul3A_408 = vector.broadcast %mul3A_407 : f32 to vector<16xf32>
        %mul3A_409 = arith.mulf %get3A_367, %mul3A_408 : vector<16xf32>
        %convert_element_type3A_410 = arith.fptosi %mul3A_409 : vector<16xf32> to vector<16xi32>
        %add3A_411 = arith.addi %mul3A_6, %convert_element_type3A_410 : vector<16xi32>
        %mul3A_412 = arith.constant 1.500000e+01 : f32
        %mul3A_413 = vector.broadcast %mul3A_412 : f32 to vector<16xf32>
        %mul3A_414 = arith.mulf %get3A_371, %mul3A_413 : vector<16xf32>
        %convert_element_type3A_415 = arith.fptosi %mul3A_414 : vector<16xf32> to vector<16xi32>
        %add3A_416 = arith.addi %mul3A_6, %convert_element_type3A_415 : vector<16xi32>
        %mul3A_417 = arith.constant 1.500000e+01 : f32
        %mul3A_418 = vector.broadcast %mul3A_417 : f32 to vector<16xf32>
        %mul3A_419 = arith.mulf %get3A_375, %mul3A_418 : vector<16xf32>
        %convert_element_type3A_420 = arith.fptosi %mul3A_419 : vector<16xf32> to vector<16xi32>
        %add3A_421 = arith.addi %mul3A_6, %convert_element_type3A_420 : vector<16xi32>
        %mul3A_422 = arith.constant 1.500000e+01 : f32
        %mul3A_423 = vector.broadcast %mul3A_422 : f32 to vector<16xf32>
        %mul3A_424 = arith.mulf %get3A_379, %mul3A_423 : vector<16xf32>
        %convert_element_type3A_425 = arith.fptosi %mul3A_424 : vector<16xf32> to vector<16xi32>
        %add3A_426 = arith.addi %mul3A_6, %convert_element_type3A_425 : vector<16xi32>
        %mul3A_427 = arith.constant 1.500000e+01 : f32
        %mul3A_428 = vector.broadcast %mul3A_427 : f32 to vector<16xf32>
        %mul3A_429 = arith.mulf %get3A_383, %mul3A_428 : vector<16xf32>
        %convert_element_type3A_430 = arith.fptosi %mul3A_429 : vector<16xf32> to vector<16xi32>
        %add3A_431 = arith.addi %mul3A_6, %convert_element_type3A_430 : vector<16xi32>
        %mul3A_432 = arith.constant 1.500000e+01 : f32
        %mul3A_433 = vector.broadcast %mul3A_432 : f32 to vector<16xf32>
        %mul3A_434 = arith.mulf %gather3A_386, %mul3A_433 : vector<16xf32>
        %convert_element_type3A_435 = arith.fptosi %mul3A_434 : vector<16xf32> to vector<16xi32>
        %gt3A_436 = arith.constant 0.000000e+00 : f32
        %gt3A_437 = vector.broadcast %gt3A_436 : f32 to vector<16xf32>
        %gt3A_438 = arith.cmpf ogt, %gather3A_386, %gt3A_437 : vector<16xf32>
        %ne3A_439 = arith.constant 1 : i32
        %ne3A_440 = vector.broadcast %ne3A_439 : i32 to vector<16xi32>
        %ne3A_441 = arith.cmpi ne, %get3A_347, %ne3A_440 : vector<16xi32>
        %and3A_442 = arith.andi %gt3A_438, %ne3A_441 : vector<16xi1>
        %mul3A_443 = arith.constant 16 : i32
        %mul3A_444 = vector.broadcast %mul3A_443 : i32 to vector<16xi32>
        %mul3A_445 = arith.muli %get3A_347, %mul3A_444 : vector<16xi32>
        %add3A_446 = arith.addi %mul3A_3, %mul3A_445 : vector<16xi32>
        %add3A_447 = arith.addi %add3A_446, %convert_element_type3A_435 : vector<16xi32>
        tpu.vector_store_idx %arg18[%add3A_391], %get3A_351 {add = true} : memref<256xf32, #tpu.memory_space<vmem>>[vector<16xi32>], vector<16xf32>,
        tpu.vector_store_idx %arg19[%add3A_396], %get3A_355 {add = true} : memref<256xf32, #tpu.memory_space<vmem>>[vector<16xi32>], vector<16xf32>,
        tpu.vector_store_idx %arg20[%add3A_401], %get3A_359 {add = true} : memref<256xf32, #tpu.memory_space<vmem>>[vector<16xi32>], vector<16xf32>,
        tpu.vector_store_idx %arg21[%add3A_406], %get3A_363 {add = true} : memref<256xf32, #tpu.memory_space<vmem>>[vector<16xi32>], vector<16xf32>,
        tpu.vector_store_idx %arg22[%add3A_411], %get3A_367 {add = true} : memref<256xf32, #tpu.memory_space<vmem>>[vector<16xi32>], vector<16xf32>,
        tpu.vector_store_idx %arg23[%add3A_416], %get3A_371 {add = true} : memref<256xf32, #tpu.memory_space<vmem>>[vector<16xi32>], vector<16xf32>,
        tpu.vector_store_idx %arg24[%add3A_421], %get3A_375 {add = true} : memref<256xf32, #tpu.memory_space<vmem>>[vector<16xi32>], vector<16xf32>,
        tpu.vector_store_idx %arg25[%add3A_426], %get3A_379 {add = true} : memref<256xf32, #tpu.memory_space<vmem>>[vector<16xi32>], vector<16xf32>,
        tpu.vector_store_idx %arg26[%add3A_431], %get3A_383 {add = true} : memref<256xf32, #tpu.memory_space<vmem>>[vector<16xi32>], vector<16xf32>,
        tpu.vector_store_idx %arg17[%add3A_447], %broadcast_in_dim3A_9 masked %and3A_442 {add = true} : memref<4096xf32, #tpu.memory_space<vmem>>[vector<16xi32>], vector<16xf32>, vector<16xi1>
        %scan3A_448 = arith.constant 0 : i32
        scf.yield %scan3A_448 : i32
      }
      %scan3A_236 = arith.constant 16 : i32
    } else {
    }
    %eq3A_99 = arith.constant 31 : i32
    %eq3A_100 = arith.cmpi eq, %add3A, %eq3A_99 : i32
    %convert_element_type3A_101 = arith.extui %eq3A_100 : i1 to i32
    %cond3A_102 = arith.constant 0 : i32
    %cond3A_103 = arith.cmpi ne, %convert_element_type3A_101, %cond3A_102 : i32
    scf.if %cond3A_103 {
      %dma_start3A_191 = arith.constant 0 : i32
      %dma_start3A_192 = arith.constant 0 : i32
      %dma_start3A_193 = tpu.memref_slice %arg7[%dma_start3A_191, %dma_start3A_192] : memref<10x2048xf32, #tpu.memory_space<vmem>> -> memref<10x128xf32, #tpu.memory_space<vmem>>
      %dma_start3A_194 = arith.constant 0 : i32
      %dma_start3A_195 = arith.constant 0 : i32
      %dma_start3A_196 = tpu.memref_slice %arg7[%dma_start3A_194, %dma_start3A_195] : memref<10x2048xf32, #tpu.memory_space<vmem>> -> memref<10x128xf32, #tpu.memory_space<vmem>>
      tpu.enqueue_dma source(%arg4 : memref<10x128xf32, #tpu.memory_space<hbm>>) target(%dma_start3A_196 : memref<10x128xf32, #tpu.memory_space<vmem>>) target_semaphore(%arg12 : memref<!tpu.dma_semaphore, #tpu.memory_space<semaphore_mem>>)
      %dma_start3A_197 = arith.constant 0 : i32
      %dma_start3A_198 = tpu.memref_slice %arg9[%dma_start3A_197] : memref<2048xi32, #tpu.memory_space<vmem>> -> memref<128xi32, #tpu.memory_space<vmem>>
      %dma_start3A_199 = arith.constant 0 : i32
      %dma_start3A_200 = tpu.memref_slice %arg9[%dma_start3A_199] : memref<2048xi32, #tpu.memory_space<vmem>> -> memref<128xi32, #tpu.memory_space<vmem>>
      tpu.enqueue_dma source(%arg5 : memref<128xi32, #tpu.memory_space<hbm>>) target(%dma_start3A_200 : memref<128xi32, #tpu.memory_space<vmem>>) target_semaphore(%arg14 : memref<!tpu.dma_semaphore, #tpu.memory_space<semaphore_mem>>)
      %dma_wait3A = arith.constant 0 : i32
      %dma_wait3A_201 = arith.constant 0 : i32
      %dma_wait3A_202 = tpu.memref_slice %arg7[%dma_wait3A, %dma_wait3A_201] : memref<10x2048xf32, #tpu.memory_space<vmem>> -> memref<10x128xf32, #tpu.memory_space<vmem>>
      %dma_wait3A_203 = arith.constant 0 : i32
      %dma_wait3A_204 = arith.constant 0 : i32
      %dma_wait3A_205 = tpu.memref_slice %arg7[%dma_wait3A_203, %dma_wait3A_204] : memref<10x2048xf32, #tpu.memory_space<vmem>> -> memref<10x128xf32, #tpu.memory_space<vmem>>
      tpu.wait_dma2 semaphore(%arg12 : memref<!tpu.dma_semaphore, #tpu.memory_space<semaphore_mem>>) src(%arg4 : memref<10x128xf32, #tpu.memory_space<hbm>>) dst(%dma_wait3A_205 : memref<10x128xf32, #tpu.memory_space<vmem>>)
      %dma_wait3A_206 = arith.constant 0 : i32
      %dma_wait3A_207 = tpu.memref_slice %arg9[%dma_wait3A_206] : memref<2048xi32, #tpu.memory_space<vmem>> -> memref<128xi32, #tpu.memory_space<vmem>>
      %dma_wait3A_208 = arith.constant 0 : i32
      %dma_wait3A_209 = tpu.memref_slice %arg9[%dma_wait3A_208] : memref<2048xi32, #tpu.memory_space<vmem>> -> memref<128xi32, #tpu.memory_space<vmem>>
      tpu.wait_dma2 semaphore(%arg14 : memref<!tpu.dma_semaphore, #tpu.memory_space<semaphore_mem>>) src(%arg5 : memref<128xi32, #tpu.memory_space<hbm>>) dst(%dma_wait3A_209 : memref<128xi32, #tpu.memory_space<vmem>>)
      %scan3A_210 = arith.constant 0 : i32
      %scan3A_211 = arith.constant 0 : i32
      %scan3A_212 = arith.constant 4 : i32
      %scan3A_213 = arith.addi %scan3A_211, %scan3A_212 : i32
      %scan3A_214 = arith.constant 1 : i32
      %scan3A_215 = scf.for %scan3A_217 = %scan3A_211 to %scan3A_213 step %scan3A_214 iter_args(%scan3A_218 = %scan3A_210) -> (i32)  : i32 {
        %mul3A_219 = arith.constant 32 : i32
        %mul3A_220 = arith.muli %scan3A_217, %mul3A_219 : i32
        %add3A_221 = arith.constant 0 : i32
        %add3A_222 = arith.addi %mul3A_220, %add3A_221 : i32
        %get3A = arith.index_cast %add3A_222 : i32 to index
        %get3A_223 = tpu.vector_load %arg9[%get3A] {strides = array<i32>} : memref<2048xi32, #tpu.memory_space<vmem>>, vector<16xi32>,
        %get3A_224 = arith.constant 0 : i32
        %get3A_225 = arith.index_cast %get3A_224 : i32 to index
        %get3A_226 = arith.index_cast %add3A_222 : i32 to index
        %get3A_227 = tpu.vector_load %arg7[%get3A_225, %get3A_226] {strides = array<i32>} : memref<10x2048xf32, #tpu.memory_space<vmem>>, vector<16xf32>,
        %get3A_228 = arith.constant 2 : i32
        %get3A_229 = arith.index_cast %get3A_228 : i32 to index
        %get3A_230 = arith.index_cast %add3A_222 : i32 to index
        %get3A_231 = tpu.vector_load %arg7[%get3A_229, %get3A_230] {strides = array<i32>} : memref<10x2048xf32, #tpu.memory_space<vmem>>, vector<16xf32>,
        %get3A_232 = arith.constant 3 : i32
        %get3A_233 = arith.index_cast %get3A_232 : i32 to index
        %get3A_234 = arith.index_cast %add3A_222 : i32 to index
        %get3A_235 = tpu.vector_load %arg7[%get3A_233, %get3A_234] {strides = array<i32>} : memref<10x2048xf32, #tpu.memory_space<vmem>>, vector<16xf32>,
        %get3A_236 = arith.constant 4 : i32
        %get3A_237 = arith.index_cast %get3A_236 : i32 to index
        %get3A_238 = arith.index_cast %add3A_222 : i32 to index
        %get3A_239 = tpu.vector_load %arg7[%get3A_237, %get3A_238] {strides = array<i32>} : memref<10x2048xf32, #tpu.memory_space<vmem>>, vector<16xf32>,
        %get3A_240 = arith.constant 5 : i32
        %get3A_241 = arith.index_cast %get3A_240 : i32 to index
        %get3A_242 = arith.index_cast %add3A_222 : i32 to index
        %get3A_243 = tpu.vector_load %arg7[%get3A_241, %get3A_242] {strides = array<i32>} : memref<10x2048xf32, #tpu.memory_space<vmem>>, vector<16xf32>,
        %get3A_244 = arith.constant 6 : i32
        %get3A_245 = arith.index_cast %get3A_244 : i32 to index
        %get3A_246 = arith.index_cast %add3A_222 : i32 to index
        %get3A_247 = tpu.vector_load %arg7[%get3A_245, %get3A_246] {strides = array<i32>} : memref<10x2048xf32, #tpu.memory_space<vmem>>, vector<16xf32>,
        %get3A_248 = arith.constant 7 : i32
        %get3A_249 = arith.index_cast %get3A_248 : i32 to index
        %get3A_250 = arith.index_cast %add3A_222 : i32 to index
        %get3A_251 = tpu.vector_load %arg7[%get3A_249, %get3A_250] {strides = array<i32>} : memref<10x2048xf32, #tpu.memory_space<vmem>>, vector<16xf32>,
        %get3A_252 = arith.constant 8 : i32
        %get3A_253 = arith.index_cast %get3A_252 : i32 to index
        %get3A_254 = arith.index_cast %add3A_222 : i32 to index
        %get3A_255 = tpu.vector_load %arg7[%get3A_253, %get3A_254] {strides = array<i32>} : memref<10x2048xf32, #tpu.memory_space<vmem>>, vector<16xf32>,
        %get3A_256 = arith.constant 9 : i32
        %get3A_257 = arith.index_cast %get3A_256 : i32 to index
        %get3A_258 = arith.index_cast %add3A_222 : i32 to index
        %get3A_259 = tpu.vector_load %arg7[%get3A_257, %get3A_258] {strides = array<i32>} : memref<10x2048xf32, #tpu.memory_space<vmem>>, vector<16xf32>,
        %add3A_260 = vector.broadcast %add3A_222 : i32 to vector<16xi32>
        %add3A_261 = arith.addi %iota3A, %add3A_260 : vector<16xi32>
        %gather3A = tpu.vector_load_idx %arg7[%get3A_223, %add3A_261] : memref<10x2048xf32, #tpu.memory_space<vmem>>[vector<16xi32>, vector<16xi32>], vector<16xf32>,
        %mul3A_262 = arith.constant 1.500000e+01 : f32
        %mul3A_263 = vector.broadcast %mul3A_262 : f32 to vector<16xf32>
        %mul3A_264 = arith.mulf %get3A_227, %mul3A_263 : vector<16xf32>
        %convert_element_type3A_265 = arith.fptosi %mul3A_264 : vector<16xf32> to vector<16xi32>
        %add3A_266 = arith.addi %mul3A_6, %convert_element_type3A_265 : vector<16xi32>
        %mul3A_267 = arith.constant 1.500000e+01 : f32
        %mul3A_268 = vector.broadcast %mul3A_267 : f32 to vector<16xf32>
        %mul3A_269 = arith.mulf %get3A_231, %mul3A_268 : vector<16xf32>
        %convert_element_type3A_270 = arith.fptosi %mul3A_269 : vector<16xf32> to vector<16xi32>
        %add3A_271 = arith.addi %mul3A_6, %convert_element_type3A_270 : vector<16xi32>
        %mul3A_272 = arith.constant 1.500000e+01 : f32
        %mul3A_273 = vector.broadcast %mul3A_272 : f32 to vector<16xf32>
        %mul3A_274 = arith.mulf %get3A_235, %mul3A_273 : vector<16xf32>
        %convert_element_type3A_275 = arith.fptosi %mul3A_274 : vector<16xf32> to vector<16xi32>
        %add3A_276 = arith.addi %mul3A_6, %convert_element_type3A_275 : vector<16xi32>
        %mul3A_277 = arith.constant 1.500000e+01 : f32
        %mul3A_278 = vector.broadcast %mul3A_277 : f32 to vector<16xf32>
        %mul3A_279 = arith.mulf %get3A_239, %mul3A_278 : vector<16xf32>
        %convert_element_type3A_280 = arith.fptosi %mul3A_279 : vector<16xf32> to vector<16xi32>
        %add3A_281 = arith.addi %mul3A_6, %convert_element_type3A_280 : vector<16xi32>
        %mul3A_282 = arith.constant 1.500000e+01 : f32
        %mul3A_283 = vector.broadcast %mul3A_282 : f32 to vector<16xf32>
        %mul3A_284 = arith.mulf %get3A_243, %mul3A_283 : vector<16xf32>
        %convert_element_type3A_285 = arith.fptosi %mul3A_284 : vector<16xf32> to vector<16xi32>
        %add3A_286 = arith.addi %mul3A_6, %convert_element_type3A_285 : vector<16xi32>
        %mul3A_287 = arith.constant 1.500000e+01 : f32
        %mul3A_288 = vector.broadcast %mul3A_287 : f32 to vector<16xf32>
        %mul3A_289 = arith.mulf %get3A_247, %mul3A_288 : vector<16xf32>
        %convert_element_type3A_290 = arith.fptosi %mul3A_289 : vector<16xf32> to vector<16xi32>
        %add3A_291 = arith.addi %mul3A_6, %convert_element_type3A_290 : vector<16xi32>
        %mul3A_292 = arith.constant 1.500000e+01 : f32
        %mul3A_293 = vector.broadcast %mul3A_292 : f32 to vector<16xf32>
        %mul3A_294 = arith.mulf %get3A_251, %mul3A_293 : vector<16xf32>
        %convert_element_type3A_295 = arith.fptosi %mul3A_294 : vector<16xf32> to vector<16xi32>
        %add3A_296 = arith.addi %mul3A_6, %convert_element_type3A_295 : vector<16xi32>
        %mul3A_297 = arith.constant 1.500000e+01 : f32
        %mul3A_298 = vector.broadcast %mul3A_297 : f32 to vector<16xf32>
        %mul3A_299 = arith.mulf %get3A_255, %mul3A_298 : vector<16xf32>
        %convert_element_type3A_300 = arith.fptosi %mul3A_299 : vector<16xf32> to vector<16xi32>
        %add3A_301 = arith.addi %mul3A_6, %convert_element_type3A_300 : vector<16xi32>
        %mul3A_302 = arith.constant 1.500000e+01 : f32
        %mul3A_303 = vector.broadcast %mul3A_302 : f32 to vector<16xf32>
        %mul3A_304 = arith.mulf %get3A_259, %mul3A_303 : vector<16xf32>
        %convert_element_type3A_305 = arith.fptosi %mul3A_304 : vector<16xf32> to vector<16xi32>
        %add3A_306 = arith.addi %mul3A_6, %convert_element_type3A_305 : vector<16xi32>
        %mul3A_307 = arith.constant 1.500000e+01 : f32
        %mul3A_308 = vector.broadcast %mul3A_307 : f32 to vector<16xf32>
        %mul3A_309 = arith.mulf %gather3A, %mul3A_308 : vector<16xf32>
        %convert_element_type3A_310 = arith.fptosi %mul3A_309 : vector<16xf32> to vector<16xi32>
        %gt3A = arith.constant 0.000000e+00 : f32
        %gt3A_311 = vector.broadcast %gt3A : f32 to vector<16xf32>
        %gt3A_312 = arith.cmpf ogt, %gather3A, %gt3A_311 : vector<16xf32>
        %ne3A_313 = arith.constant 1 : i32
        %ne3A_314 = vector.broadcast %ne3A_313 : i32 to vector<16xi32>
        %ne3A_315 = arith.cmpi ne, %get3A_223, %ne3A_314 : vector<16xi32>
        %and3A_316 = arith.andi %gt3A_312, %ne3A_315 : vector<16xi1>
        %mul3A_317 = arith.constant 16 : i32
        %mul3A_318 = vector.broadcast %mul3A_317 : i32 to vector<16xi32>
        %mul3A_319 = arith.muli %get3A_223, %mul3A_318 : vector<16xi32>
        %add3A_320 = arith.addi %mul3A_3, %mul3A_319 : vector<16xi32>
        %add3A_321 = arith.addi %add3A_320, %convert_element_type3A_310 : vector<16xi32>
        tpu.vector_store_idx %arg18[%add3A_266], %get3A_227 {add = true} : memref<256xf32, #tpu.memory_space<vmem>>[vector<16xi32>], vector<16xf32>,
        tpu.vector_store_idx %arg19[%add3A_271], %get3A_231 {add = true} : memref<256xf32, #tpu.memory_space<vmem>>[vector<16xi32>], vector<16xf32>,
        tpu.vector_store_idx %arg20[%add3A_276], %get3A_235 {add = true} : memref<256xf32, #tpu.memory_space<vmem>>[vector<16xi32>], vector<16xf32>,
        tpu.vector_store_idx %arg21[%add3A_281], %get3A_239 {add = true} : memref<256xf32, #tpu.memory_space<vmem>>[vector<16xi32>], vector<16xf32>,
        tpu.vector_store_idx %arg22[%add3A_286], %get3A_243 {add = true} : memref<256xf32, #tpu.memory_space<vmem>>[vector<16xi32>], vector<16xf32>,
        tpu.vector_store_idx %arg23[%add3A_291], %get3A_247 {add = true} : memref<256xf32, #tpu.memory_space<vmem>>[vector<16xi32>], vector<16xf32>,
        tpu.vector_store_idx %arg24[%add3A_296], %get3A_251 {add = true} : memref<256xf32, #tpu.memory_space<vmem>>[vector<16xi32>], vector<16xf32>,
        tpu.vector_store_idx %arg25[%add3A_301], %get3A_255 {add = true} : memref<256xf32, #tpu.memory_space<vmem>>[vector<16xi32>], vector<16xf32>,
        tpu.vector_store_idx %arg26[%add3A_306], %get3A_259 {add = true} : memref<256xf32, #tpu.memory_space<vmem>>[vector<16xi32>], vector<16xf32>,
        tpu.vector_store_idx %arg16[%add3A_321], %broadcast_in_dim3A_9 masked %and3A_316 {add = true} : memref<4096xf32, #tpu.memory_space<vmem>>[vector<16xi32>], vector<16xf32>, vector<16xi1>
        %mul3A_322 = arith.constant 32 : i32
        %mul3A_323 = arith.muli %scan3A_217, %mul3A_322 : i32
        %add3A_324 = arith.constant 16 : i32
        %add3A_325 = arith.addi %mul3A_323, %add3A_324 : i32
        %get3A_326 = arith.index_cast %add3A_325 : i32 to index
        %get3A_327 = tpu.vector_load %arg9[%get3A_326] {strides = array<i32>} : memref<2048xi32, #tpu.memory_space<vmem>>, vector<16xi32>,
        %get3A_328 = arith.constant 0 : i32
        %get3A_329 = arith.index_cast %get3A_328 : i32 to index
        %get3A_330 = arith.index_cast %add3A_325 : i32 to index
        %get3A_331 = tpu.vector_load %arg7[%get3A_329, %get3A_330] {strides = array<i32>} : memref<10x2048xf32, #tpu.memory_space<vmem>>, vector<16xf32>,
        %get3A_332 = arith.constant 2 : i32
        %get3A_333 = arith.index_cast %get3A_332 : i32 to index
        %get3A_334 = arith.index_cast %add3A_325 : i32 to index
        %get3A_335 = tpu.vector_load %arg7[%get3A_333, %get3A_334] {strides = array<i32>} : memref<10x2048xf32, #tpu.memory_space<vmem>>, vector<16xf32>,
        %get3A_336 = arith.constant 3 : i32
        %get3A_337 = arith.index_cast %get3A_336 : i32 to index
        %get3A_338 = arith.index_cast %add3A_325 : i32 to index
        %get3A_339 = tpu.vector_load %arg7[%get3A_337, %get3A_338] {strides = array<i32>} : memref<10x2048xf32, #tpu.memory_space<vmem>>, vector<16xf32>,
        %get3A_340 = arith.constant 4 : i32
        %get3A_341 = arith.index_cast %get3A_340 : i32 to index
        %get3A_342 = arith.index_cast %add3A_325 : i32 to index
        %get3A_343 = tpu.vector_load %arg7[%get3A_341, %get3A_342] {strides = array<i32>} : memref<10x2048xf32, #tpu.memory_space<vmem>>, vector<16xf32>,
        %get3A_344 = arith.constant 5 : i32
        %get3A_345 = arith.index_cast %get3A_344 : i32 to index
        %get3A_346 = arith.index_cast %add3A_325 : i32 to index
        %get3A_347 = tpu.vector_load %arg7[%get3A_345, %get3A_346] {strides = array<i32>} : memref<10x2048xf32, #tpu.memory_space<vmem>>, vector<16xf32>,
        %get3A_348 = arith.constant 6 : i32
        %get3A_349 = arith.index_cast %get3A_348 : i32 to index
        %get3A_350 = arith.index_cast %add3A_325 : i32 to index
        %get3A_351 = tpu.vector_load %arg7[%get3A_349, %get3A_350] {strides = array<i32>} : memref<10x2048xf32, #tpu.memory_space<vmem>>, vector<16xf32>,
        %get3A_352 = arith.constant 7 : i32
        %get3A_353 = arith.index_cast %get3A_352 : i32 to index
        %get3A_354 = arith.index_cast %add3A_325 : i32 to index
        %get3A_355 = tpu.vector_load %arg7[%get3A_353, %get3A_354] {strides = array<i32>} : memref<10x2048xf32, #tpu.memory_space<vmem>>, vector<16xf32>,
        %get3A_356 = arith.constant 8 : i32
        %get3A_357 = arith.index_cast %get3A_356 : i32 to index
        %get3A_358 = arith.index_cast %add3A_325 : i32 to index
        %get3A_359 = tpu.vector_load %arg7[%get3A_357, %get3A_358] {strides = array<i32>} : memref<10x2048xf32, #tpu.memory_space<vmem>>, vector<16xf32>,
        %get3A_360 = arith.constant 9 : i32
        %get3A_361 = arith.index_cast %get3A_360 : i32 to index
        %get3A_362 = arith.index_cast %add3A_325 : i32 to index
        %get3A_363 = tpu.vector_load %arg7[%get3A_361, %get3A_362] {strides = array<i32>} : memref<10x2048xf32, #tpu.memory_space<vmem>>, vector<16xf32>,
        %add3A_364 = vector.broadcast %add3A_325 : i32 to vector<16xi32>
        %add3A_365 = arith.addi %iota3A, %add3A_364 : vector<16xi32>
        %gather3A_366 = tpu.vector_load_idx %arg7[%get3A_327, %add3A_365] : memref<10x2048xf32, #tpu.memory_space<vmem>>[vector<16xi32>, vector<16xi32>], vector<16xf32>,
        %mul3A_367 = arith.constant 1.500000e+01 : f32
        %mul3A_368 = vector.broadcast %mul3A_367 : f32 to vector<16xf32>
        %mul3A_369 = arith.mulf %get3A_331, %mul3A_368 : vector<16xf32>
        %convert_element_type3A_370 = arith.fptosi %mul3A_369 : vector<16xf32> to vector<16xi32>
        %add3A_371 = arith.addi %mul3A_6, %convert_element_type3A_370 : vector<16xi32>
        %mul3A_372 = arith.constant 1.500000e+01 : f32
        %mul3A_373 = vector.broadcast %mul3A_372 : f32 to vector<16xf32>
        %mul3A_374 = arith.mulf %get3A_335, %mul3A_373 : vector<16xf32>
        %convert_element_type3A_375 = arith.fptosi %mul3A_374 : vector<16xf32> to vector<16xi32>
        %add3A_376 = arith.addi %mul3A_6, %convert_element_type3A_375 : vector<16xi32>
        %mul3A_377 = arith.constant 1.500000e+01 : f32
        %mul3A_378 = vector.broadcast %mul3A_377 : f32 to vector<16xf32>
        %mul3A_379 = arith.mulf %get3A_339, %mul3A_378 : vector<16xf32>
        %convert_element_type3A_380 = arith.fptosi %mul3A_379 : vector<16xf32> to vector<16xi32>
        %add3A_381 = arith.addi %mul3A_6, %convert_element_type3A_380 : vector<16xi32>
        %mul3A_382 = arith.constant 1.500000e+01 : f32
        %mul3A_383 = vector.broadcast %mul3A_382 : f32 to vector<16xf32>
        %mul3A_384 = arith.mulf %get3A_343, %mul3A_383 : vector<16xf32>
        %convert_element_type3A_385 = arith.fptosi %mul3A_384 : vector<16xf32> to vector<16xi32>
        %add3A_386 = arith.addi %mul3A_6, %convert_element_type3A_385 : vector<16xi32>
        %mul3A_387 = arith.constant 1.500000e+01 : f32
        %mul3A_388 = vector.broadcast %mul3A_387 : f32 to vector<16xf32>
        %mul3A_389 = arith.mulf %get3A_347, %mul3A_388 : vector<16xf32>
        %convert_element_type3A_390 = arith.fptosi %mul3A_389 : vector<16xf32> to vector<16xi32>
        %add3A_391 = arith.addi %mul3A_6, %convert_element_type3A_390 : vector<16xi32>
        %mul3A_392 = arith.constant 1.500000e+01 : f32
        %mul3A_393 = vector.broadcast %mul3A_392 : f32 to vector<16xf32>
        %mul3A_394 = arith.mulf %get3A_351, %mul3A_393 : vector<16xf32>
        %convert_element_type3A_395 = arith.fptosi %mul3A_394 : vector<16xf32> to vector<16xi32>
        %add3A_396 = arith.addi %mul3A_6, %convert_element_type3A_395 : vector<16xi32>
        %mul3A_397 = arith.constant 1.500000e+01 : f32
        %mul3A_398 = vector.broadcast %mul3A_397 : f32 to vector<16xf32>
        %mul3A_399 = arith.mulf %get3A_355, %mul3A_398 : vector<16xf32>
        %convert_element_type3A_400 = arith.fptosi %mul3A_399 : vector<16xf32> to vector<16xi32>
        %add3A_401 = arith.addi %mul3A_6, %convert_element_type3A_400 : vector<16xi32>
        %mul3A_402 = arith.constant 1.500000e+01 : f32
        %mul3A_403 = vector.broadcast %mul3A_402 : f32 to vector<16xf32>
        %mul3A_404 = arith.mulf %get3A_359, %mul3A_403 : vector<16xf32>
        %convert_element_type3A_405 = arith.fptosi %mul3A_404 : vector<16xf32> to vector<16xi32>
        %add3A_406 = arith.addi %mul3A_6, %convert_element_type3A_405 : vector<16xi32>
        %mul3A_407 = arith.constant 1.500000e+01 : f32
        %mul3A_408 = vector.broadcast %mul3A_407 : f32 to vector<16xf32>
        %mul3A_409 = arith.mulf %get3A_363, %mul3A_408 : vector<16xf32>
        %convert_element_type3A_410 = arith.fptosi %mul3A_409 : vector<16xf32> to vector<16xi32>
        %add3A_411 = arith.addi %mul3A_6, %convert_element_type3A_410 : vector<16xi32>
        %mul3A_412 = arith.constant 1.500000e+01 : f32
        %mul3A_413 = vector.broadcast %mul3A_412 : f32 to vector<16xf32>
        %mul3A_414 = arith.mulf %gather3A_366, %mul3A_413 : vector<16xf32>
        %convert_element_type3A_415 = arith.fptosi %mul3A_414 : vector<16xf32> to vector<16xi32>
        %gt3A_416 = arith.constant 0.000000e+00 : f32
        %gt3A_417 = vector.broadcast %gt3A_416 : f32 to vector<16xf32>
        %gt3A_418 = arith.cmpf ogt, %gather3A_366, %gt3A_417 : vector<16xf32>
        %ne3A_419 = arith.constant 1 : i32
        %ne3A_420 = vector.broadcast %ne3A_419 : i32 to vector<16xi32>
        %ne3A_421 = arith.cmpi ne, %get3A_327, %ne3A_420 : vector<16xi32>
        %and3A_422 = arith.andi %gt3A_418, %ne3A_421 : vector<16xi1>
        %mul3A_423 = arith.constant 16 : i32
        %mul3A_424 = vector.broadcast %mul3A_423 : i32 to vector<16xi32>
        %mul3A_425 = arith.muli %get3A_327, %mul3A_424 : vector<16xi32>
        %add3A_426 = arith.addi %mul3A_3, %mul3A_425 : vector<16xi32>
        %add3A_427 = arith.addi %add3A_426, %convert_element_type3A_415 : vector<16xi32>
        tpu.vector_store_idx %arg18[%add3A_371], %get3A_331 {add = true} : memref<256xf32, #tpu.memory_space<vmem>>[vector<16xi32>], vector<16xf32>,
        tpu.vector_store_idx %arg19[%add3A_376], %get3A_335 {add = true} : memref<256xf32, #tpu.memory_space<vmem>>[vector<16xi32>], vector<16xf32>,
        tpu.vector_store_idx %arg20[%add3A_381], %get3A_339 {add = true} : memref<256xf32, #tpu.memory_space<vmem>>[vector<16xi32>], vector<16xf32>,
        tpu.vector_store_idx %arg21[%add3A_386], %get3A_343 {add = true} : memref<256xf32, #tpu.memory_space<vmem>>[vector<16xi32>], vector<16xf32>,
        tpu.vector_store_idx %arg22[%add3A_391], %get3A_347 {add = true} : memref<256xf32, #tpu.memory_space<vmem>>[vector<16xi32>], vector<16xf32>,
        tpu.vector_store_idx %arg23[%add3A_396], %get3A_351 {add = true} : memref<256xf32, #tpu.memory_space<vmem>>[vector<16xi32>], vector<16xf32>,
        tpu.vector_store_idx %arg24[%add3A_401], %get3A_355 {add = true} : memref<256xf32, #tpu.memory_space<vmem>>[vector<16xi32>], vector<16xf32>,
        tpu.vector_store_idx %arg25[%add3A_406], %get3A_359 {add = true} : memref<256xf32, #tpu.memory_space<vmem>>[vector<16xi32>], vector<16xf32>,
        tpu.vector_store_idx %arg26[%add3A_411], %get3A_363 {add = true} : memref<256xf32, #tpu.memory_space<vmem>>[vector<16xi32>], vector<16xf32>,
        tpu.vector_store_idx %arg17[%add3A_427], %broadcast_in_dim3A_9 masked %and3A_422 {add = true} : memref<4096xf32, #tpu.memory_space<vmem>>[vector<16xi32>], vector<16xf32>, vector<16xi1>
        %scan3A_428 = arith.constant 0 : i32
        scf.yield %scan3A_428 : i32
      }
      %scan3A_216 = arith.constant 4 : i32
    } else {
    }
    %scan3A_104 = arith.constant 0 : i32
    %scan3A_105 = arith.constant 16 : i32
    %scan3A_106 = arith.addi %scan3A_104, %scan3A_105 : i32
    %scan3A_107 = arith.constant 1 : i32
    %scan3A_108 = scf.for %scan3A_191 = %scan3A_104 to %scan3A_106 step %scan3A_107 iter_args(%scan3A_192 = %broadcast_in_dim3A_7) -> (vector<16xf32>)  : i32 {
      %mul3A_193 = arith.constant 16 : i32
      %mul3A_194 = arith.muli %scan3A_191, %mul3A_193 : i32
      %get3A = arith.index_cast %mul3A_194 : i32 to index
      %get3A_195 = tpu.vector_load %arg18[%get3A] {strides = array<i32>} : memref<256xf32, #tpu.memory_space<vmem>>, vector<16xf32>,
      %add3A_196 = arith.addf %scan3A_192, %get3A_195 : vector<16xf32>
      %mul3A_197 = arith.constant 256 : i32
      %mul3A_198 = arith.muli %scan3A_191, %mul3A_197 : i32
      %add3A_199 = arith.constant 0 : i32
      %add3A_200 = arith.addi %mul3A_198, %add3A_199 : i32
      %get3A_201 = arith.index_cast %add3A_200 : i32 to index
      %get3A_202 = tpu.vector_load %arg16[%get3A_201] {strides = array<i32>} : memref<4096xf32, #tpu.memory_space<vmem>>, vector<16xf32>,
      %add3A_203 = arith.addf %add3A_196, %get3A_202 : vector<16xf32>
      %mul3A_204 = arith.constant 256 : i32
      %mul3A_205 = arith.muli %scan3A_191, %mul3A_204 : i32
      %add3A_206 = arith.constant 0 : i32
      %add3A_207 = arith.addi %mul3A_205, %add3A_206 : i32
      %get3A_208 = arith.index_cast %add3A_207 : i32 to index
      %get3A_209 = tpu.vector_load %arg17[%get3A_208] {strides = array<i32>} : memref<4096xf32, #tpu.memory_space<vmem>>, vector<16xf32>,
      %add3A_210 = arith.addf %add3A_203, %get3A_209 : vector<16xf32>
      scf.yield %add3A_210 : vector<16xf32>
    }
    %scan3A_109 = arith.constant 16 : i32
    %swap3A = arith.constant 0 : index
    %swap3A_110 = tpu.vector_load %arg11[%swap3A] {strides = array<i32>} : memref<256xf32, #tpu.memory_space<vmem>>, vector<16xf32>,
    tpu.vector_store %arg11[%swap3A], %scan3A_108 {strides = array<i32>} : memref<256xf32, #tpu.memory_space<vmem>>, vector<16xf32>,
    %swap3A_111 = arith.constant 16 : index
    %swap3A_112 = tpu.vector_load %arg11[%swap3A_111] {strides = array<i32>} : memref<256xf32, #tpu.memory_space<vmem>>, vector<16xf32>,
    tpu.vector_store %arg11[%swap3A_111], %broadcast_in_dim3A_7 {strides = array<i32>} : memref<256xf32, #tpu.memory_space<vmem>>, vector<16xf32>,
    %scan3A_113 = arith.constant 0 : i32
    %scan3A_114 = arith.constant 16 : i32
    %scan3A_115 = arith.addi %scan3A_113, %scan3A_114 : i32
    %scan3A_116 = arith.constant 1 : i32
    %scan3A_117 = scf.for %scan3A_191 = %scan3A_113 to %scan3A_115 step %scan3A_116 iter_args(%scan3A_192 = %broadcast_in_dim3A_7) -> (vector<16xf32>)  : i32 {
      %mul3A_193 = arith.constant 16 : i32
      %mul3A_194 = arith.muli %scan3A_191, %mul3A_193 : i32
      %get3A = arith.index_cast %mul3A_194 : i32 to index
      %get3A_195 = tpu.vector_load %arg19[%get3A] {strides = array<i32>} : memref<256xf32, #tpu.memory_space<vmem>>, vector<16xf32>,
      %add3A_196 = arith.addf %scan3A_192, %get3A_195 : vector<16xf32>
      %mul3A_197 = arith.constant 256 : i32
      %mul3A_198 = arith.muli %scan3A_191, %mul3A_197 : i32
      %add3A_199 = arith.constant 32 : i32
      %add3A_200 = arith.addi %mul3A_198, %add3A_199 : i32
      %get3A_201 = arith.index_cast %add3A_200 : i32 to index
      %get3A_202 = tpu.vector_load %arg16[%get3A_201] {strides = array<i32>} : memref<4096xf32, #tpu.memory_space<vmem>>, vector<16xf32>,
      %add3A_203 = arith.addf %add3A_196, %get3A_202 : vector<16xf32>
      %mul3A_204 = arith.constant 256 : i32
      %mul3A_205 = arith.muli %scan3A_191, %mul3A_204 : i32
      %add3A_206 = arith.constant 32 : i32
      %add3A_207 = arith.addi %mul3A_205, %add3A_206 : i32
      %get3A_208 = arith.index_cast %add3A_207 : i32 to index
      %get3A_209 = tpu.vector_load %arg17[%get3A_208] {strides = array<i32>} : memref<4096xf32, #tpu.memory_space<vmem>>, vector<16xf32>,
      %add3A_210 = arith.addf %add3A_203, %get3A_209 : vector<16xf32>
      scf.yield %add3A_210 : vector<16xf32>
    }
    %scan3A_118 = arith.constant 16 : i32
    %swap3A_119 = arith.constant 32 : index
    %swap3A_120 = tpu.vector_load %arg11[%swap3A_119] {strides = array<i32>} : memref<256xf32, #tpu.memory_space<vmem>>, vector<16xf32>,
    tpu.vector_store %arg11[%swap3A_119], %scan3A_117 {strides = array<i32>} : memref<256xf32, #tpu.memory_space<vmem>>, vector<16xf32>,
    %scan3A_121 = arith.constant 0 : i32
    %scan3A_122 = arith.constant 16 : i32
    %scan3A_123 = arith.addi %scan3A_121, %scan3A_122 : i32
    %scan3A_124 = arith.constant 1 : i32
    %scan3A_125 = scf.for %scan3A_191 = %scan3A_121 to %scan3A_123 step %scan3A_124 iter_args(%scan3A_192 = %broadcast_in_dim3A_7) -> (vector<16xf32>)  : i32 {
      %mul3A_193 = arith.constant 16 : i32
      %mul3A_194 = arith.muli %scan3A_191, %mul3A_193 : i32
      %get3A = arith.index_cast %mul3A_194 : i32 to index
      %get3A_195 = tpu.vector_load %arg20[%get3A] {strides = array<i32>} : memref<256xf32, #tpu.memory_space<vmem>>, vector<16xf32>,
      %add3A_196 = arith.addf %scan3A_192, %get3A_195 : vector<16xf32>
      %mul3A_197 = arith.constant 256 : i32
      %mul3A_198 = arith.muli %scan3A_191, %mul3A_197 : i32
      %add3A_199 = arith.constant 48 : i32
      %add3A_200 = arith.addi %mul3A_198, %add3A_199 : i32
      %get3A_201 = arith.index_cast %add3A_200 : i32 to index
      %get3A_202 = tpu.vector_load %arg16[%get3A_201] {strides = array<i32>} : memref<4096xf32, #tpu.memory_space<vmem>>, vector<16xf32>,
      %add3A_203 = arith.addf %add3A_196, %get3A_202 : vector<16xf32>
      %mul3A_204 = arith.constant 256 : i32
      %mul3A_205 = arith.muli %scan3A_191, %mul3A_204 : i32
      %add3A_206 = arith.constant 48 : i32
      %add3A_207 = arith.addi %mul3A_205, %add3A_206 : i32
      %get3A_208 = arith.index_cast %add3A_207 : i32 to index
      %get3A_209 = tpu.vector_load %arg17[%get3A_208] {strides = array<i32>} : memref<4096xf32, #tpu.memory_space<vmem>>, vector<16xf32>,
      %add3A_210 = arith.addf %add3A_203, %get3A_209 : vector<16xf32>
      scf.yield %add3A_210 : vector<16xf32>
    }
    %scan3A_126 = arith.constant 16 : i32
    %swap3A_127 = arith.constant 48 : index
    %swap3A_128 = tpu.vector_load %arg11[%swap3A_127] {strides = array<i32>} : memref<256xf32, #tpu.memory_space<vmem>>, vector<16xf32>,
    tpu.vector_store %arg11[%swap3A_127], %scan3A_125 {strides = array<i32>} : memref<256xf32, #tpu.memory_space<vmem>>, vector<16xf32>,
    %scan3A_129 = arith.constant 0 : i32
    %scan3A_130 = arith.constant 16 : i32
    %scan3A_131 = arith.addi %scan3A_129, %scan3A_130 : i32
    %scan3A_132 = arith.constant 1 : i32
    %scan3A_133 = scf.for %scan3A_191 = %scan3A_129 to %scan3A_131 step %scan3A_132 iter_args(%scan3A_192 = %broadcast_in_dim3A_7) -> (vector<16xf32>)  : i32 {
      %mul3A_193 = arith.constant 16 : i32
      %mul3A_194 = arith.muli %scan3A_191, %mul3A_193 : i32
      %get3A = arith.index_cast %mul3A_194 : i32 to index
      %get3A_195 = tpu.vector_load %arg21[%get3A] {strides = array<i32>} : memref<256xf32, #tpu.memory_space<vmem>>, vector<16xf32>,
      %add3A_196 = arith.addf %scan3A_192, %get3A_195 : vector<16xf32>
      %mul3A_197 = arith.constant 256 : i32
      %mul3A_198 = arith.muli %scan3A_191, %mul3A_197 : i32
      %add3A_199 = arith.constant 64 : i32
      %add3A_200 = arith.addi %mul3A_198, %add3A_199 : i32
      %get3A_201 = arith.index_cast %add3A_200 : i32 to index
      %get3A_202 = tpu.vector_load %arg16[%get3A_201] {strides = array<i32>} : memref<4096xf32, #tpu.memory_space<vmem>>, vector<16xf32>,
      %add3A_203 = arith.addf %add3A_196, %get3A_202 : vector<16xf32>
      %mul3A_204 = arith.constant 256 : i32
      %mul3A_205 = arith.muli %scan3A_191, %mul3A_204 : i32
      %add3A_206 = arith.constant 64 : i32
      %add3A_207 = arith.addi %mul3A_205, %add3A_206 : i32
      %get3A_208 = arith.index_cast %add3A_207 : i32 to index
      %get3A_209 = tpu.vector_load %arg17[%get3A_208] {strides = array<i32>} : memref<4096xf32, #tpu.memory_space<vmem>>, vector<16xf32>,
      %add3A_210 = arith.addf %add3A_203, %get3A_209 : vector<16xf32>
      scf.yield %add3A_210 : vector<16xf32>
    }
    %scan3A_134 = arith.constant 16 : i32
    %swap3A_135 = arith.constant 64 : index
    %swap3A_136 = tpu.vector_load %arg11[%swap3A_135] {strides = array<i32>} : memref<256xf32, #tpu.memory_space<vmem>>, vector<16xf32>,
    tpu.vector_store %arg11[%swap3A_135], %scan3A_133 {strides = array<i32>} : memref<256xf32, #tpu.memory_space<vmem>>, vector<16xf32>,
    %scan3A_137 = arith.constant 0 : i32
    %scan3A_138 = arith.constant 16 : i32
    %scan3A_139 = arith.addi %scan3A_137, %scan3A_138 : i32
    %scan3A_140 = arith.constant 1 : i32
    %scan3A_141 = scf.for %scan3A_191 = %scan3A_137 to %scan3A_139 step %scan3A_140 iter_args(%scan3A_192 = %broadcast_in_dim3A_7) -> (vector<16xf32>)  : i32 {
      %mul3A_193 = arith.constant 16 : i32
      %mul3A_194 = arith.muli %scan3A_191, %mul3A_193 : i32
      %get3A = arith.index_cast %mul3A_194 : i32 to index
      %get3A_195 = tpu.vector_load %arg22[%get3A] {strides = array<i32>} : memref<256xf32, #tpu.memory_space<vmem>>, vector<16xf32>,
      %add3A_196 = arith.addf %scan3A_192, %get3A_195 : vector<16xf32>
      %mul3A_197 = arith.constant 256 : i32
      %mul3A_198 = arith.muli %scan3A_191, %mul3A_197 : i32
      %add3A_199 = arith.constant 80 : i32
      %add3A_200 = arith.addi %mul3A_198, %add3A_199 : i32
      %get3A_201 = arith.index_cast %add3A_200 : i32 to index
      %get3A_202 = tpu.vector_load %arg16[%get3A_201] {strides = array<i32>} : memref<4096xf32, #tpu.memory_space<vmem>>, vector<16xf32>,
      %add3A_203 = arith.addf %add3A_196, %get3A_202 : vector<16xf32>
      %mul3A_204 = arith.constant 256 : i32
      %mul3A_205 = arith.muli %scan3A_191, %mul3A_204 : i32
      %add3A_206 = arith.constant 80 : i32
      %add3A_207 = arith.addi %mul3A_205, %add3A_206 : i32
      %get3A_208 = arith.index_cast %add3A_207 : i32 to index
      %get3A_209 = tpu.vector_load %arg17[%get3A_208] {strides = array<i32>} : memref<4096xf32, #tpu.memory_space<vmem>>, vector<16xf32>,
      %add3A_210 = arith.addf %add3A_203, %get3A_209 : vector<16xf32>
      scf.yield %add3A_210 : vector<16xf32>
    }
    %scan3A_142 = arith.constant 16 : i32
    %swap3A_143 = arith.constant 80 : index
    %swap3A_144 = tpu.vector_load %arg11[%swap3A_143] {strides = array<i32>} : memref<256xf32, #tpu.memory_space<vmem>>, vector<16xf32>,
    tpu.vector_store %arg11[%swap3A_143], %scan3A_141 {strides = array<i32>} : memref<256xf32, #tpu.memory_space<vmem>>, vector<16xf32>,
    %scan3A_145 = arith.constant 0 : i32
    %scan3A_146 = arith.constant 16 : i32
    %scan3A_147 = arith.addi %scan3A_145, %scan3A_146 : i32
    %scan3A_148 = arith.constant 1 : i32
    %scan3A_149 = scf.for %scan3A_191 = %scan3A_145 to %scan3A_147 step %scan3A_148 iter_args(%scan3A_192 = %broadcast_in_dim3A_7) -> (vector<16xf32>)  : i32 {
      %mul3A_193 = arith.constant 16 : i32
      %mul3A_194 = arith.muli %scan3A_191, %mul3A_193 : i32
      %get3A = arith.index_cast %mul3A_194 : i32 to index
      %get3A_195 = tpu.vector_load %arg23[%get3A] {strides = array<i32>} : memref<256xf32, #tpu.memory_space<vmem>>, vector<16xf32>,
      %add3A_196 = arith.addf %scan3A_192, %get3A_195 : vector<16xf32>
      %mul3A_197 = arith.constant 256 : i32
      %mul3A_198 = arith.muli %scan3A_191, %mul3A_197 : i32
      %add3A_199 = arith.constant 96 : i32
      %add3A_200 = arith.addi %mul3A_198, %add3A_199 : i32
      %get3A_201 = arith.index_cast %add3A_200 : i32 to index
      %get3A_202 = tpu.vector_load %arg16[%get3A_201] {strides = array<i32>} : memref<4096xf32, #tpu.memory_space<vmem>>, vector<16xf32>,
      %add3A_203 = arith.addf %add3A_196, %get3A_202 : vector<16xf32>
      %mul3A_204 = arith.constant 256 : i32
      %mul3A_205 = arith.muli %scan3A_191, %mul3A_204 : i32
      %add3A_206 = arith.constant 96 : i32
      %add3A_207 = arith.addi %mul3A_205, %add3A_206 : i32
      %get3A_208 = arith.index_cast %add3A_207 : i32 to index
      %get3A_209 = tpu.vector_load %arg17[%get3A_208] {strides = array<i32>} : memref<4096xf32, #tpu.memory_space<vmem>>, vector<16xf32>,
      %add3A_210 = arith.addf %add3A_203, %get3A_209 : vector<16xf32>
      scf.yield %add3A_210 : vector<16xf32>
    }
    %scan3A_150 = arith.constant 16 : i32
    %swap3A_151 = arith.constant 96 : index
    %swap3A_152 = tpu.vector_load %arg11[%swap3A_151] {strides = array<i32>} : memref<256xf32, #tpu.memory_space<vmem>>, vector<16xf32>,
    tpu.vector_store %arg11[%swap3A_151], %scan3A_149 {strides = array<i32>} : memref<256xf32, #tpu.memory_space<vmem>>, vector<16xf32>,
    %scan3A_153 = arith.constant 0 : i32
    %scan3A_154 = arith.constant 16 : i32
    %scan3A_155 = arith.addi %scan3A_153, %scan3A_154 : i32
    %scan3A_156 = arith.constant 1 : i32
    %scan3A_157 = scf.for %scan3A_191 = %scan3A_153 to %scan3A_155 step %scan3A_156 iter_args(%scan3A_192 = %broadcast_in_dim3A_7) -> (vector<16xf32>)  : i32 {
      %mul3A_193 = arith.constant 16 : i32
      %mul3A_194 = arith.muli %scan3A_191, %mul3A_193 : i32
      %get3A = arith.index_cast %mul3A_194 : i32 to index
      %get3A_195 = tpu.vector_load %arg24[%get3A] {strides = array<i32>} : memref<256xf32, #tpu.memory_space<vmem>>, vector<16xf32>,
      %add3A_196 = arith.addf %scan3A_192, %get3A_195 : vector<16xf32>
      %mul3A_197 = arith.constant 256 : i32
      %mul3A_198 = arith.muli %scan3A_191, %mul3A_197 : i32
      %add3A_199 = arith.constant 112 : i32
      %add3A_200 = arith.addi %mul3A_198, %add3A_199 : i32
      %get3A_201 = arith.index_cast %add3A_200 : i32 to index
      %get3A_202 = tpu.vector_load %arg16[%get3A_201] {strides = array<i32>} : memref<4096xf32, #tpu.memory_space<vmem>>, vector<16xf32>,
      %add3A_203 = arith.addf %add3A_196, %get3A_202 : vector<16xf32>
      %mul3A_204 = arith.constant 256 : i32
      %mul3A_205 = arith.muli %scan3A_191, %mul3A_204 : i32
      %add3A_206 = arith.constant 112 : i32
      %add3A_207 = arith.addi %mul3A_205, %add3A_206 : i32
      %get3A_208 = arith.index_cast %add3A_207 : i32 to index
      %get3A_209 = tpu.vector_load %arg17[%get3A_208] {strides = array<i32>} : memref<4096xf32, #tpu.memory_space<vmem>>, vector<16xf32>,
      %add3A_210 = arith.addf %add3A_203, %get3A_209 : vector<16xf32>
      scf.yield %add3A_210 : vector<16xf32>
    }
    %scan3A_158 = arith.constant 16 : i32
    %swap3A_159 = arith.constant 112 : index
    %swap3A_160 = tpu.vector_load %arg11[%swap3A_159] {strides = array<i32>} : memref<256xf32, #tpu.memory_space<vmem>>, vector<16xf32>,
    tpu.vector_store %arg11[%swap3A_159], %scan3A_157 {strides = array<i32>} : memref<256xf32, #tpu.memory_space<vmem>>, vector<16xf32>,
    %scan3A_161 = arith.constant 0 : i32
    %scan3A_162 = arith.constant 16 : i32
    %scan3A_163 = arith.addi %scan3A_161, %scan3A_162 : i32
    %scan3A_164 = arith.constant 1 : i32
    %scan3A_165 = scf.for %scan3A_191 = %scan3A_161 to %scan3A_163 step %scan3A_164 iter_args(%scan3A_192 = %broadcast_in_dim3A_7) -> (vector<16xf32>)  : i32 {
      %mul3A_193 = arith.constant 16 : i32
      %mul3A_194 = arith.muli %scan3A_191, %mul3A_193 : i32
      %get3A = arith.index_cast %mul3A_194 : i32 to index
      %get3A_195 = tpu.vector_load %arg25[%get3A] {strides = array<i32>} : memref<256xf32, #tpu.memory_space<vmem>>, vector<16xf32>,
      %add3A_196 = arith.addf %scan3A_192, %get3A_195 : vector<16xf32>
      %mul3A_197 = arith.constant 256 : i32
      %mul3A_198 = arith.muli %scan3A_191, %mul3A_197 : i32
      %add3A_199 = arith.constant 128 : i32
      %add3A_200 = arith.addi %mul3A_198, %add3A_199 : i32
      %get3A_201 = arith.index_cast %add3A_200 : i32 to index
      %get3A_202 = tpu.vector_load %arg16[%get3A_201] {strides = array<i32>} : memref<4096xf32, #tpu.memory_space<vmem>>, vector<16xf32>,
      %add3A_203 = arith.addf %add3A_196, %get3A_202 : vector<16xf32>
      %mul3A_204 = arith.constant 256 : i32
      %mul3A_205 = arith.muli %scan3A_191, %mul3A_204 : i32
      %add3A_206 = arith.constant 128 : i32
      %add3A_207 = arith.addi %mul3A_205, %add3A_206 : i32
      %get3A_208 = arith.index_cast %add3A_207 : i32 to index
      %get3A_209 = tpu.vector_load %arg17[%get3A_208] {strides = array<i32>} : memref<4096xf32, #tpu.memory_space<vmem>>, vector<16xf32>,
      %add3A_210 = arith.addf %add3A_203, %get3A_209 : vector<16xf32>
      scf.yield %add3A_210 : vector<16xf32>
    }
    %scan3A_166 = arith.constant 16 : i32
    %swap3A_167 = arith.constant 128 : index
    %swap3A_168 = tpu.vector_load %arg11[%swap3A_167] {strides = array<i32>} : memref<256xf32, #tpu.memory_space<vmem>>, vector<16xf32>,
    tpu.vector_store %arg11[%swap3A_167], %scan3A_165 {strides = array<i32>} : memref<256xf32, #tpu.memory_space<vmem>>, vector<16xf32>,
    %scan3A_169 = arith.constant 0 : i32
    %scan3A_170 = arith.constant 16 : i32
    %scan3A_171 = arith.addi %scan3A_169, %scan3A_170 : i32
    %scan3A_172 = arith.constant 1 : i32
    %scan3A_173 = scf.for %scan3A_191 = %scan3A_169 to %scan3A_171 step %scan3A_172 iter_args(%scan3A_192 = %broadcast_in_dim3A_7) -> (vector<16xf32>)  : i32 {
      %mul3A_193 = arith.constant 16 : i32
      %mul3A_194 = arith.muli %scan3A_191, %mul3A_193 : i32
      %get3A = arith.index_cast %mul3A_194 : i32 to index
      %get3A_195 = tpu.vector_load %arg26[%get3A] {strides = array<i32>} : memref<256xf32, #tpu.memory_space<vmem>>, vector<16xf32>,
      %add3A_196 = arith.addf %scan3A_192, %get3A_195 : vector<16xf32>
      %mul3A_197 = arith.constant 256 : i32
      %mul3A_198 = arith.muli %scan3A_191, %mul3A_197 : i32
      %add3A_199 = arith.constant 144 : i32
      %add3A_200 = arith.addi %mul3A_198, %add3A_199 : i32
      %get3A_201 = arith.index_cast %add3A_200 : i32 to index
      %get3A_202 = tpu.vector_load %arg16[%get3A_201] {strides = array<i32>} : memref<4096xf32, #tpu.memory_space<vmem>>, vector<16xf32>,
      %add3A_203 = arith.addf %add3A_196, %get3A_202 : vector<16xf32>
      %mul3A_204 = arith.constant 256 : i32
      %mul3A_205 = arith.muli %scan3A_191, %mul3A_204 : i32
      %add3A_206 = arith.constant 144 : i32
      %add3A_207 = arith.addi %mul3A_205, %add3A_206 : i32
      %get3A_208 = arith.index_cast %add3A_207 : i32 to index
      %get3A_209 = tpu.vector_load %arg17[%get3A_208] {strides = array<i32>} : memref<4096xf32, #tpu.memory_space<vmem>>, vector<16xf32>,
      %add3A_210 = arith.addf %add3A_203, %get3A_209 : vector<16xf32>
      scf.yield %add3A_210 : vector<16xf32>
    }
    %scan3A_174 = arith.constant 16 : i32
    %swap3A_175 = arith.constant 144 : index
    %swap3A_176 = tpu.vector_load %arg11[%swap3A_175] {strides = array<i32>} : memref<256xf32, #tpu.memory_space<vmem>>, vector<16xf32>,
    tpu.vector_store %arg11[%swap3A_175], %scan3A_173 {strides = array<i32>} : memref<256xf32, #tpu.memory_space<vmem>>, vector<16xf32>,
    %swap3A_177 = arith.constant 160 : index
    %swap3A_178 = tpu.vector_load %arg11[%swap3A_177] {strides = array<i32>} : memref<256xf32, #tpu.memory_space<vmem>>, vector<16xf32>,
    tpu.vector_store %arg11[%swap3A_177], %broadcast_in_dim3A_7 {strides = array<i32>} : memref<256xf32, #tpu.memory_space<vmem>>, vector<16xf32>,
    %swap3A_179 = arith.constant 176 : index
    %swap3A_180 = tpu.vector_load %arg11[%swap3A_179] {strides = array<i32>} : memref<256xf32, #tpu.memory_space<vmem>>, vector<16xf32>,
    tpu.vector_store %arg11[%swap3A_179], %broadcast_in_dim3A_7 {strides = array<i32>} : memref<256xf32, #tpu.memory_space<vmem>>, vector<16xf32>,
    %swap3A_181 = arith.constant 192 : index
    %swap3A_182 = tpu.vector_load %arg11[%swap3A_181] {strides = array<i32>} : memref<256xf32, #tpu.memory_space<vmem>>, vector<16xf32>,
    tpu.vector_store %arg11[%swap3A_181], %broadcast_in_dim3A_7 {strides = array<i32>} : memref<256xf32, #tpu.memory_space<vmem>>, vector<16xf32>,
    %swap3A_183 = arith.constant 208 : index
    %swap3A_184 = tpu.vector_load %arg11[%swap3A_183] {strides = array<i32>} : memref<256xf32, #tpu.memory_space<vmem>>, vector<16xf32>,
    tpu.vector_store %arg11[%swap3A_183], %broadcast_in_dim3A_7 {strides = array<i32>} : memref<256xf32, #tpu.memory_space<vmem>>, vector<16xf32>,
    %swap3A_185 = arith.constant 224 : index
    %swap3A_186 = tpu.vector_load %arg11[%swap3A_185] {strides = array<i32>} : memref<256xf32, #tpu.memory_space<vmem>>, vector<16xf32>,
    tpu.vector_store %arg11[%swap3A_185], %broadcast_in_dim3A_7 {strides = array<i32>} : memref<256xf32, #tpu.memory_space<vmem>>, vector<16xf32>,
    %swap3A_187 = arith.constant 240 : index
    %swap3A_188 = tpu.vector_load %arg11[%swap3A_187] {strides = array<i32>} : memref<256xf32, #tpu.memory_space<vmem>>, vector<16xf32>,
    tpu.vector_store %arg11[%swap3A_187], %broadcast_in_dim3A_7 {strides = array<i32>} : memref<256xf32, #tpu.memory_space<vmem>>, vector<16xf32>,
    %mul3A_189 = arith.constant 256 : i32
    %mul3A_190 = arith.muli %add3A, %mul3A_189 : i32
    "tpu.region"() ({
      %run_scoped3A = tpu.sem_alloc : memref<!tpu.dma_semaphore, #tpu.memory_space<semaphore_mem>>
      %dma_start3A_191 = tpu.memref_slice %arg6[%mul3A_190] : memref<8192xf32, #tpu.memory_space<hbm>> -> memref<256xf32, #tpu.memory_space<hbm>>
      %dma_start3A_192 = tpu.memref_slice %arg6[%mul3A_190] : memref<8192xf32, #tpu.memory_space<hbm>> -> memref<256xf32, #tpu.memory_space<hbm>>
      tpu.enqueue_dma source(%arg11 : memref<256xf32, #tpu.memory_space<vmem>>) target(%dma_start3A_192 : memref<256xf32, #tpu.memory_space<hbm>>) target_semaphore(%run_scoped3A : memref<!tpu.dma_semaphore, #tpu.memory_space<semaphore_mem>>)
      %dma_wait3A = tpu.memref_slice %arg6[%mul3A_190] : memref<8192xf32, #tpu.memory_space<hbm>> -> memref<256xf32, #tpu.memory_space<hbm>>
      %dma_wait3A_193 = tpu.memref_slice %arg6[%mul3A_190] : memref<8192xf32, #tpu.memory_space<hbm>> -> memref<256xf32, #tpu.memory_space<hbm>>
      tpu.wait_dma2 semaphore(%run_scoped3A : memref<!tpu.dma_semaphore, #tpu.memory_space<semaphore_mem>>) src(%arg11 : memref<256xf32, #tpu.memory_space<vmem>>) dst(%dma_wait3A_193 : memref<256xf32, #tpu.memory_space<hbm>>)
      tpu.yield
    }) : () -> ()
    return
  }
}

module attributes {stable_mosaic.version = 14 : i64} {
  func.func @_combine_body(%arg0: memref<64x128xf32, #tpu.memory_space<vmem>>, %arg1: memref<1x1xf32, #tpu.memory_space<smem>>) attributes {dimension_semantics = [], scalar_prefetch = 0 : i64, scratch_operands = 0 : i64, tpu.core_type = #tpu.core_type<tc>} {
    %get3A = arith.constant 0 : index
    %get3A_0 = arith.constant 0 : index
    %get3A_1 = vector.load %arg0[%get3A, %get3A_0] : memref<64x128xf32, #tpu.memory_space<vmem>>, vector<64x128xf32>
    %reshape3A = vector.shape_cast %get3A_1 : vector<64x128xf32> to vector<32x2x128xf32>
    %reduce_sum3A = arith.constant dense<0.000000e+00> : vector<2x128xf32>
    %reduce_sum3A_2 = vector.multi_reduction <add>, %reshape3A, %reduce_sum3A [0] : vector<32x2x128xf32> to vector<2x128xf32>
    %abs3A = math.absf %reduce_sum3A_2 : vector<2x128xf32>
    %reduce_sum3A_3 = vector.shape_cast %abs3A : vector<2x128xf32> to vector<1x2x128xf32>
    %reduce_sum3A_4 = arith.constant dense<0.000000e+00> : vector<1xf32>
    %reduce_sum3A_5 = vector.multi_reduction <add>, %reduce_sum3A_3, %reduce_sum3A_4 [1, 2] : vector<1x2x128xf32> to vector<1xf32>
    %reduce_sum3A_6 = vector.shape_cast %reduce_sum3A_5 : vector<1xf32> to vector<1x1x1xf32>
    %reduce_sum3A_7 = vector.extract %reduce_sum3A_6[0, 0, 0] : f32 from vector<1x1x1xf32>
    %mul3A = arith.constant 1.000000e-07 : f32
    %mul3A_8 = arith.mulf %reduce_sum3A_7, %mul3A : f32
    %swap3A = arith.constant 0 : index
    %swap3A_9 = arith.constant 0 : index
    %swap3A_10 = memref.load %arg1[%swap3A, %swap3A_9] : memref<1x1xf32, #tpu.memory_space<smem>>
    memref.store %mul3A_8, %arg1[%swap3A, %swap3A_9] : memref<1x1xf32, #tpu.memory_space<smem>>
    return
  }
}

</mosaic_0001>

<sc_bundles>
// kernel: kernel.4.cloned.1.call-start
scs
__scs_entry_jumppad:
0x0: {  	(pc) =	sbr.rel $0x88, $3  }
0x1: {  	(tag) =	ssettag $0x0;
	lr =	simm.s32 $0x1  }
0x2: {  	[smem:$0x3F9F] =	sst lr;
	_ =	strace $0xD0000000  }
0x3: {  	_ = 	snop  }
0x4: {  	_ = 	snop  }
0x5: {  	_ = 	snop  }
0x6: {  	_ = 	snop  }
0x7: {  	_ = 	snop  }
__scs_overlays_trampoline_lowered:
0x8: {  	[smem:$0x3FAE] =	sst s0  }
0x9: {  	[smem:$0x3FAF] =	sst s1  }
0xa: {  	[smem:$0x3FB0] =	sst s2  }
0xb: {  	[smem:$0x3FB1] =	sst s3  }
0xc: {  	[smem:$0x3FB2] =	sst s4  }
0xd: {  	[smem:$0x3FB3] =	sst s5  }
0xe: {  	[smem:$0x3FB4] =	sst s6  }
0xf: {  	[smem:$0x3FB5] =	sst s7  }
0x10: {  	[smem:$0x3FB6] =	sst s8  }
0x11: {  	[smem:$0x3FB7] =	sst s9;
	s0 =	simm.s32 @!p0 $0x0  }
0x12: {  	s1 =	sld [smem:$0x3F9D];
	s0 =	simm.s32 @p0 $0x1  }
0x13: {  	[smem:$0x3FB8] =	sst s0;
	s0 =	simm.s32 @!p1 $0x0  }
0x14: {  	s2 =	sld [smem:$0x3F9C];
	s0 =	simm.s32 @p1 $0x1  }
0x15: {  	[smem:$0x3FB9] =	sst s0;
	s0 =	simm.s32 @!p2 $0x0  }
0x16: {  	s3 =	sld [smem:$0x3FDB];
	s0 =	simm.s32 @p2 $0x1  }
0x17: {  	s4 =	simm.s32 $0x1BF5;
	[smem:$0x3FBB] =	sst s0  }
0x18: {  	s0 =	sld [smem:$0x3F9E];
	_ =	swait.ge [sflag:s4], $0x0  }
0x19: {  	s7 =	sld [smem:$0x3F9F]  }
0x1a: {  	s8 =	sadd.s32 $0xFFFFE003, lr  }
0x1b: {  	s9 =	sadd.s32 $0xFFFFFEF7, lr;
	s5 =	simm.s32 $0xFFFFFFFF;
	p2 =	slt.u32 s8, $0xFFFFF086  }
0x1c: {  	p1 =	slt.u32 s9, $0xF7A;
	s5 =	simm.s32 @!p2 $0x0  }
0x1d: {  	s5 =	simm.s32 @p1 $0x1;
	p0 =	seq.s32 s7, s2  }
0x1e: {  	s7 =	smul.u32 @!p0 $0xF7A, s2;
	p2 =	seq.s32 @!p0 s5, $0x0  }
0x1f: {  	s9 =	smul.u32 $0xF7A, s1;
	s8 =	simm.s32 @!p0 $0x1BF5;
	p2 =	por !p2, p0  }
0x20: {  	[sflag:s8] =	ssyncset.s32 @!p0 $0xFFFFF086;
	s6 =	sadd.s32 @!p0 s3, s7;
	s7 =	simm.s32 @!p0 $0x108  }
0x21: {  	s3 =	sadd.s32 s3, s9;
	s6 =	sadd.s32 @!p0 $0x88, s6;
	s7 =	simm.s32 @p2 $0x1082  }
0x22: {  	[simem:s7], [sflag:s8] =	dma.local @!p0 [hbm:s6], $0xF7A  }
0x23: {  	s9 =	sor.u32 $0xD0000000, s2;
	s6 =	simm.s32 $0x108;
	_ =	swait.ge @!p0 [sflag:s8], $0x0  }
0x24: {  	s3 =	sadd.s32 $0x88, s3;
	s6 =	simm.s32 @!p1 $0x1082;
	[sflag:s4] =	ssyncset.s32 $0xFFFFF086  }
0x25: {  	[simem:s6], [sflag:s4] =	dma.local [hbm:s3], $0xF7A  }
0x26: {  	[smem:$0x3F9F] =	sst s1;
	(tag) =	ssettag s2;
	_ =	strace s9  }
0x27: {  	s1 =	sld [smem:$0x3FAF]  }
0x28: {  	s2 =	sld [smem:$0x3FB0]  }
0x29: {  	s4 =	sld [smem:$0x3FB2]  }
0x2a: {  	p0 =	seq.s32 s5, $0x0;
	s5 =	sld [smem:$0x3FB3]  }
0x2b: {  	s6 =	sld [smem:$0x3FB4]  }
0x2c: {  	s7 =	sld [smem:$0x3FB5]  }
0x2d: {  	s3 =	simm.s32 $0x108;
	s8 =	sld [smem:$0x3FB6]  }
0x2e: {  	s3 =	simm.s32 @!p0 $0x1082;
	s9 =	sld [smem:$0x3FB7]  }
0x2f: {  	lr =	sadd.s32 s0, s3;
	s0 =	sld [smem:$0x3FAE]  }
0x30: {  	s3 =	sld [smem:$0x3FB1]  }
0x31: {  	[smem:$0x3FBA] =	sst s10  }
0x32: {  	s10 =	sld [smem:$0x3FB8];
	_ =	sdelay $0x3  }
0x33: {  	p0 =	seq.s32 s10, $0x1;
	s10 =	sld [smem:$0x3FBA];
	_ =	sdelay $0x3  }
0x34: {  	[smem:$0x3FBA] =	sst s10  }
0x35: {  	s10 =	sld [smem:$0x3FB9];
	_ =	sdelay $0x3  }
0x36: {  	p1 =	seq.s32 s10, $0x1;
	s10 =	sld [smem:$0x3FBA];
	_ =	sdelay $0x3  }
0x37: {  	[smem:$0x3FBA] =	sst s10  }
0x38: {  	s10 =	sld [smem:$0x3FBB]  }
0x39: {  	_ = 	snop;
	(pc) =	sbr.ind lr, $3  }
0x3a: {  	_ = 	snop  }
0x3b: {  	_ = 	snop  }
0x3c: {  	p2 =	seq.s32 s10, $0x1;
	s10 =	sld [smem:$0x3FBA]  }
0x3d: {  	_ =	shalt  }
0x3e: {  	_ =	shalt  }
0x3f: {  	_ =	shalt  }
0x40: {  	_ =	shalt  }
0x41: {  	_ =	shalt  }
0x42: {  	_ =	shalt  }
0x43: {  	_ =	shalt  }
0x44: {  	_ =	shalt  }
0x45: {  	_ =	shalt  }
0x46: {  	_ =	shalt  }
0x47: {  	_ =	shalt  }
0x48: {  	_ =	shalt  }
0x49: {  	_ =	shalt  }
0x4a: {  	_ =	shalt  }
0x4b: {  	_ =	shalt  }
0x4c: {  	_ =	shalt  }
0x4d: {  	_ =	shalt  }
0x4e: {  	_ =	shalt  }
0x4f: {  	_ =	shalt  }
0x50: {  	_ =	shalt  }
0x51: {  	_ =	shalt  }
0x52: {  	_ =	shalt  }
0x53: {  	_ =	shalt  }
0x54: {  	_ =	shalt  }
0x55: {  	_ =	shalt  }
0x56: {  	_ =	shalt  }
0x57: {  	_ =	shalt  }
0x58: {  	_ =	shalt  }
0x59: {  	_ =	shalt  }
0x5a: {  	_ =	shalt  }
0x5b: {  	_ =	shalt  }
0x5c: {  	_ =	shalt  }
0x5d: {  	_ =	shalt  }
0x5e: {  	_ =	shalt  }
0x5f: {  	_ =	shalt  }
0x60: {  	_ =	shalt  }
0x61: {  	_ =	shalt  }
0x62: {  	_ =	shalt  }
0x63: {  	_ =	shalt  }
0x64: {  	_ =	shalt  }
0x65: {  	_ =	shalt  }
0x66: {  	_ =	shalt  }
0x67: {  	_ =	shalt  }
0x68: {  	_ =	shalt  }
0x69: {  	_ =	shalt  }
0x6a: {  	_ =	shalt  }
0x6b: {  	_ =	shalt  }
0x6c: {  	_ =	shalt  }
0x6d: {  	_ =	shalt  }
0x6e: {  	_ =	shalt  }
0x6f: {  	_ =	shalt  }
0x70: {  	_ =	shalt  }
0x71: {  	_ =	shalt  }
0x72: {  	_ =	shalt  }
0x73: {  	_ =	shalt  }
0x74: {  	_ =	shalt  }
0x75: {  	_ =	shalt  }
0x76: {  	_ =	shalt  }
0x77: {  	_ =	shalt  }
0x78: {  	_ =	shalt  }
0x79: {  	_ =	shalt  }
0x7a: {  	_ =	shalt  }
0x7b: {  	_ =	shalt  }
0x7c: {  	_ =	shalt  }
0x7d: {  	_ =	shalt  }
0x7e: {  	_ =	shalt  }
0x7f: {  	_ =	shalt  }
0x80: {  	_ =	shalt  }
0x81: {  	_ =	shalt  }
0x82: {  	_ =	shalt  }
0x83: {  	_ =	shalt  }
0x84: {  	_ =	shalt  }
0x85: {  	_ =	shalt  }
0x86: {  	_ =	shalt  }
0x87: {  	_ =	shalt  }
.Lfunc_end0:
.L_simem_size_0:
called_computation_lowered:
.L_overlay_start_0:
0x88: {  	s2 =	sld [smem:$0x3FD9]  }
0x89: {  	s3 =	sld [smem:$0x3FFE];
	_ =	sdelay $0x1  }
0x8a: {  	s1 =	srdreg.scid  }
0x8b: {  	s0 =	sand.u32 $0x1, s1  }
0x8c: {  	s17 =	sshll.u32 s0, $0xA;
	s2 =	sadd.s32 s3, s2  }
0x8d: {  	s2 =	sadd.s32 s2, s17  }
0x8e: {  	[smem:$0x3FC6] =	sst s2  }
0x8f: {  	_ = 	snop  }
0x90: {  	s2 =	sld [smem:$0x3FC9]  }
0x91: {  	s18 =	sld [smem:$0x3FC8]  }
0x92: {  	s4 =	sld [smem:$0x3FD0];
	(tm) =	ssettm $0x1  }
0x93: {  	s5 =	sld [smem:$0x3FFB];
	_ =	sdelay $0x3  }
0x94: {  	_ =	strace s5  }
0x95: {  	s5 =	sld [smem:$0x3FFC];
	_ =	sdelay $0x3  }
0x96: {  	_ =	strace s5  }
0x97: {  	s5 =	sld [smem:$0x3FFD];
	_ =	sdelay $0x3  }
0x98: {  	_ =	strace s5  }
0x99: {  	_ =	strace $0x8FFFFFFF  }
0x9a: {  	s19 =	sld [smem:$0x3FDB];
	_ =	sdelay $0x1  }
0x9b: {  	s6 =	simm.s32 $_scs_section_size  }
0x9c: {  	s7 =	simm.s32 $_size__tile_overlayer_lowered;
	s8 =	simm.s32 $_tile_overlayer_lowered  }
0x9d: {  	s22 =	simm.s32 $0x1BFF;
	s21 =	sshll.u32 s8, $0x1;
	s5 =	sadd.s32 s6, s19  }
0x9e: {  	s9 =	simm.s32 $0x0;
	s20 =	sshll.u32 s7, $0x1;
	s7 =	sadd.s32 s21, s5  }
0x9f: {  	[timem:s9], [sflag:s22] =	dma.local [hbm:s7], s20  }
0xa0: {  	_ =	swait.ge [sflag:s22], s20  }
0xa1: {  	s6 =	ssub.s32 $0x0, s20;
	[sflag:s22] =	ssyncset.done $0x0  }
0xa2: {  	[sflag:s22] =	ssyncadd.s32 s6;
	_ =	sdelay $0x1  }
0xa3: {  	s23 =	simm.s32 $0x1B8B  }
0xa4: {  	_ =	swait.ge [sflag:s23], $0x1  }
0xa5: {  	[sflag:s23] =	ssyncset.done $0x0  }
0xa6: {  	s25 =	simm.s32 $0x1B8E;
	s24 =	sld [smem:$0x3FFE];
	[sflag:s23] =	ssyncadd.s32 $0xFFFFFFFF  }
0xa7: {  	s26 =	simm.s32 $execute0_lowered;
	[smem:$0x3FD2] =	sst s25  }
0xa8: {  	s7 =	sshll.u32 s26, $0x1;
	_ =	strace $0x80000046;
	[dreg:$0x1] =	wrdreg $0xFFFFFFFF  }
0xa9: {  	s28 =	simm.s32 $_size_execute0_lowered;
	s5 =	sadd.s32 s5, s7;
	[dreg:$0x0] =	wrdreg $0x0  }
0xaa: {  	s7 =	sshll.u32 s28, $0x1;
	[dreg:$0x2] =	wrdreg s5  }
0xab: {  	[dreg:$0x3] =	wrdreg s7  }
0xac: {  	[dreg:$0x4] =	wrdreg $0xC0  }
0xad: {  	_ =	task [dreg:s9], $0x5FFFF  }
0xae: {  	[dreg:$0x1] =	wrdreg $0xFFFFFFFF  }
0xaf: {  	[dreg:$0x0] =	wrdreg $0x60  }
0xb0: {  	[dreg:$0x2] =	wrdreg s2  }
0xb1: {  	[dreg:$0x3] =	wrdreg s18  }
0xb2: {  	[dreg:$0x4] =	wrdreg s24  }
0xb3: {  	[dreg:$0x5] =	wrdreg s4  }
0xb4: {  	[dreg:$0x6] =	wrdreg $0x9  }
0xb5: {  	_ =	task.clear_ibuf [dreg:s9], $0x7FFFF;
	_ =	strace $0x90000046  }
0xb6: {  	s29 =	simm.s32 $0x9;
	_ =	strace $0x80000048  }
0xb7: {  	_ =	swait.ge [sflag:s29], $0x1  }
0xb8: {  	[sflag:s29] =	ssyncadd.s32 $0xFFFFFFFF  }
0xb9: {  	_ =	strace $0x90000048  }
0xba: {  	_ =	sfence  }
0xbb: {  	s30 =	sld [smem:$0x0];
	_ =	sdelay $0x2  }
0xbc: {  	s31 =	sshll.u32 s1, $0xD;
	s1 =	sshrl.u32 s1, $0x2  }
0xbd: {  	s3 =	sand.u32 $0x4000, s31;
	s1 =	sadd.s32 s1, s30  }
0xbe: {  	s0 =	sor.u32 s3, s0;
	s1 =	sshll.u32 s1, $0x11  }
0xbf: {  	s0 =	sor.u32 s1, s0  }
0xc0: {  	s0 =	sadd.s32 $0x8F2B, s0  }
0xc1: {  	[sflag:s0] =	ssyncadd.remote.s32 $0x1  }
0xc2: {  	_ =	sfence.sel $0xFFFF  }
0xc3: {  	[dreg:$0x0] =	wrdreg $0xFFFFFFFF;
	(pc) =	sbr.abs _section_cstart, $3  }
0xc4: {  	[dreg:$0x1] =	wrdreg $0xFFFFFFFF  }
0xc5: {  	_ =	task.clear_ibuf [dreg:s9], $0x2FFFF;
	_ =	strace $0x9FFFFFFF  }
0xc6: {  	(tm) =	ssettm $0x7FFFFFFF  }
0xc7: {  	_ =	shalt  }
tec
execute0_lowered:
.L_overlay_start_1:
0x0: {  	(tag) =	ssettag $0x1  }
0x1: {  	s16 =	rddreg [dreg:$0x0]  }
0x2: {  	s17 =	rddreg [dreg:$0x1]  }
0x3: {  	s0 =	rddreg [dreg:$0x2]  }
0x4: {  	s1 =	srdreg.scid;
	s2 =	stileid.u32;
	s18 =	simm.s32 $0x0  }
0x5: {  	s19 =	simm.s32 $0x3;
	s22 =	simm.s32 $0x13100;
	s28 =	simm.s32 $0x13600  }
0x6: {  	s29 =	simm.s32 $0x13700;
	s30 =	simm.s32 $0x13800;
	s31 =	simm.s32 $0x13900  }
0x7: {  	s20 =	simm.s32 $0x11100;
	s21 =	simm.s32 $0x12100;
	s13 =	simm.s32 $0x8000  }
0x8: {  	s1 =	sand.u32 $0x1, s1;
	[smem:$0x7FF] =	sst s18;
	s5 =	sadd.s32 $0x600, s0  }
0x9: {  	s25 =	sadd.s32 $0xF4000, s16;
	_ =	strace $0x80000047;
	[dreg:$0x15] =	wrdreg s5  }
0xa: {  	s2 =	sshll.u32 s2, $0x1;
	s26 =	sadd.s32 $0x1E800, s17;
	[dreg:$0x1b] =	wrdreg s25  }
0xb: {  	s2 =	sor.u32 s1, s2;
	s1 =	ssub.s32 $0x2, s1;
	[dreg:$0x1c] =	wrdreg s26  }
0xc: {  	s25 =	simm.s32 $0x13400;
	s26 =	simm.s32 $0x13500;
	s3 =	sshll.u32 s2, $0x5  }
0xd: {  	s4 =	sshrl.u32 s1, $0x1;
	s23 =	ssub.s32 $0x1E7, s2;
	s6 =	sshll.u32 s2, $0xB  }
0xe: {  	s24 =	sshll.u32 s2, $0x8;
	[dreg:$0x16] =	wrdreg s6;
	s6 =	sadd.s32 s16, s6  }
0xf: {  	p0 =	seq.s32 s2, $0x1E;
	s5 =	sadd.s32 s17, s24;
	[dreg:$0x18] =	wrdreg s6  }
0x10: {  	s1 =	ssub.s32 s1, s4;
	s4 =	sshrl.u32 s23, $0x5;
	[dreg:$0x19] =	wrdreg s5  }
0x11: {  	s3 =	sadd.s32 s3, s0;
	s0 =	sadd.s32 $0x680, s0;
	[dreg:$0x17] =	wrdreg s4  }
0x12: {  	p1 =	sne.s32 s2, $0x1F;
	s4 =	sadd.s32 $0xFFFFFFFE, s4;
	[dreg:$0x1f] =	wrdreg s0  }
0x13: {  	s23 =	simm.s32 $0x13200;
	s3 =	sadd.s32 $0x800, s3;
	[dreg:$0x1a] =	wrdreg s4  }
0x14: {  	v0 =	vimm.f32 $0.0e+00;
	v1 =	vlaneseq.u32;
	s24 =	simm.s32 $0x13300;
	s1 =	smax.u32 s1, $0x1;
	[dreg:$0x1d] =	wrdreg s3  }
0x15: {  	v4 =	vimm.f32 $-1.000000000e+00;
	v2 =	vmul.u32 $0x10, v1;
	v3 =	vmul.u32 $0x100, v1;
	s5 =	simm.s32 $0x0;
	[dreg:$0x1e] =	wrdreg s1;
	s3 =	simm.s32 $0x1  }
.LBB2_1:
0x16: {  	s1 =	simm.s32 $0x0;
	s2 =	simm.s32 $0x40  }
.LBB2_2:
0x17: {  	p2 =	sne.s32 s2, $0x3C0;
	[tilespmem:s1+$0x13900] =	vst v0  }
0x18: {  	[tilespmem:s1+$0x13100] =	vst v0  }
0x19: {  	[tilespmem:s1+$0x13200] =	vst v0  }
0x1a: {  	[tilespmem:s1+$0x13300] =	vst v0  }
.Ltmp0:
0x1b: {  	[tilespmem:s1+$0x13400] =	vst v0;
	(pc) =	sbr.rel @p2 .LBB2_2-.Ltmp0, $4  }
0x1c: {  	[tilespmem:s1+$0x13500] =	vst v0  }
0x1d: {  	[tilespmem:s1+$0x13600] =	vst v0  }
0x1e: {  	[tilespmem:s1+$0x13700] =	vst v0  }
0x1f: {  	[tilespmem:s1+$0x13800] =	vst v0;
	s1 =	sshra.s32 s2, $0x2;
	s2 =	sadd.s32 $0x40, s2  }
0x20: {  	[tilespmem:s1+$0x13900] =	vst v0  }
0x21: {  	[tilespmem:s1+$0x13100] =	vst v0  }
0x22: {  	[tilespmem:s1+$0x13200] =	vst v0  }
0x23: {  	[tilespmem:s1+$0x13300] =	vst v0  }
0x24: {  	[tilespmem:s1+$0x13400] =	vst v0  }
0x25: {  	[tilespmem:s1+$0x13500] =	vst v0  }
0x26: {  	[tilespmem:s1+$0x13600] =	vst v0  }
0x27: {  	[tilespmem:s1+$0x13700] =	vst v0  }
0x28: {  	[smem:$0x7FD] =	sst s5;
	[tilespmem:s1+$0x13800] =	vst v0;
	s1 =	simm.s32 $0x40;
	s2 =	simm.s32 $0x0  }
.LBB2_4:
0x29: {  	p2 =	sne.s32 s1, $0x3FC0;
	[tilespmem:s2+$0x11100] =	vst v0;
	s4 =	smov.u32 s1;
	s1 =	sadd.s32 $0x40, s1  }
.Ltmp1:
0x2a: {  	[tilespmem:s2+$0x12100] =	vst v0;
	(pc) =	sbr.rel @p2 .LBB2_4-.Ltmp1, $2  }
0x2b: {  	_ =	sdelay $0x2  }
0x2c: {  	s2 =	sshra.s32 s4, $0x2  }
.Ltmp2:
0x2d: {  	[tilespmem:s2+$0x11100] =	vst v0;
	s4 =	simm.s32 $0x0;
	(pc) =	sbr.rel .LBB2_6-.Ltmp2, $4  }
0x2e: {  	[tilespmem:s2+$0x12100] =	vst v0;
	s0 =	rddreg [dreg:$0x18];
	s1 =	simm.s32 $0x4000;
	s12 =	simm.s32 $0x7A1400  }
0x2f: {  	[tilespmem:s4], [sflag:$0x1] =	stream.strided.gather [hbm4b:s0+s1], $0x8000, s12, s1, $0x38;
	[tilespmem:$0x13A00] =	vst v63  }
0x30: {  	s14 =	rddreg [dreg:$0x19];
	s15 =	simm.s32 $0x10000  }
0x31: {  	[tilespmem:s15], [sflag:$0x3] =	stream.linear.gather [hbm4b:s14+s4], $0x800, $0x38;
	[tilespmem:$0x13A00] =	vst v63  }
.LBB2_12:
0x32: {  	s4 =	sld [smem:$0x7FC];
	_ =	sdelay $0x2  }
0x33: {  	s4 =	sadd.s32 $0x1, s4  }
0x34: {  	p2 =	sne.s32 s4, $0x8  }
.Ltmp3:
0x35: {  	_ = 	snop;
	(pc) =	sbr.rel @!p2 .LBB2_13-.Ltmp3, $1  }
0x36: {  	_ =	sdelay $0x3  }
.LBB2_6:
0x37: {  	_ =	swait.ge [sflag:s3], $0x8000  }
0x38: {  	[sflag:s3] =	ssyncset.done $0x0  }
0x39: {  	s2 =	sshll.u32 s4, $0x11;
	[smem:$0x7FC] =	sst s4;
	[sflag:s3] =	ssyncadd.s32 $0xFFFF8000  }
0x3a: {  	s1 =	sshll.u32 s4, $0x1;
	s0 =	rddreg [dreg:$0x16];
	_ =	swait.ge [sflag:s19], $0x800  }
0x3b: {  	s9 =	simm.s32 $0x0;
	s15 =	rddreg [dreg:$0x17];
	[sflag:s19] =	ssyncset.done $0x0  }
0x3c: {  	s2 =	sor.u32 s0, s2;
	p2 =	sge.u32 s1, s15;
	[sflag:s19] =	ssyncadd.s32 $0xFFFFF800  }
0x3d: {  	s4 =	sor.u32 @!p2 $0x10000, s2;
	s6 =	simm.s32 @!p2 $0x4000;
	s7 =	simm.s32 @!p2 $0x7A1400  }
0x3e: {  	s8 =	simm.s32 @!p2 $0x8000;
	s5 =	sadd.s32 @!p2 s16, s4;
	s4 =	sshrl.u32 @!p2 s4, $0x3  }
0x3f: {  	[tilespmem:s8], [sflag:$0x2] =	stream.strided.gather @!p2 [hbm4b:s5+s6], $0x8000, s7, s6, $0x38;
	[tilespmem:$0x13A00] =	vst v63  }
0x40: {  	s2 =	sadd.s32 $0x20000, s2;
	s4 =	sadd.s32 @!p2 s17, s4;
	s5 =	simm.s32 @!p2 $0x0  }
0x41: {  	s6 =	simm.s32 @!p2 $0x10800;
	s7 =	simm.s32 $0x0;
	s8 =	simm.s32 $0x0  }
0x42: {  	[tilespmem:s6], [sflag:$0x4] =	stream.linear.gather @!p2 [hbm4b:s4+s5], $0x800, $0x38;
	[tilespmem:$0x13A00] =	vst v63  }
0x43: {  	s4 =	simm.s32 $0x10;
	s5 =	simm.s32 $0x10010;
	s6 =	simm.s32 $0x0  }
.LBB2_7:
0x44: {  	s12 =	sand.u32 $0x60, s9;
	s11 =	sand.u32 $0x3C00, s7  }
0x45: {  	v5 =	vld [tilespmem:s5+$0xFFFFFFF0];
	s10 =	sor.u32 s12, s11  }
0x46: {  	v6 =	vld [tilespmem:s10+$0x0]  }
0x47: {  	v7 =	vld [tilespmem:s10+$0x100]  }
0x48: {  	s14 =	sand.u32 $0x3, s6;
	v8 =	vld [tilespmem:s10+$0x180]  }
0x49: {  	v9 =	vmov s9;
	v10 =	vor.u32 s9, v1;
	s14 =	sshll.u32 s14, $0x5;
	v11 =	vld [tilespmem:s10+$0x200]  }
0x4a: {  	v10 =	vand.u32 $0x6F, v10;
	v9 =	vshll.u32 v9, $0x3;
	s14 =	sadd.s32 s14, s7;
	v15 =	vld [tilespmem:s10+$0x280]  }
0x4b: {  	v9 =	vand.u32 $0x3C00, v9;
	s0 =	sor.u32 $0x300, s14;
	v12 =	vshll.u32 v5, $0xB;
	v13 =	vshll.u32 v5, $0x7  }
0x4c: {  	s10 =	sor.u32 $0x4000, s11;
	v9 =	vor.u32 v9, v10;
	s14 =	sor.u32 $0x380, s14;
	v42 =	vld [tilespmem:s0+$0x0];
	v12 =	vand.u32 $0xFFFFC000, v12;
	v13 =	vand.u32 $0x380, v13  }
0x4d: {  	s15 =	sor.u32 s12, s10;
	v16 =	vld [tilespmem:s14+$0x0];
	v14 =	vmul.f32 $1.500000000e+01, v6;
	v9 =	vor.u32 v12, v9;
	v41 =	vmul.f32 $1.500000000e+01, v7  }
0x4e: {  	v18 =	vld [tilespmem:s15+$0x0];
	v43 =	vmul.f32 $1.500000000e+01, v8;
	v17 =	vmul.f32 $1.500000000e+01, v11;
	v9 =	vor.u32 v13, v9  }
0x4f: {  	v19 =	vmul.f32 $1.500000000e+01, v15;
	v40 =	vtrunc.f32 v14  }
0x50: {  	s14 =	sor.u32 $0x4080, s11;
	v12 =	vtrunc.f32 v41;
	v13 =	vtrunc.f32 v43  }
0x51: {  	s12 =	sor.u32 s12, s14;
	v17 =	vtrunc.f32 v17;
	v19 =	vtrunc.f32 v19  }
0x52: {  	v20 =	vld [tilespmem:s12+$0x0];
	v21 =	vmul.f32 $1.500000000e+01, v42;
	v22 =	vmul.f32 $1.500000000e+01, v16  }
0x53: {  	v23 =	vmul.f32 $1.500000000e+01, v18;
	v10 =	vcvt.f32.s32 v40;
	v9 =	vld.idx.msk [tilespmem:v9+s18+$0x0], $0xffff  }
0x54: {  	vm1 =	vne.s32 v5, $0x1;
	v12 =	vcvt.f32.s32 v12;
	v13 =	vcvt.f32.s32 v13  }
0x55: {  	v17 =	vcvt.f32.s32 v17;
	v19 =	vcvt.f32.s32 v19;
	v10 =	vadd.s32 v2, v10  }
0x56: {  	v21 =	vtrunc.f32 v21;
	v22 =	vtrunc.f32 v22;
	v12 =	vadd.s32 v2, v12  }
0x57: {  	v23 =	vtrunc.f32 v23;
	v24 =	vmul.f32 $1.500000000e+01, v20;
	v13 =	vadd.s32 v2, v13  }
0x58: {  	v21 =	vcvt.f32.s32 v21;
	v17 =	vadd.s32 v2, v17;
	v25 =	vmul.f32 $1.500000000e+01, v9  }
0x59: {  	v22 =	vcvt.f32.s32 v22;
	v19 =	vadd.s32 v2, v19;
	v23 =	vcvt.f32.s32 v23  }
0x5a: {  	v24 =	vtrunc.f32 v24;
	v21 =	vadd.s32 v2, v21;
	[tilespmem:v10+s22+$0x0] =	vst.idx.add.f32.msk $0xffff, v6;
	v25 =	vtrunc.f32 v25  }
0x5b: {  	v22 =	vadd.s32 v2, v22;
	v44 =	vcvt.f32.s32 v24;
	[tilespmem:v12+s23+$0x0] =	vst.idx.add.f32.msk $0xffff, v7;
	v45 =	vcvt.f32.s32 v25  }
0x5c: {  	v5 =	vshll.u32 v5, $0x4;
	v6 =	vadd.s32 v2, v23;
	vm0 =	vgt.f32 v9, $0.0e+00;
	[tilespmem:v13+s24+$0x0] =	vst.idx.add.f32.msk $0xffff, v8  }
0x5d: {  	v7 =	vadd.s32 v2, v44;
	vm0 =	vmand vm1, vm0;
	[tilespmem:v17+s25+$0x0] =	vst.idx.add.f32.msk $0xffff, v11;
	v5 =	vadd.s32 v45, v5  }
0x5e: {  	[tilespmem:v19+s26+$0x0] =	vst.idx.add.f32.msk $0xffff, v15;
	v5 =	vadd.s32 v3, v5  }
0x5f: {  	[tilespmem:v21+s28+$0x0] =	vst.idx.add.f32.msk $0xffff, v42  }
0x60: {  	[tilespmem:v22+s29+$0x0] =	vst.idx.add.f32.msk $0xffff, v16  }
0x61: {  	[tilespmem:v6+s30+$0x0] =	vst.idx.add.f32.msk $0xffff, v18  }
0x62: {  	s0 =	sadd.s32 $0x10, s9;
	[tilespmem:v7+s31+$0x0] =	vst.idx.add.f32.msk $0xffff, v20  }
0x63: {  	s15 =	sand.u32 $0x70, s0;
	[tilespmem:v5+s20+$0x0] =	vst.idx.add.f32.msk vm0, v4  }
0x64: {  	s11 =	sor.u32 s15, s11;
	v5 =	vld [tilespmem:s5+$0x0]  }
0x65: {  	v6 =	vld [tilespmem:s11+$0x0]  }
0x66: {  	v46 =	vmov s0;
	v47 =	vor.u32 s0, v1;
	s0 =	sand.u32 $0x7, s8;
	v7 =	vld [tilespmem:s11+$0x100]  }
0x67: {  	s12 =	sshll.u32 s0, $0x4;
	v8 =	vld [tilespmem:s11+$0x180]  }
0x68: {  	s12 =	sadd.s32 s12, s4;
	v11 =	vld [tilespmem:s11+$0x200]  }
0x69: {  	s0 =	sor.u32 $0x300, s12;
	v15 =	vld [tilespmem:s11+$0x280]  }
0x6a: {  	s12 =	sor.u32 $0x380, s12;
	v9 =	vshll.u32 v46, $0x3;
	v53 =	vld [tilespmem:s0+$0x0]  }
0x6b: {  	s10 =	sor.u32 s15, s10;
	v10 =	vand.u32 $0x7F, v47;
	v9 =	vand.u32 $0x3C00, v9;
	v16 =	vld [tilespmem:s12+$0x0]  }
0x6c: {  	s15 =	sor.u32 s15, s14;
	v9 =	vor.u32 v9, v10;
	v18 =	vld [tilespmem:s10+$0x0];
	v48 =	vshll.u32 v5, $0xB  }
0x6d: {  	v20 =	vld [tilespmem:s15+$0x0];
	v49 =	vshll.u32 v5, $0x7;
	v50 =	vmul.f32 $1.500000000e+01, v6;
	v12 =	vand.u32 $0xFFFFC000, v48  }
0x6e: {  	v52 =	vmul.f32 $1.500000000e+01, v7;
	v13 =	vand.u32 $0x380, v49;
	v9 =	vor.u32 v12, v9  }
0x6f: {  	v54 =	vmul.f32 $1.500000000e+01, v8;
	v55 =	vmul.f32 $1.500000000e+01, v11;
	v9 =	vor.u32 v13, v9  }
0x70: {  	v56 =	vmul.f32 $1.500000000e+01, v15;
	v57 =	vmul.f32 $1.500000000e+01, v53  }
0x71: {  	v58 =	vmul.f32 $1.500000000e+01, v16;
	v59 =	vmul.f32 $1.500000000e+01, v18  }
0x72: {  	v60 =	vmul.f32 $1.500000000e+01, v20;
	v51 =	vtrunc.f32 v50  }
0x73: {  	v12 =	vtrunc.f32 v52;
	v17 =	vtrunc.f32 v55  }
0x74: {  	v19 =	vtrunc.f32 v56;
	v10 =	vcvt.f32.s32 v51;
	v9 =	vld.idx.msk [tilespmem:v9+s18+$0x0], $0xffff  }
0x75: {  	vm15 =	vne.s32 v5, $0x1;
	v12 =	vcvt.f32.s32 v12;
	v13 =	vtrunc.f32 v54  }
0x76: {  	v21 =	vtrunc.f32 v57;
	v13 =	vcvt.f32.s32 v13;
	v10 =	vadd.s32 v2, v10  }
0x77: {  	v22 =	vtrunc.f32 v58;
	v17 =	vcvt.f32.s32 v17;
	v12 =	vadd.s32 v2, v12  }
0x78: {  	v23 =	vtrunc.f32 v59;
	v19 =	vcvt.f32.s32 v19;
	v13 =	vadd.s32 v2, v13  }
0x79: {  	v21 =	vcvt.f32.s32 v21;
	v17 =	vadd.s32 v2, v17;
	v61 =	vmul.f32 $1.500000000e+01, v9  }
0x7a: {  	v24 =	vtrunc.f32 v60;
	v22 =	vcvt.f32.s32 v22;
	v19 =	vadd.s32 v2, v19  }
0x7b: {  	v23 =	vcvt.f32.s32 v23;
	v21 =	vadd.s32 v2, v21;
	[tilespmem:v10+s22+$0x0] =	vst.idx.add.f32.msk $0xffff, v6;
	v25 =	vtrunc.f32 v61  }
0x7c: {  	v62 =	vcvt.f32.s32 v24;
	v22 =	vadd.s32 v2, v22;
	[tilespmem:v12+s23+$0x0] =	vst.idx.add.f32.msk $0xffff, v7;
	v63 =	vcvt.f32.s32 v25  }
0x7d: {  	v5 =	vshll.u32 v5, $0x4;
	v6 =	vadd.s32 v2, v23;
	[tilespmem:v13+s24+$0x0] =	vst.idx.add.f32.msk $0xffff, v8;
	vm14 =	vgt.f32 v9, $0.0e+00  }
0x7e: {  	v7 =	vadd.s32 v2, v62;
	[tilespmem:v17+s25+$0x0] =	vst.idx.add.f32.msk $0xffff, v11;
	vm0 =	vmand vm15, vm14;
	v5 =	vadd.s32 v63, v5  }
0x7f: {  	p3 =	sne.s32 s9, $0x7E0;
	[tilespmem:v19+s26+$0x0] =	vst.idx.add.f32.msk $0xffff, v15;
	v5 =	vadd.s32 v3, v5  }
.Ltmp4:
0x80: {  	[tilespmem:v21+s28+$0x0] =	vst.idx.add.f32.msk $0xffff, v53;
	(pc) =	sbr.rel @p3 .LBB2_7-.Ltmp4, $4  }
0x81: {  	[tilespmem:v22+s29+$0x0] =	vst.idx.add.f32.msk $0xffff, v16  }
0x82: {  	[tilespmem:v6+s30+$0x0] =	vst.idx.add.f32.msk $0xffff, v18  }
0x83: {  	s6 =	sadd.s32 $0x1, s6;
	s7 =	sadd.s32 $0x100, s7;
	s9 =	sadd.s32 $0x20, s9;
	[tilespmem:v7+s31+$0x0] =	vst.idx.add.f32.msk $0xffff, v20  }
0x84: {  	s8 =	sadd.s32 $0x2, s8;
	s4 =	sadd.s32 $0x100, s4;
	s5 =	sadd.s32 $0x20, s5;
	[tilespmem:v5+s21+$0x0] =	vst.idx.add.f32.msk vm0, v4  }
0x85: {  	s0 =	rddreg [dreg:$0x1a]  }
0x86: {  	p3 =	sgt.u32 s1, s0  }
0x87: {  	s1 =	sadd.s32 @!p3 s16, s2;
	s4 =	simm.s32 @!p3 $0x4000  }
.Ltmp5:
0x88: {  	s5 =	simm.s32 @!p3 $0x7A1400;
	s6 =	simm.s32 @!p3 $0x0;
	(pc) =	sbr.rel @p2 .LBB2_12-.Ltmp5, $4  }
0x89: {  	[tilespmem:s6], [sflag:$0x1] =	stream.strided.gather @!p3 [hbm4b:s1+s4], $0x8000, s5, s4, $0x38;
	[tilespmem:$0x13A00] =	vst v63  }
0x8a: {  	s1 =	sshrl.u32 @!p3 s2, $0x3  }
0x8b: {  	s2 =	simm.s32 @!p3 $0x10000;
	s1 =	sadd.s32 @!p3 s17, s1  }
0x8c: {  	[tilespmem:s2], [sflag:$0x3] =	stream.linear.gather @!p3 [hbm4b:s1+s6], $0x800, $0x38;
	[tilespmem:$0x13A00] =	vst v63  }
0x8d: {  	s0 =	simm.s32 $0x2  }
0x8e: {  	_ =	swait.ge [sflag:s0], $0x8000  }
0x8f: {  	[sflag:s0] =	ssyncset.done $0x0  }
0x90: {  	s18 =	simm.s32 $0x4;
	[sflag:s0] =	ssyncadd.s32 $0xFFFF8000  }
0x91: {  	s6 =	simm.s32 $0x0;
	_ =	swait.ge [sflag:s18], $0x800  }
0x92: {  	s7 =	simm.s32 $0x10810;
	s4 =	sand.u32 $0x3C00, s6;
	[sflag:s18] =	ssyncset.done $0x0  }
0x93: {  	s5 =	sand.u32 $0x60, s6;
	s1 =	sor.u32 $0x8000, s4;
	[sflag:s18] =	ssyncadd.s32 $0xFFFFF800  }
0x94: {  	s2 =	sor.u32 s5, s1;
	v9 =	vld [tilespmem:s7+$0xFFFFFFF0]  }
0x95: {  	v10 =	vld [tilespmem:s2+$0x0]  }
0x96: {  	v11 =	vld [tilespmem:s2+$0x100]  }
0x97: {  	v5 =	vmov s6;
	v13 =	vld [tilespmem:s2+$0x200]  }
0x98: {  	v6 =	vor.u32 s6, v1;
	v5 =	vshll.u32 v5, $0x3;
	v15 =	vld [tilespmem:s2+$0x280]  }
0x99: {  	s8 =	sand.u32 $0x3, s6;
	v6 =	vand.u32 $0x6F, v6;
	v5 =	vand.u32 $0x3C00, v5;
	v12 =	vld [tilespmem:s2+$0x180]  }
0x9a: {  	s8 =	sshll.u32 s8, $0x5;
	v5 =	vor.u32 v5, v6  }
0x9b: {  	s8 =	sadd.s32 $0x0, s8;
	v6 =	vshll.u32 v9, $0xB;
	v7 =	vshll.u32 v9, $0x7;
	v8 =	vmul.f32 $1.500000000e+01, v10  }
0x9c: {  	s9 =	sor.u32 $0x300, s8;
	v14 =	vmul.f32 $1.500000000e+01, v11;
	v18 =	vmul.f32 $1.500000000e+01, v13;
	v6 =	vand.u32 $0xFFFFC000, v6  }
0x9d: {  	v19 =	vmul.f32 $1.500000000e+01, v15;
	v7 =	vand.u32 $0x380, v7;
	v6 =	vor.u32 v6, v5;
	v5 =	vld [tilespmem:s9+$0x8000]  }
0x9e: {  	s8 =	sor.u32 $0x380, s8;
	s2 =	sor.u32 $0xC000, s4;
	v16 =	vor.u32 v7, v6;
	v6 =	vtrunc.f32 v8;
	v7 =	vmul.f32 $1.500000000e+01, v12  }
0x9f: {  	s19 =	sor.u32 s5, s2;
	v8 =	vtrunc.f32 v14;
	v14 =	vcvt.f32.s32 v6;
	v6 =	vld [tilespmem:s8+$0x8000]  }
0xa0: {  	s4 =	sor.u32 $0xC080, s4;
	v8 =	vcvt.f32.s32 v8;
	v17 =	vtrunc.f32 v7;
	v7 =	vld [tilespmem:s19+$0x0]  }
0xa1: {  	s5 =	sor.u32 s5, s4;
	v18 =	vtrunc.f32 v18;
	v17 =	vcvt.f32.s32 v17  }
0xa2: {  	v14 =	vadd.s32 v2, v14;
	v21 =	vadd.s32 v2, v8;
	v8 =	vld [tilespmem:s5+$0x0];
	v20 =	vmul.f32 $1.500000000e+01, v5  }
0xa3: {  	v19 =	vtrunc.f32 v19;
	v18 =	vcvt.f32.s32 v18;
	v16 =	vld.idx.msk [tilespmem:v16+s13+$0x0], $0xffff  }
0xa4: {  	v19 =	vcvt.f32.s32 v19;
	v17 =	vadd.s32 v2, v17;
	v20 =	vtrunc.f32 v20  }
0xa5: {  	v18 =	vadd.s32 v2, v18;
	v22 =	vmul.f32 $1.500000000e+01, v6;
	v23 =	vmul.f32 $1.500000000e+01, v7  }
0xa6: {  	v19 =	vadd.s32 v2, v19;
	v20 =	vcvt.f32.s32 v20  }
0xa7: {  	vm0 =	vne.s32 v9, $0x1;
	[tilespmem:v14+s22+$0x0] =	vst.idx.add.f32.msk $0xffff, v10;
	v14 =	vtrunc.f32 v22;
	v60 =	vtrunc.f32 v23  }
0xa8: {  	v9 =	vshll.u32 v9, $0x4;
	[tilespmem:v21+s23+$0x0] =	vst.idx.add.f32.msk $0xffff, v11;
	v11 =	vmul.f32 $1.500000000e+01, v8;
	v61 =	vmul.f32 $1.500000000e+01, v16  }
0xa9: {  	s11 =	simm.s32 $0x1;
	s14 =	simm.s32 $0x10830;
	s21 =	sand.u32 $0x7, s6;
	v10 =	vadd.s32 v2, v20;
	v14 =	vcvt.f32.s32 v14;
	[tilespmem:v17+s24+$0x0] =	vst.idx.add.f32.msk $0xffff, v12;
	v12 =	vcvt.f32.s32 v60  }
0xaa: {  	s15 =	simm.s32 $0x0;
	s10 =	simm.s32 $0x0;
	s5 =	sshll.u32 s21, $0x4;
	vm1 =	vgt.f32 v16, $0.0e+00;
	v62 =	vtrunc.f32 v11;
	[tilespmem:v18+s25+$0x0] =	vst.idx.add.f32.msk $0xffff, v13;
	v63 =	vtrunc.f32 v61  }
0xab: {  	s9 =	simm.s32 $0x20;
	s8 =	simm.s32 $0x10;
	s5 =	sadd.s32 $0x10, s5;
	v11 =	vadd.s32 v2, v14;
	v14 =	vcvt.f32.s32 v62;
	[tilespmem:v19+s26+$0x0] =	vst.idx.add.f32.msk $0xffff, v15;
	v13 =	vcvt.f32.s32 v63  }
.LBB2_10:
0xac: {  	s8 =	sadd.s32 $0x100, s8  }
0xad: {  	v12 =	vadd.s32 v2, v12;
	s6 =	sadd.s32 $0x2, s6;
	s15 =	sadd.s32 $0x100, s15;
	s12 =	smov.u32 s9  }
0xae: {  	p2 =	sne.s32 s9, $0x7E0;
	s9 =	sadd.s32 $0x20, s9;
	vm0 =	vmand vm0, vm1;
	s16 =	sand.u32 $0x7, s6;
	v14 =	vadd.s32 v2, v14;
	v9 =	vadd.s32 v13, v9;
	[tilespmem:v10+s28+$0x0] =	vst.idx.add.f32.msk $0xffff, v5  }
0xaf: {  	s16 =	sshll.u32 s16, $0x4;
	v5 =	vadd.s32 v3, v9  }
0xb0: {  	s21 =	sadd.s32 s16, s8  }
0xb1: {  	[tilespmem:v11+s29+$0x0] =	vst.idx.add.f32.msk $0xffff, v6  }
0xb2: {  	s16 =	sadd.s32 $0x10, s10;
	s10 =	smov.u32 s12;
	[tilespmem:v12+s30+$0x0] =	vst.idx.add.f32.msk $0xffff, v7  }
0xb3: {  	s19 =	sand.u32 $0x70, s16;
	v6 =	vmov s16;
	v7 =	vor.u32 s16, v1;
	[tilespmem:v14+s31+$0x0] =	vst.idx.add.f32.msk $0xffff, v8  }
0xb4: {  	s16 =	sand.u32 $0x3C00, s15;
	s12 =	sor.u32 s19, s2;
	v8 =	vmov s10;
	[tilespmem:v5+s20+$0x0] =	vst.idx.add.f32.msk vm0, v4;
	s20 =	sor.u32 s19, s1;
	v5 =	vshll.u32 v6, $0x3  }
0xb5: {  	s0 =	sand.u32 $0x60, s10;
	s2 =	sor.u32 $0xC000, s16;
	s1 =	sor.u32 $0x8000, s16;
	v6 =	vor.u32 s10, v1;
	v8 =	vshll.u32 v8, $0x3;
	v9 =	vld [tilespmem:s7+$0x0];
	v10 =	vand.u32 $0x3C00, v5  }
0xb6: {  	s17 =	sor.u32 s0, s2;
	s18 =	sor.u32 s0, s1;
	s7 =	sor.u32 $0xC080, s16;
	v5 =	vand.u32 $0x6F, v6;
	v6 =	vand.u32 $0x3C00, v8;
	v8 =	vld [tilespmem:s20+$0x0]  }
0xb7: {  	s16 =	sor.u32 s0, s7;
	v5 =	vor.u32 v6, v5;
	s0 =	sor.u32 s19, s4;
	s4 =	smov.u32 s7;
	v6 =	vld [tilespmem:s20+$0x100]  }
0xb8: {  	s7 =	smov.u32 s14;
	v11 =	vld [tilespmem:s20+$0x180]  }
0xb9: {  	v12 =	vld [tilespmem:s20+$0x200]  }
0xba: {  	v7 =	vand.u32 $0x7F, v7;
	v13 =	vld [tilespmem:s20+$0x280];
	v14 =	vshll.u32 v9, $0xB;
	v15 =	vshll.u32 v9, $0x7  }
0xbb: {  	s19 =	sand.u32 $0x3, s11;
	v7 =	vor.u32 v10, v7;
	v14 =	vand.u32 $0xFFFFC000, v14;
	v10 =	vmul.f32 $1.500000000e+01, v8  }
0xbc: {  	s19 =	sshll.u32 s19, $0x5;
	v15 =	vand.u32 $0x380, v15;
	v7 =	vor.u32 v14, v7;
	v14 =	vmul.f32 $1.500000000e+01, v6  }
0xbd: {  	s19 =	sadd.s32 s19, s15;
	v7 =	vor.u32 v15, v7;
	v10 =	vtrunc.f32 v10;
	v15 =	vmul.f32 $1.500000000e+01, v11  }
0xbe: {  	s3 =	sor.u32 $0x300, s5;
	s20 =	sor.u32 $0x300, s19;
	s19 =	sor.u32 $0x380, s19;
	v10 =	vcvt.f32.s32 v10;
	v16 =	vmul.f32 $1.500000000e+01, v12  }
0xbf: {  	v17 =	vld [tilespmem:s3+$0x8000];
	s3 =	sor.u32 $0x380, s5;
	v15 =	vtrunc.f32 v15;
	v18 =	vmul.f32 $1.500000000e+01, v13;
	s5 =	smov.u32 s21;
	s21 =	simm.s32 $0x12100  }
0xc0: {  	v19 =	vld [tilespmem:s3+$0x8000];
	v10 =	vadd.s32 v2, v10;
	v15 =	vcvt.f32.s32 v15;
	v16 =	vtrunc.f32 v16  }
0xc1: {  	v20 =	vld [tilespmem:s12+$0x0];
	v16 =	vcvt.f32.s32 v16;
	v18 =	vtrunc.f32 v18  }
0xc2: {  	v14 =	vtrunc.f32 v14;
	v7 =	vld.idx.msk [tilespmem:v7+s13+$0x0], $0xffff;
	v15 =	vadd.s32 v2, v15;
	v18 =	vcvt.f32.s32 v18  }
0xc3: {  	v14 =	vcvt.f32.s32 v14;
	v21 =	vld [tilespmem:s0+$0x0];
	v16 =	vadd.s32 v2, v16  }
0xc4: {  	v18 =	vadd.s32 v2, v18;
	v22 =	vmul.f32 $1.500000000e+01, v17  }
0xc5: {  	v14 =	vadd.s32 v2, v14;
	v23 =	vmul.f32 $1.500000000e+01, v19;
	[tilespmem:v10+s22+$0x0] =	vst.idx.add.f32.msk $0xffff, v8  }
0xc6: {  	v8 =	vtrunc.f32 v22;
	v10 =	vmul.f32 $1.500000000e+01, v20  }
0xc7: {  	v8 =	vcvt.f32.s32 v8;
	v22 =	vtrunc.f32 v23  }
0xc8: {  	v24 =	vmul.f32 $1.500000000e+01, v7;
	vm0 =	vgt.f32 v7, $0.0e+00;
	v23 =	vmul.f32 $1.500000000e+01, v21  }
0xc9: {  	v10 =	vtrunc.f32 v10;
	v7 =	vadd.s32 v2, v8;
	v8 =	vcvt.f32.s32 v22  }
0xca: {  	v10 =	vcvt.f32.s32 v10;
	v22 =	vtrunc.f32 v24;
	v24 =	vshll.u32 v9, $0x4;
	[tilespmem:v14+s23+$0x0] =	vst.idx.add.f32.msk $0xffff, v6  }
0xcb: {  	v14 =	vcvt.f32.s32 v22;
	v6 =	vadd.s32 v2, v8;
	v8 =	vtrunc.f32 v23;
	[tilespmem:v15+s24+$0x0] =	vst.idx.add.f32.msk $0xffff, v11  }
0xcc: {  	vm1 =	vne.s32 v9, $0x1;
	v10 =	vadd.s32 v2, v10;
	v8 =	vcvt.f32.s32 v8;
	[tilespmem:v16+s25+$0x0] =	vst.idx.add.f32.msk $0xffff, v12  }
0xcd: {  	vm0 =	vmand vm1, vm0;
	v9 =	vadd.s32 v14, v24;
	[tilespmem:v18+s26+$0x0] =	vst.idx.add.f32.msk $0xffff, v13  }
0xce: {  	v9 =	vadd.s32 v3, v9;
	v8 =	vadd.s32 v2, v8;
	[tilespmem:v7+s28+$0x0] =	vst.idx.add.f32.msk $0xffff, v17;
	_ =	sdelay $0x1  }
0xcf: {  	[tilespmem:v6+s29+$0x0] =	vst.idx.add.f32.msk $0xffff, v19  }
0xd0: {  	[tilespmem:v10+s30+$0x0] =	vst.idx.add.f32.msk $0xffff, v20;
	_ =	sdelay $0x1  }
0xd1: {  	[tilespmem:v8+s31+$0x0] =	vst.idx.add.f32.msk $0xffff, v21  }
0xd2: {  	[tilespmem:v9+s21+$0x0] =	vst.idx.add.f32.msk vm0, v4;
	_ =	sdelay $0x2  }
0xd3: {  	v6 =	vld [tilespmem:s14+$0xFFFFFFF0]  }
0xd4: {  	v10 =	vld [tilespmem:s18+$0x0]  }
0xd5: {  	v11 =	vld [tilespmem:s18+$0x100]  }
0xd6: {  	v12 =	vld [tilespmem:s18+$0x180];
	_ =	sdelay $0x1  }
0xd7: {  	v7 =	vshll.u32 v6, $0xB;
	v8 =	vshll.u32 v6, $0x7;
	vm0 =	vne.s32 v6, $0x1  }
0xd8: {  	v9 =	vshll.u32 v6, $0x4;
	v13 =	vld [tilespmem:s18+$0x200];
	v7 =	vand.u32 $0xFFFFC000, v7;
	v14 =	vmul.f32 $1.500000000e+01, v10  }
0xd9: {  	v6 =	vand.u32 $0x380, v8;
	v15 =	vld [tilespmem:s18+$0x280];
	v7 =	vor.u32 v7, v5;
	v8 =	vmul.f32 $1.500000000e+01, v11  }
0xda: {  	v5 =	vld [tilespmem:s20+$0x8000];
	s20 =	simm.s32 $0x11100;
	v16 =	vor.u32 v6, v7;
	v6 =	vtrunc.f32 v14;
	v7 =	vmul.f32 $1.500000000e+01, v12  }
0xdb: {  	v14 =	vcvt.f32.s32 v6;
	v8 =	vtrunc.f32 v8  }
0xdc: {  	v6 =	vld [tilespmem:s19+$0x8000];
	v8 =	vcvt.f32.s32 v8;
	v17 =	vtrunc.f32 v7  }
0xdd: {  	v7 =	vld [tilespmem:s17+$0x0];
	v14 =	vadd.s32 v2, v14;
	v17 =	vcvt.f32.s32 v17;
	v18 =	vmul.f32 $1.500000000e+01, v13  }
0xde: {  	v19 =	vadd.s32 v2, v8;
	v20 =	vmul.f32 $1.500000000e+01, v15  }
0xdf: {  	v16 =	vld.idx.msk [tilespmem:v16+s13+$0x0], $0xffff;
	v17 =	vadd.s32 v2, v17;
	v18 =	vtrunc.f32 v18;
	v21 =	vmul.f32 $1.500000000e+01, v5  }
0xe0: {  	v8 =	vld [tilespmem:s16+$0x0];
	v18 =	vcvt.f32.s32 v18;
	v20 =	vtrunc.f32 v20  }
0xe1: {  	v20 =	vcvt.f32.s32 v20;
	v21 =	vtrunc.f32 v21  }
0xe2: {  	v22 =	vmul.f32 $1.500000000e+01, v6;
	v18 =	vadd.s32 v2, v18;
	v23 =	vmul.f32 $1.500000000e+01, v7;
	[tilespmem:v14+s22+$0x0] =	vst.idx.add.f32.msk $0xffff, v10  }
0xe3: {  	v10 =	vcvt.f32.s32 v21;
	v20 =	vadd.s32 v2, v20;
	[tilespmem:v19+s23+$0x0] =	vst.idx.add.f32.msk $0xffff, v11  }
.Ltmp6:
0xe4: {  	v11 =	vtrunc.f32 v22;
	v14 =	vtrunc.f32 v23;
	[tilespmem:v17+s24+$0x0] =	vst.idx.add.f32.msk $0xffff, v12;
	(pc) =	sbr.rel @p2 .LBB2_10-.Ltmp6, $4  }
0xe5: {  	v10 =	vadd.s32 v2, v10;
	v19 =	vmul.f32 $1.500000000e+01, v16;
	v17 =	vmul.f32 $1.500000000e+01, v8  }
0xe6: {  	v11 =	vcvt.f32.s32 v11;
	vm1 =	vgt.f32 v16, $0.0e+00;
	v12 =	vcvt.f32.s32 v14  }
0xe7: {  	v16 =	vtrunc.f32 v19;
	v14 =	vtrunc.f32 v17;
	[tilespmem:v18+s25+$0x0] =	vst.idx.add.f32.msk $0xffff, v13  }
0xe8: {  	s11 =	sadd.s32 $0x1, s11;
	s14 =	sadd.s32 $0x20, s14;
	v11 =	vadd.s32 v2, v11;
	v13 =	vcvt.f32.s32 v16;
	v14 =	vcvt.f32.s32 v14;
	[tilespmem:v20+s26+$0x0] =	vst.idx.add.f32.msk $0xffff, v15  }
0xe9: {  	_ = 	snop  }
0xea: {  	v12 =	vadd.s32 v2, v12  }
0xeb: {  	vm0 =	vmand vm0, vm1;
	v14 =	vadd.s32 v2, v14;
	v9 =	vadd.s32 v13, v9  }
0xec: {  	v9 =	vadd.s32 v3, v9  }
0xed: {  	[tilespmem:v10+s28+$0x0] =	vst.idx.add.f32.msk $0xffff, v5  }
0xee: {  	[tilespmem:v11+s29+$0x0] =	vst.idx.add.f32.msk $0xffff, v6  }
0xef: {  	[tilespmem:v12+s30+$0x0] =	vst.idx.add.f32.msk $0xffff, v7  }
0xf0: {  	s0 =	sadd.s32 $0x10, s10;
	[tilespmem:v14+s31+$0x0] =	vst.idx.add.f32.msk $0xffff, v8  }
0xf1: {  	s3 =	sand.u32 $0x70, s0;
	[tilespmem:v9+s20+$0x0] =	vst.idx.add.f32.msk vm0, v4  }
0xf2: {  	s1 =	sor.u32 s3, s1;
	v5 =	vld [tilespmem:s7+$0x0]  }
0xf3: {  	v6 =	vld [tilespmem:s1+$0x0]  }
0xf4: {  	v8 =	vld [tilespmem:s1+$0x100]  }
0xf5: {  	v9 =	vld [tilespmem:s1+$0x180]  }
0xf6: {  	v11 =	vld [tilespmem:s1+$0x200]  }
0xf7: {  	s16 =	sor.u32 $0x300, s5;
	v12 =	vld [tilespmem:s1+$0x280]  }
0xf8: {  	s17 =	sor.u32 $0x380, s5;
	v7 =	vmov s0;
	v15 =	vld [tilespmem:s16+$0x8000]  }
0xf9: {  	v54 =	vor.u32 s0, v1;
	s18 =	sor.u32 s3, s2;
	v7 =	vshll.u32 v7, $0x3;
	v18 =	vld [tilespmem:s17+$0x8000]  }
0xfa: {  	v10 =	vand.u32 $0x7F, v54;
	s19 =	sor.u32 s3, s4;
	v7 =	vand.u32 $0x3C00, v7;
	v19 =	vld [tilespmem:s18+$0x0]  }
0xfb: {  	v7 =	vor.u32 v7, v10;
	v20 =	vld [tilespmem:s19+$0x0];
	v55 =	vshll.u32 v5, $0xB;
	v56 =	vshll.u32 v5, $0x7  }
0xfc: {  	v57 =	vmul.f32 $1.500000000e+01, v6;
	v58 =	vmul.f32 $1.500000000e+01, v8;
	v13 =	vand.u32 $0xFFFFC000, v55  }
0xfd: {  	v59 =	vmul.f32 $1.500000000e+01, v9;
	v14 =	vand.u32 $0x380, v56;
	v7 =	vor.u32 v13, v7  }
0xfe: {  	v16 =	vmul.f32 $1.500000000e+01, v11;
	v17 =	vmul.f32 $1.500000000e+01, v12;
	v7 =	vor.u32 v14, v7  }
0xff: {  	v21 =	vmul.f32 $1.500000000e+01, v15;
	v22 =	vmul.f32 $1.500000000e+01, v18  }
0x100: {  	v23 =	vmul.f32 $1.500000000e+01, v19;
	v24 =	vmul.f32 $1.500000000e+01, v20  }
0x101: {  	v10 =	vtrunc.f32 v57;
	v16 =	vtrunc.f32 v16  }
0x102: {  	v17 =	vtrunc.f32 v17;
	v13 =	vtrunc.f32 v58  }
0x103: {  	v21 =	vtrunc.f32 v21;
	v10 =	vcvt.f32.s32 v10;
	v7 =	vld.idx.msk [tilespmem:v7+s13+$0x0], $0xffff  }
0x104: {  	v14 =	vtrunc.f32 v59;
	v13 =	vcvt.f32.s32 v13  }
0x105: {  	v22 =	vtrunc.f32 v22;
	v14 =	vcvt.f32.s32 v14;
	v10 =	vadd.s32 v2, v10  }
0x106: {  	v23 =	vtrunc.f32 v23;
	v16 =	vcvt.f32.s32 v16;
	v13 =	vadd.s32 v2, v13  }
0x107: {  	v17 =	vcvt.f32.s32 v17;
	v21 =	vcvt.f32.s32 v21;
	v14 =	vadd.s32 v2, v14  }
0x108: {  	v16 =	vadd.s32 v2, v16;
	vm14 =	vgt.f32 v7, $0.0e+00;
	v7 =	vmul.f32 $1.500000000e+01, v7  }
0x109: {  	v60 =	vtrunc.f32 v24;
	v22 =	vcvt.f32.s32 v22;
	v17 =	vadd.s32 v2, v17  }
0x10a: {  	v23 =	vcvt.f32.s32 v23;
	[tilespmem:v10+s22+$0x0] =	vst.idx.add.f32.msk $0xffff, v6;
	v6 =	vadd.s32 v2, v21;
	v7 =	vtrunc.f32 v7  }
0x10b: {  	v61 =	vadd.s32 v2, v22;
	v10 =	vcvt.f32.s32 v60;
	[tilespmem:v13+s23+$0x0] =	vst.idx.add.f32.msk $0xffff, v8;
	v7 =	vcvt.f32.s32 v7  }
0x10c: {  	v62 =	vshll.u32 v5, $0x4;
	vm15 =	vne.s32 v5, $0x1;
	v63 =	vadd.s32 v2, v23;
	[tilespmem:v14+s24+$0x0] =	vst.idx.add.f32.msk $0xffff, v9  }
0x10d: {  	[tilespmem:v16+s25+$0x0] =	vst.idx.add.f32.msk $0xffff, v11;
	vm0 =	vmand vm15, vm14;
	v5 =	vadd.s32 v7, v62;
	v7 =	vadd.s32 v2, v10  }
0x10e: {  	[tilespmem:v17+s26+$0x0] =	vst.idx.add.f32.msk $0xffff, v12;
	v5 =	vadd.s32 v3, v5  }
.Ltmp7:
0x10f: {  	[tilespmem:v6+s28+$0x0] =	vst.idx.add.f32.msk $0xffff, v15;
	(pc) =	sbr.rel .LBB2_12-.Ltmp7, $4  }
0x110: {  	[tilespmem:v61+s29+$0x0] =	vst.idx.add.f32.msk $0xffff, v18  }
0x111: {  	[tilespmem:v63+s30+$0x0] =	vst.idx.add.f32.msk $0xffff, v19  }
0x112: {  	s3 =	simm.s32 $0x1;
	s16 =	rddreg [dreg:$0x0];
	[tilespmem:v7+s31+$0x0] =	vst.idx.add.f32.msk $0xffff, v20  }
0x113: {  	s17 =	rddreg [dreg:$0x1];
	s18 =	simm.s32 $0x0;
	s19 =	simm.s32 $0x3;
	[tilespmem:v5+s21+$0x0] =	vst.idx.add.f32.msk vm0, v4  }
.LBB2_13:
.Ltmp8:
0x114: {  	(pc) =	sbr.rel @p0 .LBB2_17-.Ltmp8, $1  }
0x115: {  	_ =	sdelay $0x3  }
.Ltmp9:
0x116: {  	(pc) =	sbr.rel @p1 .LBB2_20-.Ltmp9, $2  }
0x117: {  	_ =	sdelay $0x2  }
0x118: {  	s5 =	sld [smem:$0x7FD]  }
0x119: {  	s1 =	simm.s32 $0x0;
	s0 =	rddreg [dreg:$0x15]  }
0x11a: {  	[tilespmem:s1], [sflag:$0x1] =	stream.linear.gather [hbm4b:s0+s1], $0x400, $0x38;
	[tilespmem:$0x13A00] =	vst v63  }
0x11b: {  	s12 =	rddreg [dreg:$0x1f];
	s2 =	simm.s32 $0x4000  }
0x11c: {  	[tilespmem:s2], [sflag:$0x1] =	stream.linear.gather [hbm4b:s12+s1], $0x400, $0x38;
	[tilespmem:$0x13A00] =	vst v63  }
0x11d: {  	s14 =	rddreg [dreg:$0x3];
	s15 =	simm.s32 $0x10000  }
0x11e: {  	[tilespmem:s15], [sflag:$0x3] =	stream.linear.gather [hbm4b:s14+s1], $0x80, $0x38;
	[tilespmem:$0x13A00] =	vst v63  }
0x11f: {  	_ =	swait.ge [sflag:s3], $0x800  }
0x120: {  	[sflag:s3] =	ssyncset.done $0x0  }
0x121: {  	[sflag:s3] =	ssyncadd.s32 $0xFFFFF800  }
0x122: {  	_ =	swait.ge [sflag:s19], $0x80  }
0x123: {  	[sflag:s19] =	ssyncset.done $0x0  }
0x124: {  	s2 =	simm.s32 $0x0;
	[sflag:s19] =	ssyncadd.s32 $0xFFFFFF80  }
.LBB2_16:
0x125: {  	s4 =	sshra.s32 s2, $0x2  }
0x126: {  	v5 =	vld [tilespmem:s4+$0x10000]  }
0x127: {  	v6 =	vld [tilespmem:s4+$0x0]  }
0x128: {  	v7 =	vld [tilespmem:s4+$0x100]  }
0x129: {  	v8 =	vld [tilespmem:s4+$0x180]  }
0x12a: {  	v9 =	vld [tilespmem:s4+$0x200]  }
0x12b: {  	v13 =	vld [tilespmem:s4+$0x280]  }
0x12c: {  	v14 =	vld [tilespmem:s4+$0x300]  }
0x12d: {  	v16 =	vld [tilespmem:s4+$0x380];
	v10 =	vshll.u32 v5, $0x7  }
0x12e: {  	v18 =	vld [tilespmem:s4+$0x4000];
	v11 =	vshll.u32 v5, $0xB;
	v10 =	vand.u32 $0x380, v10  }
0x12f: {  	v20 =	vld [tilespmem:s4+$0x4080];
	v11 =	vand.u32 $0xFFFFC000, v11;
	v10 =	vor.u32 s1, v10  }
0x130: {  	v12 =	vmul.f32 $1.500000000e+01, v6;
	v46 =	vmul.f32 $1.500000000e+01, v7;
	v10 =	vor.u32 v11, v10  }
0x131: {  	v15 =	vmul.f32 $1.500000000e+01, v8;
	v17 =	vmul.f32 $1.500000000e+01, v9;
	v10 =	vor.u32 v1, v10  }
0x132: {  	v19 =	vmul.f32 $1.500000000e+01, v13;
	v21 =	vmul.f32 $1.500000000e+01, v14  }
0x133: {  	v22 =	vmul.f32 $1.500000000e+01, v16;
	v23 =	vmul.f32 $1.500000000e+01, v18  }
0x134: {  	v24 =	vmul.f32 $1.500000000e+01, v20;
	v45 =	vtrunc.f32 v12  }
0x135: {  	v12 =	vtrunc.f32 v46;
	v15 =	vtrunc.f32 v15  }
0x136: {  	v17 =	vtrunc.f32 v17;
	v11 =	vcvt.f32.s32 v45;
	v10 =	vld.idx.msk [tilespmem:v10+s18+$0x0], $0xffff  }
0x137: {  	vm1 =	vne.s32 v5, $0x1;
	v19 =	vtrunc.f32 v19;
	v12 =	vcvt.f32.s32 v12  }
0x138: {  	v21 =	vtrunc.f32 v21;
	v15 =	vcvt.f32.s32 v15;
	v11 =	vadd.s32 v2, v11  }
0x139: {  	v22 =	vtrunc.f32 v22;
	v17 =	vcvt.f32.s32 v17;
	v12 =	vadd.s32 v2, v12  }
0x13a: {  	v23 =	vtrunc.f32 v23;
	v19 =	vcvt.f32.s32 v19;
	v15 =	vadd.s32 v2, v15  }
0x13b: {  	v21 =	vcvt.f32.s32 v21;
	v17 =	vadd.s32 v2, v17;
	v25 =	vmul.f32 $1.500000000e+01, v10  }
0x13c: {  	v24 =	vtrunc.f32 v24;
	v22 =	vcvt.f32.s32 v22;
	v19 =	vadd.s32 v2, v19  }
0x13d: {  	v23 =	vcvt.f32.s32 v23;
	v21 =	vadd.s32 v2, v21;
	[tilespmem:v11+s22+$0x0] =	vst.idx.add.f32.msk $0xffff, v6;
	v25 =	vtrunc.f32 v25  }
0x13e: {  	v47 =	vcvt.f32.s32 v24;
	v22 =	vadd.s32 v2, v22;
	[tilespmem:v12+s23+$0x0] =	vst.idx.add.f32.msk $0xffff, v7;
	v48 =	vcvt.f32.s32 v25  }
0x13f: {  	v5 =	vshll.u32 v5, $0x4;
	v6 =	vadd.s32 v2, v23;
	[tilespmem:v15+s24+$0x0] =	vst.idx.add.f32.msk $0xffff, v8;
	vm0 =	vgt.f32 v10, $0.0e+00  }
0x140: {  	v7 =	vadd.s32 v2, v47;
	[tilespmem:v17+s25+$0x0] =	vst.idx.add.f32.msk $0xffff, v9;
	vm0 =	vmand vm1, vm0;
	v5 =	vadd.s32 v48, v5  }
0x141: {  	[tilespmem:v19+s26+$0x0] =	vst.idx.add.f32.msk $0xffff, v13;
	v5 =	vadd.s32 v3, v5  }
0x142: {  	[tilespmem:v21+s28+$0x0] =	vst.idx.add.f32.msk $0xffff, v14  }
0x143: {  	[tilespmem:v22+s29+$0x0] =	vst.idx.add.f32.msk $0xffff, v16  }
0x144: {  	[tilespmem:v6+s30+$0x0] =	vst.idx.add.f32.msk $0xffff, v18  }
0x145: {  	[tilespmem:v7+s31+$0x0] =	vst.idx.add.f32.msk $0xffff, v20  }
0x146: {  	[tilespmem:v5+s20+$0x0] =	vst.idx.add.f32.msk vm0, v4  }
0x147: {  	v5 =	vld [tilespmem:s4+$0x10010]  }
0x148: {  	v6 =	vld [tilespmem:s4+$0x10]  }
0x149: {  	v7 =	vld [tilespmem:s4+$0x110]  }
0x14a: {  	v8 =	vld [tilespmem:s4+$0x190]  }
0x14b: {  	v9 =	vld [tilespmem:s4+$0x210]  }
0x14c: {  	v13 =	vld [tilespmem:s4+$0x290]  }
0x14d: {  	v14 =	vld [tilespmem:s4+$0x310]  }
0x14e: {  	v16 =	vld [tilespmem:s4+$0x390];
	v49 =	vshll.u32 v5, $0x7  }
0x14f: {  	s0 =	sadd.s32 $0x10, s1;
	v18 =	vld [tilespmem:s4+$0x4010];
	v50 =	vshll.u32 v5, $0xB;
	v10 =	vand.u32 $0x380, v49  }
0x150: {  	v20 =	vld [tilespmem:s4+$0x4090];
	v11 =	vand.u32 $0xFFFFC000, v50;
	v10 =	vor.u32 s0, v10  }
0x151: {  	v51 =	vmul.f32 $1.500000000e+01, v6;
	v53 =	vmul.f32 $1.500000000e+01, v7;
	v10 =	vor.u32 v11, v10  }
0x152: {  	v54 =	vmul.f32 $1.500000000e+01, v8;
	v55 =	vmul.f32 $1.500000000e+01, v9;
	v10 =	vor.u32 v1, v10  }
0x153: {  	v56 =	vmul.f32 $1.500000000e+01, v13;
	v57 =	vmul.f32 $1.500000000e+01, v14  }
0x154: {  	v58 =	vmul.f32 $1.500000000e+01, v16;
	v59 =	vmul.f32 $1.500000000e+01, v18  }
0x155: {  	v60 =	vmul.f32 $1.500000000e+01, v20;
	v52 =	vtrunc.f32 v51  }
0x156: {  	v12 =	vtrunc.f32 v53;
	v15 =	vtrunc.f32 v54  }
0x157: {  	v17 =	vtrunc.f32 v55;
	v11 =	vcvt.f32.s32 v52;
	v10 =	vld.idx.msk [tilespmem:v10+s18+$0x0], $0xffff  }
0x158: {  	vm15 =	vne.s32 v5, $0x1;
	v19 =	vtrunc.f32 v56;
	v12 =	vcvt.f32.s32 v12  }
0x159: {  	v21 =	vtrunc.f32 v57;
	v15 =	vcvt.f32.s32 v15;
	v11 =	vadd.s32 v2, v11  }
0x15a: {  	v22 =	vtrunc.f32 v58;
	v17 =	vcvt.f32.s32 v17;
	v12 =	vadd.s32 v2, v12  }
0x15b: {  	v23 =	vtrunc.f32 v59;
	v19 =	vcvt.f32.s32 v19;
	v15 =	vadd.s32 v2, v15  }
0x15c: {  	v21 =	vcvt.f32.s32 v21;
	v17 =	vadd.s32 v2, v17;
	v61 =	vmul.f32 $1.500000000e+01, v10  }
0x15d: {  	v24 =	vtrunc.f32 v60;
	v22 =	vcvt.f32.s32 v22;
	v19 =	vadd.s32 v2, v19  }
0x15e: {  	v23 =	vcvt.f32.s32 v23;
	v21 =	vadd.s32 v2, v21;
	[tilespmem:v11+s22+$0x0] =	vst.idx.add.f32.msk $0xffff, v6;
	v25 =	vtrunc.f32 v61  }
0x15f: {  	v62 =	vcvt.f32.s32 v24;
	v22 =	vadd.s32 v2, v22;
	[tilespmem:v12+s23+$0x0] =	vst.idx.add.f32.msk $0xffff, v7;
	v63 =	vcvt.f32.s32 v25  }
0x160: {  	v5 =	vshll.u32 v5, $0x4;
	v6 =	vadd.s32 v2, v23;
	[tilespmem:v15+s24+$0x0] =	vst.idx.add.f32.msk $0xffff, v8;
	vm14 =	vgt.f32 v10, $0.0e+00  }
0x161: {  	v7 =	vadd.s32 v2, v62;
	[tilespmem:v17+s25+$0x0] =	vst.idx.add.f32.msk $0xffff, v9;
	vm0 =	vmand vm15, vm14;
	v5 =	vadd.s32 v63, v5  }
0x162: {  	p2 =	sne.s32 s2, $0x180;
	[tilespmem:v19+s26+$0x0] =	vst.idx.add.f32.msk $0xffff, v13;
	v5 =	vadd.s32 v3, v5  }
.Ltmp10:
0x163: {  	[tilespmem:v21+s28+$0x0] =	vst.idx.add.f32.msk $0xffff, v14;
	(pc) =	sbr.rel @p2 .LBB2_16-.Ltmp10, $4  }
0x164: {  	[tilespmem:v22+s29+$0x0] =	vst.idx.add.f32.msk $0xffff, v16  }
0x165: {  	[tilespmem:v6+s30+$0x0] =	vst.idx.add.f32.msk $0xffff, v18  }
0x166: {  	[tilespmem:v7+s31+$0x0] =	vst.idx.add.f32.msk $0xffff, v20  }
0x167: {  	s2 =	sadd.s32 $0x80, s2;
	s1 =	sadd.s32 $0x20, s1;
	[tilespmem:v5+s21+$0x0] =	vst.idx.add.f32.msk vm0, v4  }
.Ltmp11:
0x168: {  	_ = 	snop;
	(pc) =	sbr.rel .LBB2_20-.Ltmp11, $1  }
0x169: {  	_ =	sdelay $0x3  }
.LBB2_17:
0x16a: {  	s0 =	rddreg [dreg:$0x1b]  }
0x16b: {  	s8 =	simm.s32 $0x0;
	s1 =	simm.s32 $0x4000;
	s10 =	rddreg [dreg:$0x1c]  }
0x16c: {  	s11 =	simm.s32 $0x10000;
	s21 =	simm.s32 $0x10010;
	s7 =	simm.s32 $0x20  }
0x16d: {  	s17 =	simm.s32 $0x2;
	s6 =	simm.s32 $0x0;
	s9 =	simm.s32 $0x1  }
0x16e: {  	[tilespmem:s8], [sflag:$0x1] =	stream.linear.gather [hbm4b:s0+s8], $0x1000, $0x38;
	[tilespmem:$0x13A00] =	vst v63  }
0x16f: {  	s0 =	sadd.s32 $0xF4280, s0;
	s12 =	sand.u32 $0x7, s8;
	s2 =	sand.u32 $0x60, s8  }
0x170: {  	[tilespmem:s1], [sflag:$0x1] =	stream.linear.gather [hbm4b:s0+s8], $0x1000, $0x38;
	[tilespmem:$0x13A00] =	vst v63  }
0x171: {  	s20 =	sand.u32 $0xC00, s8;
	s14 =	sand.u32 $0x3, s8;
	s16 =	sand.u32 $0x7, s17  }
0x172: {  	[tilespmem:s11], [sflag:$0x3] =	stream.linear.gather [hbm4b:s10+s8], $0x200, $0x38;
	[tilespmem:$0x13A00] =	vst v63  }
0x173: {  	s4 =	sor.u32 $0x4000, s20;
	s5 =	sor.u32 $0x4080, s20;
	_ =	swait.ge [sflag:s3], $0x2000  }
0x174: {  	s1 =	sor.u32 s8, s8;
	s0 =	sshll.u32 s12, $0x4;
	[sflag:s3] =	ssyncset.done $0x0  }
0x175: {  	s12 =	sor.u32 s2, s5;
	s0 =	sadd.s32 $0x0, s0;
	[sflag:s3] =	ssyncadd.s32 $0xFFFFE000  }
0x176: {  	s1 =	sor.u32 $0x380, s1;
	s0 =	sadd.s32 $0x10, s0;
	_ =	swait.ge [sflag:s19], $0x200  }
0x177: {  	s10 =	simm.s32 $0x40;
	s3 =	sshll.u32 s14, $0x5;
	[sflag:s19] =	ssyncset.done $0x0  }
0x178: {  	[dreg:$0xe] =	wrdreg s0;
	s0 =	sor.u32 s2, s20;
	[sflag:s19] =	ssyncadd.s32 $0xFFFFFE00  }
0x179: {  	v5 =	vmov s8;
	s14 =	sand.u32 $0x3, s9;
	[dreg:$0xc] =	wrdreg s4;
	s4 =	sor.u32 s2, s4;
	v9 =	vld [tilespmem:s0+$0x0]  }
0x17a: {  	v7 =	vor.u32 s8, v1;
	v5 =	vshll.u32 v5, $0x3;
	[dreg:$0xd] =	wrdreg s6;
	s15 =	sadd.s32 $0x0, s3;
	s3 =	sshll.u32 s16, $0x4;
	v6 =	vld [tilespmem:s21+$0xFFFFFFF0]  }
0x17b: {  	v7 =	vand.u32 $0x6F, v7;
	v5 =	vand.u32 $0xC00, v5;
	[dreg:$0xb] =	wrdreg s5;
	s2 =	sor.u32 $0x300, s15;
	s3 =	sadd.s32 $0x100, s3;
	v10 =	vld [tilespmem:s0+$0x180]  }
0x17c: {  	v8 =	vmov s7;
	v14 =	vor.u32 v5, v7;
	s19 =	simm.s32 $0x10030;
	s6 =	sadd.s32 $0x10, s3;
	s3 =	sshll.u32 s14, $0x5;
	v7 =	vld [tilespmem:s2+$0x0]  }
0x17d: {  	v8 =	vshll.u32 v8, $0x3;
	v5 =	vor.u32 s7, v1;
	s14 =	simm.s32 $0x10050;
	[dreg:$0x8] =	wrdreg s19;
	s19 =	simm.s32 $0x100;
	v12 =	vld [tilespmem:s0+$0x200]  }
0x17e: {  	v8 =	vand.u32 $0xC00, v8;
	v5 =	vand.u32 $0x6F, v5;
	v11 =	vld [tilespmem:s0+$0x100];
	[dreg:$0x5] =	wrdreg s6;
	s2 =	sand.u32 $0x60, s7;
	s8 =	sand.u32 $0xC00, s19;
	v13 =	vmul.f32 $1.500000000e+01, v9  }
0x17f: {  	v5 =	vor.u32 v8, v5;
	s16 =	sor.u32 s2, s8;
	s15 =	sor.u32 $0x4000, s8;
	[dreg:$0x9] =	wrdreg s8;
	v8 =	vshll.u32 v6, $0xB;
	v15 =	vshll.u32 v6, $0x7  }
0x180: {  	s6 =	sor.u32 $0x4080, s8;
	[dreg:$0x6] =	wrdreg s15;
	s8 =	sor.u32 s2, s15;
	v19 =	vmul.f32 $1.500000000e+01, v10;
	v8 =	vand.u32 $0xFFFFC000, v8;
	v16 =	vtrunc.f32 v13  }
0x181: {  	[dreg:$0x7] =	wrdreg s6;
	s15 =	sor.u32 s2, s6;
	s6 =	simm.s32 $0x100;
	v15 =	vand.u32 $0x380, v15;
	v13 =	vld [tilespmem:s0+$0x280];
	v8 =	vor.u32 v8, v14;
	v16 =	vcvt.f32.s32 v16  }
0x182: {  	s3 =	sadd.s32 $0x100, s3;
	[dreg:$0xa] =	wrdreg s6;
	v18 =	vmul.f32 $1.500000000e+01, v7;
	v20 =	vmul.f32 $1.500000000e+01, v12;
	v17 =	vor.u32 v15, v8;
	v15 =	vld [tilespmem:s4+$0x0];
	s4 =	simm.s32 $0x0  }
0x183: {  	s11 =	sor.u32 s7, s19;
	s5 =	sor.u32 $0x300, s3;
	v14 =	vld [tilespmem:s1+$0x0];
	v19 =	vtrunc.f32 v19;
	v8 =	vmul.f32 $1.500000000e+01, v11;
	[dreg:$0xf] =	wrdreg s4;
	v16 =	vadd.s32 v2, v16  }
.LBB2_18:
0x184: {  	_ = 	snop  }
0x185: {  	v19 =	vcvt.f32.s32 v19;
	v18 =	vtrunc.f32 v18  }
0x186: {  	s6 =	smov.u32 s10;
	v24 =	vld [tilespmem:s12+$0x0];
	v28 =	vshll.u32 v6, $0x4;
	v20 =	vtrunc.f32 v20;
	v8 =	vtrunc.f32 v8  }
0x187: {  	v17 =	vld.idx.msk [tilespmem:v17+s18+$0x0], $0xffff;
	v25 =	vmov s6;
	v26 =	vor.u32 s6, v1;
	v20 =	vcvt.f32.s32 v20  }
0x188: {  	v18 =	vcvt.f32.s32 v18;
	v19 =	vadd.s32 v2, v19;
	v25 =	vshll.u32 v25, $0x3  }
0x189: {  	v8 =	vcvt.f32.s32 v8;
	v25 =	vand.u32 $0xC00, v25;
	v21 =	vmul.f32 $1.500000000e+01, v13  }
0x18a: {  	v22 =	vmul.f32 $1.500000000e+01, v14;
	v23 =	vmul.f32 $1.500000000e+01, v15;
	v20 =	vadd.s32 v2, v20  }
0x18b: {  	v27 =	vadd.s32 v2, v8;
	v60 =	vmul.f32 $1.500000000e+01, v24;
	v21 =	vtrunc.f32 v21  }
0x18c: {  	[dreg:$0x14] =	wrdreg s8;
	v8 =	vand.u32 $0x6F, v26;
	v61 =	vmul.f32 $1.500000000e+01, v17;
	v21 =	vcvt.f32.s32 v21  }
0x18d: {  	[dreg:$0x12] =	wrdreg s5;
	s19 =	sadd.s32 $0x100, s19;
	v18 =	vadd.s32 v2, v18;
	v22 =	vtrunc.f32 v22;
	v23 =	vtrunc.f32 v23  }
0x18e: {  	s17 =	sadd.s32 $0x2, s17;
	s9 =	sadd.s32 $0x1, s9;
	s0 =	sor.u32 s6, s19;
	v22 =	vcvt.f32.s32 v22;
	v23 =	vcvt.f32.s32 v23;
	v21 =	vadd.s32 v2, v21  }
0x18f: {  	[tilespmem:v16+s22+$0x0] =	vst.idx.add.f32.msk $0xffff, v9;
	s3 =	sand.u32 $0x7, s17;
	s4 =	sand.u32 $0x60, s6;
	s1 =	sand.u32 $0xC00, s19;
	v8 =	vor.u32 v25, v8;
	v25 =	vtrunc.f32 v60;
	v26 =	vtrunc.f32 v61  }
0x190: {  	[dreg:$0x10] =	wrdreg s0;
	s0 =	sshll.u32 s3, $0x4;
	s2 =	sor.u32 s4, s1;
	v16 =	vcvt.f32.s32 v25;
	v9 =	vadd.s32 v2, v22;
	v22 =	vcvt.f32.s32 v26;
	[tilespmem:v27+s23+$0x0] =	vst.idx.add.f32.msk $0xffff, v11  }
0x191: {  	vm1 =	vne.s32 v6, $0x1;
	s0 =	sadd.s32 s19, s0;
	[dreg:$0x13] =	wrdreg s2;
	s2 =	sor.u32 $0x4000, s1;
	vm0 =	vgt.f32 v17, $0.0e+00;
	v11 =	vadd.s32 v2, v23;
	[tilespmem:v19+s24+$0x0] =	vst.idx.add.f32.msk $0xffff, v10  }
0x192: {  	s8 =	sand.u32 $0x3, s9;
	s5 =	sadd.s32 $0x10, s0;
	s3 =	sor.u32 s4, s2;
	vm0 =	vmand vm1, vm0;
	v6 =	vadd.s32 v2, v16;
	v10 =	vadd.s32 v22, v28;
	[tilespmem:v20+s25+$0x0] =	vst.idx.add.f32.msk $0xffff, v12  }
0x193: {  	s0 =	sshll.u32 s8, $0x5;
	s8 =	smov.u32 s7;
	s7 =	rddreg [dreg:$0xf];
	v10 =	vadd.s32 v3, v10;
	[tilespmem:v21+s26+$0x0] =	vst.idx.add.f32.msk $0xffff, v13  }
0x194: {  	s12 =	smov.u32 s15;
	s18 =	sor.u32 $0x4080, s1;
	[dreg:$0x11] =	wrdreg s3;
	[tilespmem:v18+s28+$0x0] =	vst.idx.add.f32.msk $0xffff, v7  }
0x195: {  	s15 =	sor.u32 s4, s18;
	s0 =	sadd.s32 s0, s19;
	s3 =	rddreg [dreg:$0xd];
	[tilespmem:v9+s29+$0x0] =	vst.idx.add.f32.msk $0xffff, v14  }
0x196: {  	[dreg:$0xd] =	wrdreg s8;
	s8 =	smov.u32 s11;
	s11 =	smov.u32 s6;
	[tilespmem:v11+s30+$0x0] =	vst.idx.add.f32.msk $0xffff, v15  }
0x197: {  	s6 =	simm.s32 $0x11100;
	s4 =	sor.u32 $0x300, s0;
	s0 =	sadd.s32 $0x10, s3;
	[tilespmem:v6+s31+$0x0] =	vst.idx.add.f32.msk $0xffff, v24  }
0x198: {  	s3 =	sand.u32 $0x70, s0;
	v7 =	vor.u32 s0, v1;
	v6 =	vmov s0;
	[tilespmem:v10+s6+$0x0] =	vst.idx.add.f32.msk vm0, v4;
	s6 =	sor.u32 s0, s7;
	s0 =	rddreg [dreg:$0xa]  }
0x199: {  	s7 =	smov.u32 s0;
	s0 =	sor.u32 s3, s20;
	s20 =	rddreg [dreg:$0xc]  }
0x19a: {  	v9 =	vld [tilespmem:s21+$0x0];
	s21 =	rddreg [dreg:$0xb]  }
0x19b: {  	[dreg:$0xf] =	wrdreg s7  }
0x19c: {  	s7 =	sor.u32 s3, s20;
	s3 =	sor.u32 s3, s21;
	s21 =	smov.u32 s19  }
0x19d: {  	[dreg:$0xa] =	wrdreg s21  }
0x19e: {  	s21 =	rddreg [dreg:$0x9]  }
0x19f: {  	s20 =	smov.u32 s21;
	s21 =	smov.u32 s1;
	s1 =	rddreg [dreg:$0x6]  }
0x1a0: {  	v10 =	vld [tilespmem:s0+$0x0];
	[dreg:$0x9] =	wrdreg s21  }
0x1a1: {  	v11 =	vld [tilespmem:s0+$0x100];
	s21 =	smov.u32 s1;
	s1 =	rddreg [dreg:$0xe]  }
0x1a2: {  	v12 =	vld [tilespmem:s0+$0x180];
	[dreg:$0xc] =	wrdreg s21  }
0x1a3: {  	v6 =	vshll.u32 v6, $0x3;
	v13 =	vld [tilespmem:s0+$0x200];
	s21 =	smov.u32 s2;
	s2 =	rddreg [dreg:$0x7]  }
0x1a4: {  	v7 =	vand.u32 $0x7F, v7;
	v6 =	vand.u32 $0xC00, v6;
	v16 =	vld [tilespmem:s0+$0x280];
	s0 =	sor.u32 $0x300, s1;
	s1 =	rddreg [dreg:$0x5]  }
0x1a5: {  	v6 =	vor.u32 v6, v7;
	v14 =	vshll.u32 v9, $0xB;
	[dreg:$0x6] =	wrdreg s21  }
0x1a6: {  	v15 =	vshll.u32 v9, $0x7;
	s21 =	smov.u32 s2;
	s2 =	rddreg [dreg:$0x8];
	v14 =	vand.u32 $0xFFFFC000, v14;
	v7 =	vmul.f32 $1.500000000e+01, v10  }
0x1a7: {  	v15 =	vand.u32 $0x380, v15;
	[dreg:$0xb] =	wrdreg s21;
	s21 =	smov.u32 s18;
	v6 =	vor.u32 v14, v6;
	v14 =	vmul.f32 $1.500000000e+01, v11  }
0x1a8: {  	v17 =	vld [tilespmem:s0+$0x0];
	[dreg:$0x7] =	wrdreg s21;
	s21 =	smov.u32 s2;
	s2 =	smov.u32 s14;
	v6 =	vor.u32 v15, v6;
	v7 =	vtrunc.f32 v7;
	v15 =	vmul.f32 $1.500000000e+01, v12  }
0x1a9: {  	v20 =	vld [tilespmem:s7+$0x0];
	[dreg:$0x8] =	wrdreg s2;
	s2 =	smov.u32 s1;
	v7 =	vcvt.f32.s32 v7;
	v14 =	vtrunc.f32 v14  }
0x1aa: {  	v19 =	vmul.f32 $1.500000000e+01, v13;
	[dreg:$0xe] =	wrdreg s2;
	s2 =	smov.u32 s5;
	s5 =	sor.u32 $0x380, s6;
	v14 =	vcvt.f32.s32 v14  }
0x1ab: {  	v21 =	vmul.f32 $1.500000000e+01, v16;
	v15 =	vtrunc.f32 v15;
	v18 =	vld [tilespmem:s5+$0x0];
	v7 =	vadd.s32 v2, v7  }
0x1ac: {  	v22 =	vld [tilespmem:s3+$0x0];
	s18 =	simm.s32 $0x0;
	v19 =	vtrunc.f32 v19;
	v15 =	vcvt.f32.s32 v15;
	v14 =	vadd.s32 v2, v14  }
0x1ad: {  	v19 =	vcvt.f32.s32 v19;
	v23 =	vmul.f32 $1.500000000e+01, v17;
	v6 =	vld.idx.msk [tilespmem:v6+s18+$0x0], $0xffff  }
0x1ae: {  	v63 =	vmul.f32 $1.500000000e+01, v20;
	v21 =	vtrunc.f32 v21;
	v15 =	vadd.s32 v2, v15  }
0x1af: {  	v21 =	vcvt.f32.s32 v21;
	v19 =	vadd.s32 v2, v19;
	v23 =	vtrunc.f32 v23  }
0x1b0: {  	v62 =	vmul.f32 $1.500000000e+01, v18;
	[tilespmem:v7+s22+$0x0] =	vst.idx.add.f32.msk $0xffff, v10;
	v7 =	vcvt.f32.s32 v23  }
0x1b1: {  	[tilespmem:v14+s23+$0x0] =	vst.idx.add.f32.msk $0xffff, v11;
	v11 =	vtrunc.f32 v63;
	v14 =	vmul.f32 $1.500000000e+01, v22  }
0x1b2: {  	vm15 =	vne.s32 v9, $0x1;
	v10 =	vtrunc.f32 v62;
	v23 =	vmul.f32 $1.500000000e+01, v6  }
0x1b3: {  	v21 =	vadd.s32 v2, v21;
	[tilespmem:v15+s24+$0x0] =	vst.idx.add.f32.msk $0xffff, v12;
	v11 =	vcvt.f32.s32 v11;
	v10 =	vcvt.f32.s32 v10  }
0x1b4: {  	v7 =	vadd.s32 v2, v7;
	[tilespmem:v19+s25+$0x0] =	vst.idx.add.f32.msk $0xffff, v13;
	v12 =	vtrunc.f32 v14;
	v13 =	vtrunc.f32 v23  }
0x1b5: {  	v12 =	vcvt.f32.s32 v12;
	v10 =	vadd.s32 v2, v10;
	v13 =	vcvt.f32.s32 v13  }
0x1b6: {  	vm14 =	vgt.f32 v6, $0.0e+00;
	v6 =	vshll.u32 v9, $0x4;
	v11 =	vadd.s32 v2, v11  }
0x1b7: {  	vm0 =	vmand vm15, vm14;
	v9 =	vadd.s32 v2, v12;
	v6 =	vadd.s32 v13, v6  }
0x1b8: {  	[tilespmem:v21+s26+$0x0] =	vst.idx.add.f32.msk $0xffff, v16;
	v6 =	vadd.s32 v3, v6  }
0x1b9: {  	[tilespmem:v7+s28+$0x0] =	vst.idx.add.f32.msk $0xffff, v17  }
0x1ba: {  	[tilespmem:v10+s29+$0x0] =	vst.idx.add.f32.msk $0xffff, v18  }
0x1bb: {  	[tilespmem:v11+s30+$0x0] =	vst.idx.add.f32.msk $0xffff, v20  }
0x1bc: {  	s6 =	simm.s32 $0x12100;
	[tilespmem:v9+s31+$0x0] =	vst.idx.add.f32.msk $0xffff, v22  }
0x1bd: {  	[tilespmem:v6+s6+$0x0] =	vst.idx.add.f32.msk vm0, v4  }
0x1be: {  	v9 =	vld [tilespmem:s16+$0x0]  }
0x1bf: {  	v6 =	vld [tilespmem:s21+$0xFFFFFFF0]  }
0x1c0: {  	v10 =	vld [tilespmem:s16+$0x180]  }
0x1c1: {  	s7 =	smov.u32 s11;
	s11 =	rddreg [dreg:$0x12];
	v11 =	vld [tilespmem:s16+$0x100]  }
0x1c2: {  	v7 =	vld [tilespmem:s11+$0x0]  }
0x1c3: {  	p2 =	seq.s32 s10, $0x1E0;
	s3 =	rddreg [dreg:$0x10];
	v12 =	vld [tilespmem:s16+$0x200];
	v14 =	vmul.f32 $1.500000000e+01, v9  }
.Ltmp12:
0x1c4: {  	s1 =	rddreg [dreg:$0x13];
	v15 =	vshll.u32 v6, $0xB;
	v16 =	vshll.u32 v6, $0x7;
	(pc) =	sbr.rel @!p2 .LBB2_18-.Ltmp12, $4  }
0x1c5: {  	[dreg:$0x5] =	wrdreg s2;
	v20 =	vmul.f32 $1.500000000e+01, v10;
	v15 =	vand.u32 $0xFFFFC000, v15;
	v17 =	vtrunc.f32 v14  }
0x1c6: {  	s5 =	smov.u32 s4;
	s2 =	sor.u32 $0x380, s8;
	s4 =	rddreg [dreg:$0x14];
	v13 =	vld [tilespmem:s16+$0x280];
	v16 =	vand.u32 $0x380, v16;
	v18 =	vor.u32 v15, v5;
	v19 =	vcvt.f32.s32 v17  }
0x1c7: {  	s10 =	sadd.s32 $0x20, s10;
	s14 =	sadd.s32 $0x20, s14;
	s6 =	rddreg [dreg:$0x11];
	v14 =	vld [tilespmem:s2+$0x0];
	v5 =	vmovc v8;
	v8 =	vmul.f32 $1.500000000e+01, v11;
	v17 =	vor.u32 v16, v18;
	v18 =	vmul.f32 $1.500000000e+01, v7  }
0x1c8: {  	s16 =	smov.u32 s1;
	s11 =	smov.u32 s3;
	s8 =	smov.u32 s6;
	v15 =	vld [tilespmem:s4+$0x0];
	v16 =	vadd.s32 v2, v19;
	v19 =	vtrunc.f32 v20;
	v20 =	vmul.f32 $1.500000000e+01, v12  }
0x1c9: {  	_ =	sdelay $0x1  }
0x1ca: {  	v18 =	vtrunc.f32 v18;
	v19 =	vcvt.f32.s32 v19  }
0x1cb: {  	v23 =	vld [tilespmem:s12+$0x0];
	v8 =	vtrunc.f32 v8;
	v20 =	vtrunc.f32 v20  }
0x1cc: {  	v17 =	vld.idx.msk [tilespmem:v17+s18+$0x0], $0xffff;
	v8 =	vcvt.f32.s32 v8;
	v18 =	vcvt.f32.s32 v18  }
0x1cd: {  	v21 =	vmul.f32 $1.500000000e+01, v13;
	v22 =	vmul.f32 $1.500000000e+01, v14  }
0x1ce: {  	v27 =	vshll.u32 v6, $0x4;
	v20 =	vcvt.f32.s32 v20;
	v24 =	vmul.f32 $1.500000000e+01, v15  }
0x1cf: {  	v8 =	vadd.s32 v2, v8;
	v21 =	vtrunc.f32 v21;
	v22 =	vtrunc.f32 v22  }
0x1d0: {  	v19 =	vadd.s32 v2, v19;
	v21 =	vcvt.f32.s32 v21;
	v25 =	vmul.f32 $1.500000000e+01, v23  }
0x1d1: {  	v20 =	vadd.s32 v2, v20;
	v26 =	vmul.f32 $1.500000000e+01, v17;
	v24 =	vtrunc.f32 v24  }
0x1d2: {  	v22 =	vcvt.f32.s32 v22;
	v24 =	vcvt.f32.s32 v24;
	v21 =	vadd.s32 v2, v21  }
0x1d3: {  	[tilespmem:v16+s22+$0x0] =	vst.idx.add.f32.msk $0xffff, v9;
	v18 =	vadd.s32 v2, v18;
	v25 =	vtrunc.f32 v25;
	v26 =	vtrunc.f32 v26  }
0x1d4: {  	v31 =	vadd.s32 v2, v22;
	v32 =	vcvt.f32.s32 v25;
	v33 =	vcvt.f32.s32 v26;
	[tilespmem:v8+s23+$0x0] =	vst.idx.add.f32.msk $0xffff, v11  }
0x1d5: {  	vm1 =	vne.s32 v6, $0x1;
	vm0 =	vgt.f32 v17, $0.0e+00;
	v34 =	vadd.s32 v2, v24;
	[tilespmem:v19+s24+$0x0] =	vst.idx.add.f32.msk $0xffff, v10  }
0x1d6: {  	vm0 =	vmand vm1, vm0;
	v6 =	vadd.s32 v2, v32;
	v35 =	vadd.s32 v33, v27;
	[tilespmem:v20+s25+$0x0] =	vst.idx.add.f32.msk $0xffff, v12  }
0x1d7: {  	v10 =	vadd.s32 v3, v35;
	[tilespmem:v21+s26+$0x0] =	vst.idx.add.f32.msk $0xffff, v13  }
0x1d8: {  	[tilespmem:v18+s28+$0x0] =	vst.idx.add.f32.msk $0xffff, v7  }
0x1d9: {  	[tilespmem:v31+s29+$0x0] =	vst.idx.add.f32.msk $0xffff, v14  }
0x1da: {  	s0 =	rddreg [dreg:$0xd];
	[tilespmem:v34+s30+$0x0] =	vst.idx.add.f32.msk $0xffff, v15  }
0x1db: {  	s4 =	simm.s32 $0x11100;
	s0 =	sadd.s32 $0x10, s0;
	[tilespmem:v6+s31+$0x0] =	vst.idx.add.f32.msk $0xffff, v23  }
0x1dc: {  	s1 =	sand.u32 $0x70, s0;
	[tilespmem:v10+s4+$0x0] =	vst.idx.add.f32.msk vm0, v4  }
0x1dd: {  	s2 =	sor.u32 s1, s20;
	v6 =	vld [tilespmem:s21+$0x0]  }
0x1de: {  	v7 =	vld [tilespmem:s2+$0x0]  }
0x1df: {  	v9 =	vld [tilespmem:s2+$0x100]  }
0x1e0: {  	v11 =	vld [tilespmem:s2+$0x180]  }
0x1e1: {  	s3 =	rddreg [dreg:$0xe];
	v36 =	vmov s0;
	v12 =	vld [tilespmem:s2+$0x200]  }
0x1e2: {  	v37 =	vor.u32 s0, v1;
	v8 =	vshll.u32 v36, $0x3;
	v41 =	vld [tilespmem:s2+$0x280];
	s2 =	sor.u32 $0x300, s3  }
0x1e3: {  	v8 =	vand.u32 $0xC00, v8;
	v10 =	vand.u32 $0x7F, v37;
	v45 =	vld [tilespmem:s2+$0x0]  }
0x1e4: {  	v8 =	vor.u32 v8, v10;
	v38 =	vshll.u32 v6, $0xB  }
0x1e5: {  	v39 =	vshll.u32 v6, $0x7;
	v40 =	vmul.f32 $1.500000000e+01, v7;
	v13 =	vand.u32 $0xFFFFC000, v38  }
0x1e6: {  	s21 =	rddreg [dreg:$0xf];
	v43 =	vmul.f32 $1.500000000e+01, v9;
	v42 =	vand.u32 $0x380, v39;
	v8 =	vor.u32 v13, v8  }
0x1e7: {  	s0 =	sor.u32 s0, s21;
	v46 =	vmul.f32 $1.500000000e+01, v11;
	v48 =	vmul.f32 $1.500000000e+01, v12;
	v8 =	vor.u32 v42, v8  }
0x1e8: {  	s6 =	rddreg [dreg:$0xc];
	s0 =	sor.u32 $0x380, s0;
	v49 =	vmul.f32 $1.500000000e+01, v41;
	v50 =	vmul.f32 $1.500000000e+01, v45  }
0x1e9: {  	s9 =	rddreg [dreg:$0xb];
	v47 =	vld [tilespmem:s0+$0x0];
	s0 =	sor.u32 s1, s6;
	v44 =	vtrunc.f32 v40;
	v13 =	vtrunc.f32 v43  }
0x1ea: {  	v19 =	vld [tilespmem:s0+$0x0];
	s0 =	sor.u32 s1, s9;
	v10 =	vtrunc.f32 v46;
	v18 =	vtrunc.f32 v48  }
0x1eb: {  	v21 =	vld [tilespmem:s0+$0x0];
	v20 =	vtrunc.f32 v49;
	v14 =	vcvt.f32.s32 v44  }
0x1ec: {  	v13 =	vcvt.f32.s32 v13;
	v10 =	vcvt.f32.s32 v10;
	v8 =	vld.idx.msk [tilespmem:v8+s18+$0x0], $0xffff  }
0x1ed: {  	vm11 =	vne.s32 v6, $0x1;
	v18 =	vcvt.f32.s32 v18;
	v20 =	vcvt.f32.s32 v20  }
0x1ee: {  	v51 =	vmul.f32 $1.500000000e+01, v47;
	v22 =	vtrunc.f32 v50;
	v14 =	vadd.s32 v2, v14  }
0x1ef: {  	v52 =	vmul.f32 $1.500000000e+01, v19;
	v22 =	vcvt.f32.s32 v22;
	v13 =	vadd.s32 v2, v13  }
0x1f0: {  	v23 =	vtrunc.f32 v51;
	v10 =	vadd.s32 v2, v10;
	v53 =	vmul.f32 $1.500000000e+01, v21  }
0x1f1: {  	v18 =	vadd.s32 v2, v18;
	v24 =	vtrunc.f32 v52;
	v54 =	vmul.f32 $1.500000000e+01, v8  }
0x1f2: {  	v20 =	vadd.s32 v2, v20;
	v23 =	vcvt.f32.s32 v23;
	v24 =	vcvt.f32.s32 v24  }
0x1f3: {  	v22 =	vadd.s32 v2, v22;
	v55 =	vtrunc.f32 v53;
	[tilespmem:v14+s22+$0x0] =	vst.idx.add.f32.msk $0xffff, v7;
	v56 =	vtrunc.f32 v54  }
0x1f4: {  	v58 =	vcvt.f32.s32 v55;
	v7 =	vadd.s32 v2, v23;
	[tilespmem:v13+s23+$0x0] =	vst.idx.add.f32.msk $0xffff, v9;
	v59 =	vcvt.f32.s32 v56  }
0x1f5: {  	v6 =	vshll.u32 v6, $0x4;
	v57 =	vadd.s32 v2, v24;
	[tilespmem:v10+s24+$0x0] =	vst.idx.add.f32.msk $0xffff, v11;
	vm10 =	vgt.f32 v8, $0.0e+00  }
0x1f6: {  	v60 =	vadd.s32 v2, v58;
	[tilespmem:v18+s25+$0x0] =	vst.idx.add.f32.msk $0xffff, v12;
	vm0 =	vmand vm11, vm10;
	v6 =	vadd.s32 v59, v6  }
0x1f7: {  	[tilespmem:v20+s26+$0x0] =	vst.idx.add.f32.msk $0xffff, v41;
	v6 =	vadd.s32 v3, v6  }
0x1f8: {  	[tilespmem:v22+s28+$0x0] =	vst.idx.add.f32.msk $0xffff, v45  }
0x1f9: {  	[tilespmem:v7+s29+$0x0] =	vst.idx.add.f32.msk $0xffff, v47  }
0x1fa: {  	[tilespmem:v57+s30+$0x0] =	vst.idx.add.f32.msk $0xffff, v19  }
0x1fb: {  	s3 =	simm.s32 $0x12100;
	[tilespmem:v60+s31+$0x0] =	vst.idx.add.f32.msk $0xffff, v21  }
0x1fc: {  	[tilespmem:v6+s3+$0x0] =	vst.idx.add.f32.msk vm0, v4  }
0x1fd: {  	s10 =	rddreg [dreg:$0x8];
	v6 =	vld [tilespmem:s16+$0x0]  }
0x1fe: {  	v7 =	vld [tilespmem:s10+$0xFFFFFFF0]  }
0x1ff: {  	v8 =	vld [tilespmem:s5+$0x0]  }
0x200: {  	v9 =	vld [tilespmem:s16+$0x100]  }
0x201: {  	v10 =	vld [tilespmem:s16+$0x180]  }
0x202: {  	v11 =	vld [tilespmem:s16+$0x200]  }
0x203: {  	s12 =	sor.u32 $0x380, s11;
	v63 =	vld [tilespmem:s16+$0x280]  }
0x204: {  	v29 =	vld [tilespmem:s12+$0x0]  }
0x205: {  	v17 =	vld [tilespmem:s8+$0x0];
	v62 =	vshll.u32 v7, $0xB  }
0x206: {  	v22 =	vld [tilespmem:s15+$0x0];
	v61 =	vmul.f32 $1.500000000e+01, v6;
	v28 =	vshll.u32 v7, $0x7;
	v13 =	vand.u32 $0xFFFFC000, v62  }
0x207: {  	v30 =	vmul.f32 $1.500000000e+01, v10;
	v15 =	vand.u32 $0x380, v28;
	v5 =	vor.u32 v13, v5  }
0x208: {  	v31 =	vmul.f32 $1.500000000e+01, v9;
	v32 =	vmul.f32 $1.500000000e+01, v8;
	v5 =	vor.u32 v15, v5  }
0x209: {  	v33 =	vmul.f32 $1.500000000e+01, v11;
	v34 =	vmul.f32 $1.500000000e+01, v63  }
0x20a: {  	v35 =	vmul.f32 $1.500000000e+01, v29;
	v36 =	vmul.f32 $1.500000000e+01, v17  }
0x20b: {  	v37 =	vmul.f32 $1.500000000e+01, v22;
	v12 =	vtrunc.f32 v61  }
0x20c: {  	v18 =	vtrunc.f32 v32;
	v19 =	vtrunc.f32 v33  }
0x20d: {  	v16 =	vtrunc.f32 v31;
	v12 =	vcvt.f32.s32 v12;
	v5 =	vld.idx.msk [tilespmem:v5+s18+$0x0], $0xffff  }
0x20e: {  	v39 =	vshll.u32 v7, $0x4;
	v15 =	vtrunc.f32 v30;
	v16 =	vcvt.f32.s32 v16  }
0x20f: {  	v20 =	vtrunc.f32 v34;
	v15 =	vcvt.f32.s32 v15;
	v12 =	vadd.s32 v2, v12  }
0x210: {  	v21 =	vtrunc.f32 v35;
	v19 =	vcvt.f32.s32 v19;
	v16 =	vadd.s32 v2, v16  }
0x211: {  	v23 =	vtrunc.f32 v36;
	v20 =	vcvt.f32.s32 v20;
	v15 =	vadd.s32 v2, v15  }
0x212: {  	v18 =	vcvt.f32.s32 v18;
	v19 =	vadd.s32 v2, v19;
	v38 =	vmul.f32 $1.500000000e+01, v5  }
0x213: {  	v24 =	vtrunc.f32 v37;
	v21 =	vcvt.f32.s32 v21;
	v20 =	vadd.s32 v2, v20  }
0x214: {  	v23 =	vcvt.f32.s32 v23;
	v18 =	vadd.s32 v2, v18;
	[tilespmem:v12+s22+$0x0] =	vst.idx.add.f32.msk $0xffff, v6;
	v25 =	vtrunc.f32 v38  }
0x215: {  	v40 =	vcvt.f32.s32 v24;
	v6 =	vadd.s32 v2, v21;
	[tilespmem:v16+s23+$0x0] =	vst.idx.add.f32.msk $0xffff, v9;
	v41 =	vcvt.f32.s32 v25  }
0x216: {  	vm13 =	vne.s32 v7, $0x1;
	v42 =	vadd.s32 v2, v23;
	[tilespmem:v15+s24+$0x0] =	vst.idx.add.f32.msk $0xffff, v10;
	vm12 =	vgt.f32 v5, $0.0e+00  }
0x217: {  	v5 =	vadd.s32 v2, v40;
	[tilespmem:v19+s25+$0x0] =	vst.idx.add.f32.msk $0xffff, v11;
	vm0 =	vmand vm13, vm12;
	v7 =	vadd.s32 v41, v39  }
0x218: {  	[tilespmem:v20+s26+$0x0] =	vst.idx.add.f32.msk $0xffff, v63;
	v7 =	vadd.s32 v3, v7  }
0x219: {  	[tilespmem:v18+s28+$0x0] =	vst.idx.add.f32.msk $0xffff, v8  }
0x21a: {  	[tilespmem:v6+s29+$0x0] =	vst.idx.add.f32.msk $0xffff, v29  }
0x21b: {  	[tilespmem:v42+s30+$0x0] =	vst.idx.add.f32.msk $0xffff, v17  }
0x21c: {  	s14 =	sadd.s32 $0x10, s7;
	[tilespmem:v5+s31+$0x0] =	vst.idx.add.f32.msk $0xffff, v22  }
0x21d: {  	s15 =	sand.u32 $0x70, s14;
	s16 =	rddreg [dreg:$0x9];
	[tilespmem:v7+s4+$0x0] =	vst.idx.add.f32.msk vm0, v4  }
0x21e: {  	s2 =	sor.u32 s15, s16;
	v5 =	vld [tilespmem:s10+$0x0]  }
0x21f: {  	v6 =	vld [tilespmem:s2+$0x0]  }
0x220: {  	v8 =	vld [tilespmem:s2+$0x100]  }
0x221: {  	s17 =	rddreg [dreg:$0xa];
	v10 =	vld [tilespmem:s2+$0x180]  }
0x222: {  	s0 =	sor.u32 s14, s17;
	v11 =	vld [tilespmem:s2+$0x200]  }
0x223: {  	s19 =	rddreg [dreg:$0x5];
	s0 =	sor.u32 $0x380, s0;
	v7 =	vmov s14;
	v15 =	vld [tilespmem:s2+$0x280]  }
0x224: {  	s20 =	rddreg [dreg:$0x6];
	v43 =	vor.u32 s14, v1;
	v7 =	vshll.u32 v7, $0x3;
	s2 =	sor.u32 $0x300, s19;
	v16 =	vld [tilespmem:s0+$0x0]  }
0x225: {  	v9 =	vand.u32 $0x7F, v43;
	s0 =	sor.u32 s15, s20;
	v7 =	vand.u32 $0xC00, v7;
	v50 =	vld [tilespmem:s2+$0x0]  }
0x226: {  	v18 =	vld [tilespmem:s0+$0x0];
	v7 =	vor.u32 v7, v9;
	v44 =	vshll.u32 v5, $0xB  }
0x227: {  	v45 =	vshll.u32 v5, $0x7;
	v46 =	vmul.f32 $1.500000000e+01, v6;
	v12 =	vand.u32 $0xFFFFC000, v44  }
0x228: {  	v48 =	vmul.f32 $1.500000000e+01, v8;
	v47 =	vand.u32 $0x380, v45;
	v7 =	vor.u32 v12, v7  }
0x229: {  	s21 =	rddreg [dreg:$0x7];
	v51 =	vmul.f32 $1.500000000e+01, v10;
	v52 =	vmul.f32 $1.500000000e+01, v11;
	v7 =	vor.u32 v47, v7  }
0x22a: {  	s0 =	sor.u32 s15, s21;
	v53 =	vmul.f32 $1.500000000e+01, v15;
	v55 =	vmul.f32 $1.500000000e+01, v16  }
0x22b: {  	v20 =	vld [tilespmem:s0+$0x0];
	v54 =	vmul.f32 $1.500000000e+01, v50;
	v56 =	vmul.f32 $1.500000000e+01, v18  }
0x22c: {  	v49 =	vtrunc.f32 v46;
	v12 =	vtrunc.f32 v48  }
0x22d: {  	v9 =	vtrunc.f32 v51;
	v17 =	vtrunc.f32 v52  }
0x22e: {  	v19 =	vtrunc.f32 v53;
	v13 =	vcvt.f32.s32 v49;
	v7 =	vld.idx.msk [tilespmem:v7+s18+$0x0], $0xffff  }
0x22f: {  	vm15 =	vne.s32 v5, $0x1;
	v22 =	vtrunc.f32 v55;
	v12 =	vcvt.f32.s32 v12  }
0x230: {  	v57 =	vmul.f32 $1.500000000e+01, v20;
	v9 =	vcvt.f32.s32 v9;
	v13 =	vadd.s32 v2, v13  }
0x231: {  	v17 =	vcvt.f32.s32 v17;
	v19 =	vcvt.f32.s32 v19;
	v12 =	vadd.s32 v2, v12  }
0x232: {  	v21 =	vtrunc.f32 v54;
	v23 =	vtrunc.f32 v56;
	v9 =	vadd.s32 v2, v9  }
0x233: {  	v21 =	vcvt.f32.s32 v21;
	v17 =	vadd.s32 v2, v17;
	v58 =	vmul.f32 $1.500000000e+01, v7  }
0x234: {  	v22 =	vcvt.f32.s32 v22;
	v23 =	vcvt.f32.s32 v23;
	v19 =	vadd.s32 v2, v19  }
0x235: {  	v59 =	vtrunc.f32 v57;
	v21 =	vadd.s32 v2, v21;
	[tilespmem:v13+s22+$0x0] =	vst.idx.add.f32.msk $0xffff, v6;
	v60 =	vtrunc.f32 v58  }
0x236: {  	v62 =	vcvt.f32.s32 v59;
	v6 =	vadd.s32 v2, v22;
	[tilespmem:v12+s23+$0x0] =	vst.idx.add.f32.msk $0xffff, v8;
	v63 =	vcvt.f32.s32 v60  }
0x237: {  	v5 =	vshll.u32 v5, $0x4;
	v61 =	vadd.s32 v2, v23;
	[tilespmem:v9+s24+$0x0] =	vst.idx.add.f32.msk $0xffff, v10;
	vm14 =	vgt.f32 v7, $0.0e+00  }
0x238: {  	[tilespmem:v17+s25+$0x0] =	vst.idx.add.f32.msk $0xffff, v11;
	v7 =	vadd.s32 v2, v62;
	vm0 =	vmand vm15, vm14;
	v5 =	vadd.s32 v63, v5  }
0x239: {  	[tilespmem:v19+s26+$0x0] =	vst.idx.add.f32.msk $0xffff, v15;
	v5 =	vadd.s32 v3, v5  }
0x23a: {  	[tilespmem:v21+s28+$0x0] =	vst.idx.add.f32.msk $0xffff, v50  }
0x23b: {  	s17 =	rddreg [dreg:$0x1];
	[tilespmem:v6+s29+$0x0] =	vst.idx.add.f32.msk $0xffff, v16  }
0x23c: {  	s5 =	sld [smem:$0x7FD];
	[tilespmem:v61+s30+$0x0] =	vst.idx.add.f32.msk $0xffff, v18  }
0x23d: {  	s16 =	rddreg [dreg:$0x0];
	s19 =	simm.s32 $0x3;
	[tilespmem:v7+s31+$0x0] =	vst.idx.add.f32.msk $0xffff, v20  }
0x23e: {  	s20 =	simm.s32 $0x11100;
	s21 =	simm.s32 $0x12100;
	[tilespmem:v5+s3+$0x0] =	vst.idx.add.f32.msk vm0, v4;
	s3 =	simm.s32 $0x1  }
.LBB2_20:
0x23f: {  	s0 =	simm.s32 $0x13100  }
0x240: {  	v7 =	vld [tilespmem:s0+$0x0]  }
0x241: {  	s15 =	simm.s32 $0x0  }
0x242: {  	v5 =	vld [tilespmem:s15+$0x11100];
	_ =	sdelay $0x1  }
0x243: {  	v8 =	vimm.f32 $0.0e+00;
	v6 =	vld [tilespmem:s15+$0x12100]  }
0x244: {  	s1 =	simm.s32 $0x400;
	s2 =	simm.s32 $0x13110;
	v7 =	vadd.f32 v7, v8  }
.LBB2_21:
0x245: {  	v8 =	vld [tilespmem:s2+$0x0];
	p2 =	sne.s32 s1, $0x3C00;
	s0 =	smov.u32 s1;
	s1 =	sadd.s32 $0x400, s1  }
.Ltmp13:
0x246: {  	s0 =	sshra.s32 s0, $0x2;
	v7 =	vadd.f32 v5, v7;
	(pc) =	sbr.rel @p2 .LBB2_21-.Ltmp13, $4  }
0x247: {  	v5 =	vld [tilespmem:s0+$0x11100]  }
0x248: {  	v7 =	vadd.f32 v6, v7  }
0x249: {  	v6 =	vld [tilespmem:s0+$0x12100]  }
0x24a: {  	s2 =	sadd.s32 $0x10, s2;
	v7 =	vadd.f32 v8, v7  }
0x24b: {  	_ = 	snop  }
0x24c: {  	v5 =	vadd.f32 v5, v7;
	_ =	sdelay $0x1  }
0x24d: {  	v7 =	vimm.f32 $0.0e+00;
	v5 =	vadd.f32 v6, v5  }
0x24e: {  	[tilespmem:$0x11010] =	vst v7  }
0x24f: {  	s0 =	simm.s32 $0x13200;
	[tilespmem:$0x11000] =	vst v5  }
0x250: {  	v8 =	vld [tilespmem:s0+$0x0]  }
0x251: {  	s15 =	simm.s32 $0x0  }
0x252: {  	v5 =	vld [tilespmem:s15+$0x11120];
	_ =	sdelay $0x1  }
0x253: {  	v6 =	vld [tilespmem:s15+$0x12120]  }
0x254: {  	s1 =	simm.s32 $0x400;
	s2 =	simm.s32 $0x13210;
	v7 =	vadd.f32 v8, v7  }
.LBB2_23:
0x255: {  	v8 =	vld [tilespmem:s2+$0x0];
	p2 =	sne.s32 s1, $0x3C00;
	s0 =	smov.u32 s1;
	s1 =	sadd.s32 $0x400, s1  }
.Ltmp14:
0x256: {  	s0 =	sshra.s32 s0, $0x2;
	v7 =	vadd.f32 v5, v7;
	(pc) =	sbr.rel @p2 .LBB2_23-.Ltmp14, $4  }
0x257: {  	v5 =	vld [tilespmem:s0+$0x11120]  }
0x258: {  	v7 =	vadd.f32 v6, v7  }
0x259: {  	v6 =	vld [tilespmem:s0+$0x12120]  }
0x25a: {  	s2 =	sadd.s32 $0x10, s2;
	v7 =	vadd.f32 v8, v7  }
0x25b: {  	_ = 	snop  }
0x25c: {  	v5 =	vadd.f32 v5, v7;
	_ =	sdelay $0x1  }
0x25d: {  	v5 =	vadd.f32 v6, v5;
	_ =	sdelay $0x1  }
0x25e: {  	s0 =	simm.s32 $0x13300;
	[tilespmem:$0x11020] =	vst v5  }
0x25f: {  	v7 =	vld [tilespmem:s0+$0x0]  }
0x260: {  	s15 =	simm.s32 $0x0  }
0x261: {  	v5 =	vld [tilespmem:s15+$0x11130];
	_ =	sdelay $0x1  }
0x262: {  	v8 =	vimm.f32 $0.0e+00;
	v6 =	vld [tilespmem:s15+$0x12130]  }
0x263: {  	s1 =	simm.s32 $0x400;
	s2 =	simm.s32 $0x13310;
	v7 =	vadd.f32 v7, v8  }
.LBB2_25:
0x264: {  	v8 =	vld [tilespmem:s2+$0x0];
	p2 =	sne.s32 s1, $0x3C00;
	s0 =	smov.u32 s1;
	s1 =	sadd.s32 $0x400, s1  }
.Ltmp15:
0x265: {  	s0 =	sshra.s32 s0, $0x2;
	v7 =	vadd.f32 v5, v7;
	(pc) =	sbr.rel @p2 .LBB2_25-.Ltmp15, $4  }
0x266: {  	v5 =	vld [tilespmem:s0+$0x11130]  }
0x267: {  	v7 =	vadd.f32 v6, v7  }
0x268: {  	v6 =	vld [tilespmem:s0+$0x12130]  }
0x269: {  	s2 =	sadd.s32 $0x10, s2;
	v7 =	vadd.f32 v8, v7  }
0x26a: {  	_ = 	snop  }
0x26b: {  	v5 =	vadd.f32 v5, v7;
	_ =	sdelay $0x1  }
0x26c: {  	v5 =	vadd.f32 v6, v5;
	_ =	sdelay $0x1  }
0x26d: {  	s0 =	simm.s32 $0x13400;
	[tilespmem:$0x11030] =	vst v5  }
0x26e: {  	v7 =	vld [tilespmem:s0+$0x0]  }
0x26f: {  	s15 =	simm.s32 $0x0  }
0x270: {  	v5 =	vld [tilespmem:s15+$0x11140];
	_ =	sdelay $0x1  }
0x271: {  	v8 =	vimm.f32 $0.0e+00;
	v6 =	vld [tilespmem:s15+$0x12140]  }
0x272: {  	s1 =	simm.s32 $0x400;
	s2 =	simm.s32 $0x13410;
	v7 =	vadd.f32 v7, v8  }
.LBB2_27:
0x273: {  	v8 =	vld [tilespmem:s2+$0x0];
	p2 =	sne.s32 s1, $0x3C00;
	s0 =	smov.u32 s1;
	s1 =	sadd.s32 $0x400, s1  }
.Ltmp16:
0x274: {  	s0 =	sshra.s32 s0, $0x2;
	v7 =	vadd.f32 v5, v7;
	(pc) =	sbr.rel @p2 .LBB2_27-.Ltmp16, $4  }
0x275: {  	v5 =	vld [tilespmem:s0+$0x11140]  }
0x276: {  	v7 =	vadd.f32 v6, v7  }
0x277: {  	v6 =	vld [tilespmem:s0+$0x12140]  }
0x278: {  	s2 =	sadd.s32 $0x10, s2;
	v7 =	vadd.f32 v8, v7  }
0x279: {  	_ = 	snop  }
0x27a: {  	v5 =	vadd.f32 v5, v7;
	_ =	sdelay $0x1  }
0x27b: {  	v5 =	vadd.f32 v6, v5;
	_ =	sdelay $0x1  }
0x27c: {  	s0 =	simm.s32 $0x13500;
	[tilespmem:$0x11040] =	vst v5  }
0x27d: {  	v7 =	vld [tilespmem:s0+$0x0]  }
0x27e: {  	s15 =	simm.s32 $0x0  }
0x27f: {  	v5 =	vld [tilespmem:s15+$0x11150];
	_ =	sdelay $0x1  }
0x280: {  	v8 =	vimm.f32 $0.0e+00;
	v6 =	vld [tilespmem:s15+$0x12150]  }
0x281: {  	s1 =	simm.s32 $0x400;
	s2 =	simm.s32 $0x13510;
	v7 =	vadd.f32 v7, v8  }
.LBB2_29:
0x282: {  	v8 =	vld [tilespmem:s2+$0x0];
	p2 =	sne.s32 s1, $0x3C00;
	s0 =	smov.u32 s1;
	s1 =	sadd.s32 $0x400, s1  }
.Ltmp17:
0x283: {  	s0 =	sshra.s32 s0, $0x2;
	v7 =	vadd.f32 v5, v7;
	(pc) =	sbr.rel @p2 .LBB2_29-.Ltmp17, $4  }
0x284: {  	v5 =	vld [tilespmem:s0+$0x11150]  }
0x285: {  	v7 =	vadd.f32 v6, v7  }
0x286: {  	v6 =	vld [tilespmem:s0+$0x12150]  }
0x287: {  	s2 =	sadd.s32 $0x10, s2;
	v7 =	vadd.f32 v8, v7  }
0x288: {  	_ = 	snop  }
0x289: {  	v5 =	vadd.f32 v5, v7;
	_ =	sdelay $0x1  }
0x28a: {  	v5 =	vadd.f32 v6, v5;
	_ =	sdelay $0x1  }
0x28b: {  	s0 =	simm.s32 $0x13600;
	[tilespmem:$0x11050] =	vst v5  }
0x28c: {  	v7 =	vld [tilespmem:s0+$0x0]  }
0x28d: {  	s15 =	simm.s32 $0x0  }
0x28e: {  	v5 =	vld [tilespmem:s15+$0x11160];
	_ =	sdelay $0x1  }
0x28f: {  	v8 =	vimm.f32 $0.0e+00;
	v6 =	vld [tilespmem:s15+$0x12160]  }
0x290: {  	s1 =	simm.s32 $0x400;
	s2 =	simm.s32 $0x13610;
	v7 =	vadd.f32 v7, v8  }
.LBB2_31:
0x291: {  	v8 =	vld [tilespmem:s2+$0x0];
	p2 =	sne.s32 s1, $0x3C00;
	s0 =	smov.u32 s1;
	s1 =	sadd.s32 $0x400, s1  }
.Ltmp18:
0x292: {  	s0 =	sshra.s32 s0, $0x2;
	v7 =	vadd.f32 v5, v7;
	(pc) =	sbr.rel @p2 .LBB2_31-.Ltmp18, $4  }
0x293: {  	v5 =	vld [tilespmem:s0+$0x11160]  }
0x294: {  	v7 =	vadd.f32 v6, v7  }
0x295: {  	v6 =	vld [tilespmem:s0+$0x12160]  }
0x296: {  	s2 =	sadd.s32 $0x10, s2;
	v7 =	vadd.f32 v8, v7  }
0x297: {  	_ = 	snop  }
0x298: {  	v5 =	vadd.f32 v5, v7;
	_ =	sdelay $0x1  }
0x299: {  	v5 =	vadd.f32 v6, v5;
	_ =	sdelay $0x1  }
0x29a: {  	s0 =	simm.s32 $0x13700;
	[tilespmem:$0x11060] =	vst v5  }
0x29b: {  	v7 =	vld [tilespmem:s0+$0x0]  }
0x29c: {  	s15 =	simm.s32 $0x0  }
0x29d: {  	v5 =	vld [tilespmem:s15+$0x11170];
	_ =	sdelay $0x1  }
0x29e: {  	v8 =	vimm.f32 $0.0e+00;
	v6 =	vld [tilespmem:s15+$0x12170]  }
0x29f: {  	s1 =	simm.s32 $0x400;
	s2 =	simm.s32 $0x13710;
	v7 =	vadd.f32 v7, v8  }
.LBB2_33:
0x2a0: {  	v8 =	vld [tilespmem:s2+$0x0];
	p2 =	sne.s32 s1, $0x3C00;
	s0 =	smov.u32 s1;
	s1 =	sadd.s32 $0x400, s1  }
.Ltmp19:
0x2a1: {  	s0 =	sshra.s32 s0, $0x2;
	v7 =	vadd.f32 v5, v7;
	(pc) =	sbr.rel @p2 .LBB2_33-.Ltmp19, $4  }
0x2a2: {  	v5 =	vld [tilespmem:s0+$0x11170]  }
0x2a3: {  	v7 =	vadd.f32 v6, v7  }
0x2a4: {  	v6 =	vld [tilespmem:s0+$0x12170]  }
0x2a5: {  	s2 =	sadd.s32 $0x10, s2;
	v7 =	vadd.f32 v8, v7  }
0x2a6: {  	_ = 	snop  }
0x2a7: {  	v5 =	vadd.f32 v5, v7;
	_ =	sdelay $0x1  }
0x2a8: {  	v5 =	vadd.f32 v6, v5;
	_ =	sdelay $0x1  }
0x2a9: {  	s0 =	simm.s32 $0x13800;
	[tilespmem:$0x11070] =	vst v5  }
0x2aa: {  	v7 =	vld [tilespmem:s0+$0x0]  }
0x2ab: {  	s15 =	simm.s32 $0x0  }
0x2ac: {  	v5 =	vld [tilespmem:s15+$0x11180];
	_ =	sdelay $0x1  }
0x2ad: {  	v8 =	vimm.f32 $0.0e+00;
	v6 =	vld [tilespmem:s15+$0x12180]  }
0x2ae: {  	s1 =	simm.s32 $0x400;
	s2 =	simm.s32 $0x13810;
	v7 =	vadd.f32 v7, v8  }
.LBB2_35:
0x2af: {  	v8 =	vld [tilespmem:s2+$0x0];
	p2 =	sne.s32 s1, $0x3C00;
	s0 =	smov.u32 s1;
	s1 =	sadd.s32 $0x400, s1  }
.Ltmp20:
0x2b0: {  	s0 =	sshra.s32 s0, $0x2;
	v7 =	vadd.f32 v5, v7;
	(pc) =	sbr.rel @p2 .LBB2_35-.Ltmp20, $4  }
0x2b1: {  	v5 =	vld [tilespmem:s0+$0x11180]  }
0x2b2: {  	v7 =	vadd.f32 v6, v7  }
0x2b3: {  	v6 =	vld [tilespmem:s0+$0x12180]  }
0x2b4: {  	s2 =	sadd.s32 $0x10, s2;
	v7 =	vadd.f32 v8, v7  }
0x2b5: {  	_ = 	snop  }
0x2b6: {  	v5 =	vadd.f32 v5, v7;
	_ =	sdelay $0x1  }
0x2b7: {  	v5 =	vadd.f32 v6, v5;
	_ =	sdelay $0x1  }
0x2b8: {  	s0 =	simm.s32 $0x13900;
	[tilespmem:$0x11080] =	vst v5  }
0x2b9: {  	v7 =	vld [tilespmem:s0+$0x0]  }
0x2ba: {  	s15 =	simm.s32 $0x0  }
0x2bb: {  	v5 =	vld [tilespmem:s15+$0x11190];
	_ =	sdelay $0x1  }
0x2bc: {  	v8 =	vimm.f32 $0.0e+00;
	v6 =	vld [tilespmem:s15+$0x12190]  }
0x2bd: {  	s1 =	simm.s32 $0x400;
	s2 =	simm.s32 $0x13910;
	v7 =	vadd.f32 v7, v8  }
.LBB2_37:
0x2be: {  	v8 =	vld [tilespmem:s2+$0x0];
	p2 =	sne.s32 s1, $0x3C00;
	s0 =	smov.u32 s1;
	s1 =	sadd.s32 $0x400, s1  }
.Ltmp21:
0x2bf: {  	s0 =	sshra.s32 s0, $0x2;
	v7 =	vadd.f32 v5, v7;
	(pc) =	sbr.rel @p2 .LBB2_37-.Ltmp21, $4  }
0x2c0: {  	v5 =	vld [tilespmem:s0+$0x11190]  }
0x2c1: {  	v7 =	vadd.f32 v6, v7  }
0x2c2: {  	v6 =	vld [tilespmem:s0+$0x12190]  }
0x2c3: {  	s2 =	sadd.s32 $0x10, s2;
	v7 =	vadd.f32 v8, v7  }
0x2c4: {  	[tilespmem:$0x110A0] =	vst v0  }
0x2c5: {  	[tilespmem:$0x110B0] =	vst v0  }
0x2c6: {  	[tilespmem:$0x110C0] =	vst v0;
	v5 =	vadd.f32 v5, v7  }
0x2c7: {  	[tilespmem:$0x110D0] =	vst v0  }
0x2c8: {  	[tilespmem:$0x110E0] =	vst v0;
	v5 =	vadd.f32 v6, v5  }
0x2c9: {  	[tilespmem:$0x110F0] =	vst v0  }
0x2ca: {  	s0 =	rddreg [dreg:$0x1d];
	s1 =	simm.s32 $0x11000;
	s14 =	simm.s32 $0x5;
	[tilespmem:$0x11090] =	vst v5  }
0x2cb: {  	[hbm4b:s0+s18] =	stream.linear.scatter [tilespmem:s1], [sflag:$0x5], $0x100, $0x38;
	[tilespmem:$0x13A00] =	vst v63  }
0x2cc: {  	_ =	swait.ge [sflag:s14], $0x100  }
0x2cd: {  	s5 =	sadd.s32 $0x1, s5;
	s15 =	rddreg [dreg:$0x1e]  }
0x2ce: {  	p2 =	sne.s32 s5, s15  }
.Ltmp22:
0x2cf: {  	_ = 	snop;
	(pc) =	sbr.rel @p2 .LBB2_1-.Ltmp22, $3  }
0x2d0: {  	_ =	sdelay $0x1  }
0x2d1: {  	[sflag:s14] =	ssyncset.done $0x0  }
0x2d2: {  	[sflag:s14] =	ssyncadd.s32 $0xFFFFFF00  }
0x2d3: {  	_ =	sfence.sel $0x180000  }
0x2d4: {  	[bflag:$0x0] =	sbarrier.arrive $0xFFFF  }
0x2d5: {  	_ =	strace $0x90000047  }
0x2d6: {  	s0 =	stileid.u32;
	[bflag:$0x2] =	sbarrier.arrive $0xFFFF  }
0x2d7: {  	p0 =	sne.s32 s0, $0x0;
	s0 =	rddreg [dreg:$0x4]  }
0x2d8: {  	s0 =	sadd.s32 @!p0 $0x100000, s0  }
0x2d9: {  	[sflag:s0] =	ssyncadd.tile.s32 @!p0 $0x1;
	_ =	shalt  }
.Lfunc_end2:
_tile_overlayer_lowered:
.L_overlay_start_2:
0x2da: {  	(tag) =	ssettag $0x2  }
0x2db: {  	s0 =	rddreg [dreg:$0x0];
	s2 =	stileid.u32  }
0x2dc: {  	s1 =	rddreg [dreg:$0x1];
	p0 =	sne.s32 s2, $0x0  }
0x2dd: {  	s3 =	rddreg [dreg:$0x2];
	[bflag:$0x3] =	sbarrier.arrive $0xFFFF;
	s2 =	simm.s32 @!p0 $0x1C05  }
0x2de: {  	[timem:s3], [sflag:s2] =	dma.local @!p0 [hbm:s0], s1  }
0x2df: {  	s0 =	simm.s32 @!p0 $0x5  }
0x2e0: {  	_ =	swait.ge @!p0 [sflag:s0], s1  }
0x2e1: {  	s1 =	ssub.s32 @!p0 $0x0, s1;
	[sflag:s0] =	ssyncset.done @!p0 $0x0  }
0x2e2: {  	[sflag:s0] =	ssyncadd.s32 @!p0 s1  }
0x2e3: {  	[bflag:$0x3] =	sbarrier.arrive $0xFFFF  }
0x2e4: {  	_ =	shalt  }

</sc_bundles>
